<compile_context>
chip_gen: v7x
topology: tpu7x:2x2x1
jax: 0.10.2.dev20260603
libtpu: 0.0.44.dev20260713+nightly
codegen_flags: <defaults>
</compile_context>

<pallas_src>
import functools

import jax
import jax.numpy as jnp
from jax import lax
from jax.experimental import pallas as pl
from jax.experimental.pallas import tpu as pltpu
from jax.experimental.pallas import tpu_sc as plsc

D = 32
BW = 512
LANES = 16


@functools.lru_cache(maxsize=None)
def _make_gather(batch: int, hist: int):
    info = plsc.get_sparse_core_info()
    nc, ns = info.num_cores, info.num_subcores
    nw = nc * ns
    assert batch // nw == BW and hist % 2 == 0
    n_pairs = hist // 2
    n_dtiles = D // 8
    tile_words = BW // 128 * 8 * 128
    dt_stride = (batch // 128) * 8 * 128
    h_stride = n_dtiles * dt_stride
    out_words = hist * h_stride

    mesh = plsc.VectorSubcoreMesh(core_axis_name="c", subcore_axis_name="s")

    @functools.partial(
        pl.kernel,
        mesh=mesh,
        out_type=jax.ShapeDtypeStruct((out_words,), jnp.float32),
        scratch_types=[
            pltpu.VMEM((BW * hist,), jnp.int32),
            pltpu.VMEM((BW,), jnp.int32),
            pltpu.VMEM((BW,), jnp.int32),
            pltpu.VMEM((BW, D), jnp.float32),
            pltpu.VMEM((BW, D), jnp.float32),
            pltpu.VMEM((tile_words * n_dtiles,), jnp.float32),
            pltpu.VMEM((tile_words * n_dtiles,), jnp.float32),
            pltpu.SemaphoreType.DMA,
            pltpu.SemaphoreType.DMA,
            pltpu.SemaphoreType.DMA,
            pltpu.SemaphoreType.DMA,
        ],
        compiler_params=pltpu.CompilerParams(
            use_tc_tiling_on_sc=False, needs_layout_passes=False
        ),
    )
    def k(idx_hbm, table_hbm, out_hbm, idx_blk, idx_a, idx_b,
          rows_a, rows_b, tiles_a, tiles_b, gsa, gsb, ssa, ssb):
        wid = lax.axis_index("s") * nc + lax.axis_index("c")
        lane = lax.iota(jnp.int32, LANES)
        lane_h = lane * hist
        out_base = wid * tile_words

        pltpu.sync_copy(idx_hbm.at[pl.ds(wid * (BW * hist), BW * hist)],
                        idx_blk)

        def repack(h, idxh):
            @plsc.parallel_loop(0, BW // LANES, unroll=4)
            def per_grp(g):
                vec = plsc.load_gather(idx_blk, [lane_h + (g * (LANES * hist) + h)])
                idxh[pl.ds(g * LANES, LANES)] = vec

        table2 = table_hbm

        repack(0, idx_a)
        repack(1, idx_b)
        pltpu.async_copy(table2.at[idx_a], rows_a, gsa)
        pltpu.async_copy(table2.at[idx_b], rows_b, gsb)

        def transpose(rows, tiles):
            @plsc.parallel_loop(0, BW // LANES, unroll=4)
            def per_seg(t):
                dst_base = (t // 8) * 1024 + (t % 8) * LANES
                bvec = lane + t * LANES
                for d in range(D):
                    vec = plsc.load_gather(
                        rows, [bvec, jnp.full((LANES,), d, jnp.int32)]
                    )
                    tiles[pl.ds(dst_base + (d // 8) * 4096 + (d % 8) * 128,
                                LANES)] = vec

        def pair(j, carry):
            for s, idxh, rows, tiles, gs, ss in (
                (0, idx_a, rows_a, tiles_a, gsa, ssa),
                (1, idx_b, rows_b, tiles_b, gsb, ssb),
            ):
                h = 2 * j + s
                pltpu.make_async_copy(
                    table2.at[idxh], rows, gs
                ).wait()

                @pl.when(j > 0)
                def _drain():
                    for dt in range(n_dtiles):
                        pltpu.make_async_copy(
                            tiles.at[pl.ds(dt * tile_words, tile_words)],
                            out_hbm.at[pl.ds(out_base, tile_words)],
                            ss,
                        ).wait()

                transpose(rows, tiles)
                for dt in range(n_dtiles):
                    pltpu.async_copy(
                        tiles.at[pl.ds(dt * tile_words, tile_words)],
                        out_hbm.at[
                            pl.ds(h * h_stride + dt * dt_stride + out_base,
                                  tile_words)
                        ],
                        ss,
                    )

                @pl.when(j < n_pairs - 1)
                def _next():
                    repack(h + 2, idxh)
                    pltpu.async_copy(table2.at[idxh], rows, gs)

            return carry

        lax.fori_loop(0, n_pairs, pair, 0)
        for tiles, ss in ((tiles_a, ssa), (tiles_b, ssb)):
            for dt in range(n_dtiles):
                pltpu.make_async_copy(
                    tiles.at[pl.ds(dt * tile_words, tile_words)],
                    out_hbm.at[pl.ds(out_base, tile_words)],
                    ss,
                ).wait()

    return k


def kernel(token_ids, weight):
    batch, hist = token_ids.shape
    flat_idx = token_ids.reshape(batch * hist).astype(jnp.int32)
    outbuf = _make_gather(batch, hist)(flat_idx, weight)
    out = (
        outbuf.reshape(hist, D // 8, batch // 128, 8, 128)
        .transpose(2, 4, 0, 1, 3)
        .reshape(batch, hist, D)
    )
    return out

# --- scband reference (transcript-rebuilt; emitter-appended) ---
"""Pipeline reference for scband-embedding-68891275428511 (READ-ONLY COPY).

The authoritative reference and input builder live on the scoring server;
editing this copy changes nothing except your own understanding.
"""

import jax, jax.numpy as jnp
import numpy as np

NUM_EMBEDDINGS = 1000000
EMBEDDING_DIM = 32
BATCH = 16384
HIST = 50

def setup_inputs(seed: int = 0) -> dict:
    key = jax.random.key(seed)
    k_idx, k_w = jax.random.split(key)
    token_ids = jax.random.randint(k_idx, (BATCH, HIST), 0, NUM_EMBEDDINGS, dtype=jnp.int64 if jax.config.jax_enable_x64 else jnp.int32)
    # trunc_normal_(mean=0, std=1, a=-3, b=3)
    weight = jax.random.truncated_normal(k_w, -3.0, 3.0, (NUM_EMBEDDINGS, EMBEDDING_DIM), dtype=jnp.float32)
    return {"token_ids": token_ids, "weight": weight}

def reference(token_ids, weight):
    # Embedding lookup: weight[token_ids]
    return jnp.take(weight, token_ids, axis=0)

if __name__ == "__main__":
    import jax
    _d = setup_inputs()
    print(jax.jit(kernel)(*tuple(_d.values())))

</pallas_src>

<mosaic_0001>
#map = affine_map<(d0, d1) -> (0)>
#map1 = affine_map<(d0, d1) -> (0, 0)>
module attributes {stable_mosaic.version = 14 : i64} {
  func.func @k(%arg0: i32, %arg1: i32, %arg2: memref<819200xi32, #tpu.memory_space<hbm>>, %arg3: memref<1000000x32xf32, #tpu.memory_space<hbm>>, %arg4: memref<26214400xf32, #tpu.memory_space<hbm>>, %arg5: memref<25600xi32, #tpu.memory_space<vmem>>, %arg6: memref<512xi32, #tpu.memory_space<vmem>>, %arg7: memref<512xi32, #tpu.memory_space<vmem>>, %arg8: memref<512x32xf32, #tpu.memory_space<vmem>>, %arg9: memref<512x32xf32, #tpu.memory_space<vmem>>, %arg10: memref<16384xf32, #tpu.memory_space<vmem>>, %arg11: memref<16384xf32, #tpu.memory_space<vmem>>, %arg12: memref<!tpu.dma_semaphore, #tpu.memory_space<semaphore_mem>>, %arg13: memref<!tpu.dma_semaphore, #tpu.memory_space<semaphore_mem>>, %arg14: memref<!tpu.dma_semaphore, #tpu.memory_space<semaphore_mem>>, %arg15: memref<!tpu.dma_semaphore, #tpu.memory_space<semaphore_mem>>) attributes {dimension_semantics = [#tpu.dimension_semantics<core_parallel>, #tpu.dimension_semantics<subcore_parallel>], iteration_bounds = array<i64: 2, 16>, scalar_prefetch = 0 : i64, scratch_operands = 11 : i64, tpu.core_type = #tpu.core_type<sc_vector_subcore>, window_params = [{transform_indices = #map}, {transform_indices = #map1}, {transform_indices = #map}]} {
    %mul3A = arith.constant 2 : i32
    %mul3A_0 = arith.muli %arg1, %mul3A : i32
    %add3A = arith.addi %mul3A_0, %arg0 : i32
    %iota3A = tpu.iota {dimensions = array<i32: 0>} : vector<16xi32>
    %mul3A_1 = arith.constant 50 : i32
    %mul3A_2 = vector.broadcast %mul3A_1 : i32 to vector<16xi32>
    %mul3A_3 = arith.muli %iota3A, %mul3A_2 : vector<16xi32>
    %mul3A_4 = arith.constant 4096 : i32
    %mul3A_5 = arith.muli %add3A, %mul3A_4 : i32
    %mul3A_6 = arith.constant 25600 : i32
    %mul3A_7 = arith.muli %add3A, %mul3A_6 : i32
    "tpu.region"() ({
      %run_scoped3A = tpu.sem_alloc : memref<!tpu.dma_semaphore, #tpu.memory_space<semaphore_mem>>
      %dma_start3A_70 = tpu.memref_slice %arg2[%mul3A_7] : memref<819200xi32, #tpu.memory_space<hbm>> -> memref<25600xi32, #tpu.memory_space<hbm>>
      %dma_start3A_71 = tpu.memref_slice %arg2[%mul3A_7] : memref<819200xi32, #tpu.memory_space<hbm>> -> memref<25600xi32, #tpu.memory_space<hbm>>
      tpu.enqueue_dma source(%dma_start3A_71 : memref<25600xi32, #tpu.memory_space<hbm>>) target(%arg5 : memref<25600xi32, #tpu.memory_space<vmem>>) target_semaphore(%run_scoped3A : memref<!tpu.dma_semaphore, #tpu.memory_space<semaphore_mem>>)
      %dma_wait3A_72 = tpu.memref_slice %arg2[%mul3A_7] : memref<819200xi32, #tpu.memory_space<hbm>> -> memref<25600xi32, #tpu.memory_space<hbm>>
      %dma_wait3A_73 = tpu.memref_slice %arg2[%mul3A_7] : memref<819200xi32, #tpu.memory_space<hbm>> -> memref<25600xi32, #tpu.memory_space<hbm>>
      tpu.wait_dma2 semaphore(%run_scoped3A : memref<!tpu.dma_semaphore, #tpu.memory_space<semaphore_mem>>) src(%dma_wait3A_73 : memref<25600xi32, #tpu.memory_space<hbm>>) dst(%arg5 : memref<25600xi32, #tpu.memory_space<vmem>>)
      tpu.yield
    }) : () -> ()
    %parallel_loop3A = arith.constant 0 : i32
    %parallel_loop3A_8 = arith.constant 32 : i32
    %parallel_loop3A_9 = arith.constant 1 : i32
    scf.for %parallel_loop3A_70 = %parallel_loop3A to %parallel_loop3A_8 step %parallel_loop3A_9  : i32 {
      %parallel_loop3A_71 = arith.constant 800 : i32
      %parallel_loop3A_72 = arith.muli %parallel_loop3A_70, %parallel_loop3A_71 : i32
      %parallel_loop3A_73 = arith.constant 0 : i32
      %parallel_loop3A_74 = arith.addi %parallel_loop3A_72, %parallel_loop3A_73 : i32
      %parallel_loop3A_75 = vector.broadcast %parallel_loop3A_74 : i32 to vector<16xi32>
      %parallel_loop3A_76 = arith.addi %mul3A_3, %parallel_loop3A_75 : vector<16xi32>
      %parallel_loop3A_77 = tpu.vector_load_idx %arg5[%parallel_loop3A_76] : memref<25600xi32, #tpu.memory_space<vmem>>[vector<16xi32>], vector<16xi32>,
      %parallel_loop3A_78 = arith.constant 16 : i32
      %parallel_loop3A_79 = arith.muli %parallel_loop3A_70, %parallel_loop3A_78 : i32
      %parallel_loop3A_80 = arith.index_cast %parallel_loop3A_79 : i32 to index
      %parallel_loop3A_81 = tpu.vector_load %arg6[%parallel_loop3A_80] {strides = array<i32>} : memref<512xi32, #tpu.memory_space<vmem>>, vector<16xi32>,
      tpu.vector_store %arg6[%parallel_loop3A_80], %parallel_loop3A_77 {strides = array<i32>} : memref<512xi32, #tpu.memory_space<vmem>>, vector<16xi32>,
    } {sc.loop_unroll_factor = 4 : i64, sc.parallel_access}
    %parallel_loop3A_10 = arith.constant 0 : i32
    %parallel_loop3A_11 = arith.constant 32 : i32
    %parallel_loop3A_12 = arith.constant 1 : i32
    scf.for %parallel_loop3A_70 = %parallel_loop3A_10 to %parallel_loop3A_11 step %parallel_loop3A_12  : i32 {
      %parallel_loop3A_71 = arith.constant 800 : i32
      %parallel_loop3A_72 = arith.muli %parallel_loop3A_70, %parallel_loop3A_71 : i32
      %parallel_loop3A_73 = arith.constant 1 : i32
      %parallel_loop3A_74 = arith.addi %parallel_loop3A_72, %parallel_loop3A_73 : i32
      %parallel_loop3A_75 = vector.broadcast %parallel_loop3A_74 : i32 to vector<16xi32>
      %parallel_loop3A_76 = arith.addi %mul3A_3, %parallel_loop3A_75 : vector<16xi32>
      %parallel_loop3A_77 = tpu.vector_load_idx %arg5[%parallel_loop3A_76] : memref<25600xi32, #tpu.memory_space<vmem>>[vector<16xi32>], vector<16xi32>,
      %parallel_loop3A_78 = arith.constant 16 : i32
      %parallel_loop3A_79 = arith.muli %parallel_loop3A_70, %parallel_loop3A_78 : i32
      %parallel_loop3A_80 = arith.index_cast %parallel_loop3A_79 : i32 to index
      %parallel_loop3A_81 = tpu.vector_load %arg7[%parallel_loop3A_80] {strides = array<i32>} : memref<512xi32, #tpu.memory_space<vmem>>, vector<16xi32>,
      tpu.vector_store %arg7[%parallel_loop3A_80], %parallel_loop3A_77 {strides = array<i32>} : memref<512xi32, #tpu.memory_space<vmem>>, vector<16xi32>,
    } {sc.loop_unroll_factor = 4 : i64, sc.parallel_access}
    %dma_start3A = arith.constant 0 : i32
    %dma_start3A_13 = arith.constant 0 : i32
    %dma_start3A_14 = tpu.memref_slice %arg3[%dma_start3A, %dma_start3A_13] : memref<1000000x32xf32, #tpu.memory_space<hbm>> -> memref<1000000x32xf32, #tpu.memory_space<hbm>>
    tpu.enqueue_indirect_dma source(%dma_start3A_14 : memref<1000000x32xf32, #tpu.memory_space<hbm>>) target(%arg8 : memref<512x32xf32, #tpu.memory_space<vmem>>) offsets(%arg6 : memref<512xi32, #tpu.memory_space<vmem>>) semaphore(%arg12 : memref<!tpu.dma_semaphore, #tpu.memory_space<semaphore_mem>>)
    %dma_start3A_15 = arith.constant 0 : i32
    %dma_start3A_16 = arith.constant 0 : i32
    %dma_start3A_17 = tpu.memref_slice %arg3[%dma_start3A_15, %dma_start3A_16] : memref<1000000x32xf32, #tpu.memory_space<hbm>> -> memref<1000000x32xf32, #tpu.memory_space<hbm>>
    tpu.enqueue_indirect_dma source(%dma_start3A_17 : memref<1000000x32xf32, #tpu.memory_space<hbm>>) target(%arg9 : memref<512x32xf32, #tpu.memory_space<vmem>>) offsets(%arg7 : memref<512xi32, #tpu.memory_space<vmem>>) semaphore(%arg13 : memref<!tpu.dma_semaphore, #tpu.memory_space<semaphore_mem>>)
    %scan3A = arith.constant 0 : i32
    %scan3A_18 = arith.constant 0 : i32
    %scan3A_19 = arith.constant 25 : i32
    %scan3A_20 = arith.addi %scan3A_18, %scan3A_19 : i32
    %scan3A_21 = arith.constant 1 : i32
    scf.for %scan3A_70 = %scan3A_18 to %scan3A_20 step %scan3A_21  : i32 {
      %mul3A_71 = arith.constant 2 : i32
      %mul3A_72 = arith.muli %mul3A_71, %scan3A_70 : i32
      %add3A_73 = arith.constant 0 : i32
      %add3A_74 = arith.addi %mul3A_72, %add3A_73 : i32
      %dma_wait3A_75 = arith.constant 0 : i32
      %dma_wait3A_76 = arith.constant 0 : i32
      %dma_wait3A_77 = tpu.memref_slice %arg3[%dma_wait3A_75, %dma_wait3A_76] : memref<1000000x32xf32, #tpu.memory_space<hbm>> -> memref<1000000x32xf32, #tpu.memory_space<hbm>>
      tpu.wait_indirect_dma semaphore(%arg12 : memref<!tpu.dma_semaphore, #tpu.memory_space<semaphore_mem>>) src(%dma_wait3A_77 : memref<1000000x32xf32, #tpu.memory_space<hbm>>) dst(%arg8 : memref<512x32xf32, #tpu.memory_space<vmem>>)
      %gt3A = arith.constant 0 : i32
      %gt3A_78 = arith.cmpi sgt, %scan3A_70, %gt3A : i32
      %convert_element_type3A = arith.extui %gt3A_78 : i1 to i32
      %cond3A = arith.constant 0 : i32
      %cond3A_79 = arith.cmpi ne, %convert_element_type3A, %cond3A : i32
      scf.if %cond3A_79 {
        %dma_wait3A_195 = arith.constant 0 : i32
        %dma_wait3A_196 = tpu.memref_slice %arg10[%dma_wait3A_195] : memref<16384xf32, #tpu.memory_space<vmem>> -> memref<4096xf32, #tpu.memory_space<vmem>>
        %dma_wait3A_197 = tpu.memref_slice %arg4[%mul3A_5] : memref<26214400xf32, #tpu.memory_space<hbm>> -> memref<4096xf32, #tpu.memory_space<hbm>>
        %dma_wait3A_198 = tpu.memref_slice %arg4[%mul3A_5] : memref<26214400xf32, #tpu.memory_space<hbm>> -> memref<4096xf32, #tpu.memory_space<hbm>>
        %dma_wait3A_199 = arith.constant 0 : i32
        %dma_wait3A_200 = tpu.memref_slice %arg10[%dma_wait3A_199] : memref<16384xf32, #tpu.memory_space<vmem>> -> memref<4096xf32, #tpu.memory_space<vmem>>
        tpu.wait_dma2 semaphore(%arg14 : memref<!tpu.dma_semaphore, #tpu.memory_space<semaphore_mem>>) src(%dma_wait3A_200 : memref<4096xf32, #tpu.memory_space<vmem>>) dst(%dma_wait3A_198 : memref<4096xf32, #tpu.memory_space<hbm>>)
        %dma_wait3A_201 = arith.constant 4096 : i32
        %dma_wait3A_202 = tpu.memref_slice %arg10[%dma_wait3A_201] : memref<16384xf32, #tpu.memory_space<vmem>> -> memref<4096xf32, #tpu.memory_space<vmem>>
        %dma_wait3A_203 = tpu.memref_slice %arg4[%mul3A_5] : memref<26214400xf32, #tpu.memory_space<hbm>> -> memref<4096xf32, #tpu.memory_space<hbm>>
        %dma_wait3A_204 = tpu.memref_slice %arg4[%mul3A_5] : memref<26214400xf32, #tpu.memory_space<hbm>> -> memref<4096xf32, #tpu.memory_space<hbm>>
        %dma_wait3A_205 = arith.constant 4096 : i32
        %dma_wait3A_206 = tpu.memref_slice %arg10[%dma_wait3A_205] : memref<16384xf32, #tpu.memory_space<vmem>> -> memref<4096xf32, #tpu.memory_space<vmem>>
        tpu.wait_dma2 semaphore(%arg14 : memref<!tpu.dma_semaphore, #tpu.memory_space<semaphore_mem>>) src(%dma_wait3A_206 : memref<4096xf32, #tpu.memory_space<vmem>>) dst(%dma_wait3A_204 : memref<4096xf32, #tpu.memory_space<hbm>>)
        %dma_wait3A_207 = arith.constant 8192 : i32
        %dma_wait3A_208 = tpu.memref_slice %arg10[%dma_wait3A_207] : memref<16384xf32, #tpu.memory_space<vmem>> -> memref<4096xf32, #tpu.memory_space<vmem>>
        %dma_wait3A_209 = tpu.memref_slice %arg4[%mul3A_5] : memref<26214400xf32, #tpu.memory_space<hbm>> -> memref<4096xf32, #tpu.memory_space<hbm>>
        %dma_wait3A_210 = tpu.memref_slice %arg4[%mul3A_5] : memref<26214400xf32, #tpu.memory_space<hbm>> -> memref<4096xf32, #tpu.memory_space<hbm>>
        %dma_wait3A_211 = arith.constant 8192 : i32
        %dma_wait3A_212 = tpu.memref_slice %arg10[%dma_wait3A_211] : memref<16384xf32, #tpu.memory_space<vmem>> -> memref<4096xf32, #tpu.memory_space<vmem>>
        tpu.wait_dma2 semaphore(%arg14 : memref<!tpu.dma_semaphore, #tpu.memory_space<semaphore_mem>>) src(%dma_wait3A_212 : memref<4096xf32, #tpu.memory_space<vmem>>) dst(%dma_wait3A_210 : memref<4096xf32, #tpu.memory_space<hbm>>)
        %dma_wait3A_213 = arith.constant 12288 : i32
        %dma_wait3A_214 = tpu.memref_slice %arg10[%dma_wait3A_213] : memref<16384xf32, #tpu.memory_space<vmem>> -> memref<4096xf32, #tpu.memory_space<vmem>>
        %dma_wait3A_215 = tpu.memref_slice %arg4[%mul3A_5] : memref<26214400xf32, #tpu.memory_space<hbm>> -> memref<4096xf32, #tpu.memory_space<hbm>>
        %dma_wait3A_216 = tpu.memref_slice %arg4[%mul3A_5] : memref<26214400xf32, #tpu.memory_space<hbm>> -> memref<4096xf32, #tpu.memory_space<hbm>>
        %dma_wait3A_217 = arith.constant 12288 : i32
        %dma_wait3A_218 = tpu.memref_slice %arg10[%dma_wait3A_217] : memref<16384xf32, #tpu.memory_space<vmem>> -> memref<4096xf32, #tpu.memory_space<vmem>>
        tpu.wait_dma2 semaphore(%arg14 : memref<!tpu.dma_semaphore, #tpu.memory_space<semaphore_mem>>) src(%dma_wait3A_218 : memref<4096xf32, #tpu.memory_space<vmem>>) dst(%dma_wait3A_216 : memref<4096xf32, #tpu.memory_space<hbm>>)
      } else {
      }
      %parallel_loop3A_80 = arith.constant 0 : i32
      %parallel_loop3A_81 = arith.constant 32 : i32
      %parallel_loop3A_82 = arith.constant 1 : i32
      scf.for %parallel_loop3A_195 = %parallel_loop3A_80 to %parallel_loop3A_81 step %parallel_loop3A_82  : i32 {
        %parallel_loop3A_196 = arith.constant 8 : i32
        %parallel_loop3A_197 = arith.divsi %parallel_loop3A_195, %parallel_loop3A_196 : i32
        %parallel_loop3A_198 = arith.constant 0 : i32
        %parallel_loop3A_199 = arith.cmpi sgt, %parallel_loop3A_195, %parallel_loop3A_198 : i32
        %parallel_loop3A_200 = arith.extui %parallel_loop3A_199 : i1 to i32
        %parallel_loop3A_201 = arith.constant 0 : i32
        %parallel_loop3A_202 = arith.cmpi slt, %parallel_loop3A_195, %parallel_loop3A_201 : i32
        %parallel_loop3A_203 = arith.extui %parallel_loop3A_202 : i1 to i32
        %parallel_loop3A_204 = arith.subi %parallel_loop3A_200, %parallel_loop3A_203 : i32
        %parallel_loop3A_205 = arith.constant 0 : i32
        %parallel_loop3A_206 = arith.cmpi sgt, %parallel_loop3A_196, %parallel_loop3A_205 : i32
        %parallel_loop3A_207 = arith.extui %parallel_loop3A_206 : i1 to i32
        %parallel_loop3A_208 = arith.constant 0 : i32
        %parallel_loop3A_209 = arith.cmpi slt, %parallel_loop3A_196, %parallel_loop3A_208 : i32
        %parallel_loop3A_210 = arith.extui %parallel_loop3A_209 : i1 to i32
        %parallel_loop3A_211 = arith.subi %parallel_loop3A_207, %parallel_loop3A_210 : i32
        %parallel_loop3A_212 = arith.cmpi ne, %parallel_loop3A_204, %parallel_loop3A_211 : i32
        %parallel_loop3A_213 = arith.remsi %parallel_loop3A_195, %parallel_loop3A_196 : i32
        %parallel_loop3A_214 = arith.constant 0 : i32
        %parallel_loop3A_215 = arith.cmpi ne, %parallel_loop3A_213, %parallel_loop3A_214 : i32
        %parallel_loop3A_216 = arith.andi %parallel_loop3A_212, %parallel_loop3A_215 : i1
        %parallel_loop3A_217 = arith.constant 1 : i32
        %parallel_loop3A_218 = arith.subi %parallel_loop3A_197, %parallel_loop3A_217 : i32
        %parallel_loop3A_219 = arith.select %parallel_loop3A_216, %parallel_loop3A_218, %parallel_loop3A_197 : i32
        %parallel_loop3A_220 = arith.constant 1024 : i32
        %parallel_loop3A_221 = arith.muli %parallel_loop3A_219, %parallel_loop3A_220 : i32
        %parallel_loop3A_222 = arith.constant 8 : i32
        %parallel_loop3A_223 = arith.constant 0 : i32
        %parallel_loop3A_224 = arith.cmpi eq, %parallel_loop3A_222, %parallel_loop3A_223 : i32
        %parallel_loop3A_225 = arith.constant 1 : i32
        %parallel_loop3A_226 = arith.select %parallel_loop3A_224, %parallel_loop3A_225, %parallel_loop3A_222 : i32
        %parallel_loop3A_227 = arith.remsi %parallel_loop3A_195, %parallel_loop3A_226 : i32
        %parallel_loop3A_228 = arith.constant 0 : i32
        %parallel_loop3A_229 = arith.cmpi ne, %parallel_loop3A_227, %parallel_loop3A_228 : i32
        %parallel_loop3A_230 = arith.constant 0 : i32
        %parallel_loop3A_231 = arith.cmpi slt, %parallel_loop3A_227, %parallel_loop3A_230 : i32
        %parallel_loop3A_232 = arith.constant 0 : i32
        %parallel_loop3A_233 = arith.cmpi slt, %parallel_loop3A_226, %parallel_loop3A_232 : i32
        %parallel_loop3A_234 = arith.xori %parallel_loop3A_231, %parallel_loop3A_233 : i1
        %parallel_loop3A_235 = arith.andi %parallel_loop3A_234, %parallel_loop3A_229 : i1
        %parallel_loop3A_236 = arith.addi %parallel_loop3A_227, %parallel_loop3A_226 : i32
        %parallel_loop3A_237 = arith.select %parallel_loop3A_235, %parallel_loop3A_236, %parallel_loop3A_227 : i32
        %parallel_loop3A_238 = arith.constant 16 : i32
        %parallel_loop3A_239 = arith.muli %parallel_loop3A_237, %parallel_loop3A_238 : i32
        %parallel_loop3A_240 = arith.addi %parallel_loop3A_221, %parallel_loop3A_239 : i32
        %parallel_loop3A_241 = arith.constant 16 : i32
        %parallel_loop3A_242 = arith.muli %parallel_loop3A_195, %parallel_loop3A_241 : i32
        %parallel_loop3A_243 = vector.broadcast %parallel_loop3A_242 : i32 to vector<16xi32>
        %parallel_loop3A_244 = arith.addi %iota3A, %parallel_loop3A_243 : vector<16xi32>
        %parallel_loop3A_245 = arith.constant 0 : i32
        %parallel_loop3A_246 = vector.broadcast %parallel_loop3A_245 : i32 to vector<16xi32>
        %parallel_loop3A_247 = tpu.vector_load_idx %arg8[%parallel_loop3A_244, %parallel_loop3A_246] : memref<512x32xf32, #tpu.memory_space<vmem>>[vector<16xi32>, vector<16xi32>], vector<16xf32>,
        %parallel_loop3A_248 = arith.constant 0 : i32
        %parallel_loop3A_249 = arith.addi %parallel_loop3A_240, %parallel_loop3A_248 : i32
        %parallel_loop3A_250 = arith.constant 0 : i32
        %parallel_loop3A_251 = arith.addi %parallel_loop3A_249, %parallel_loop3A_250 : i32
        %parallel_loop3A_252 = arith.index_cast %parallel_loop3A_251 : i32 to index
        %parallel_loop3A_253 = tpu.vector_load %arg10[%parallel_loop3A_252] {strides = array<i32>} : memref<16384xf32, #tpu.memory_space<vmem>>, vector<16xf32>,
        tpu.vector_store %arg10[%parallel_loop3A_252], %parallel_loop3A_247 {strides = array<i32>} : memref<16384xf32, #tpu.memory_space<vmem>>, vector<16xf32>,
        %parallel_loop3A_254 = arith.constant 1 : i32
        %parallel_loop3A_255 = vector.broadcast %parallel_loop3A_254 : i32 to vector<16xi32>
        %parallel_loop3A_256 = tpu.vector_load_idx %arg8[%parallel_loop3A_244, %parallel_loop3A_255] : memref<512x32xf32, #tpu.memory_space<vmem>>[vector<16xi32>, vector<16xi32>], vector<16xf32>,
        %parallel_loop3A_257 = arith.constant 0 : i32
        %parallel_loop3A_258 = arith.addi %parallel_loop3A_240, %parallel_loop3A_257 : i32
        %parallel_loop3A_259 = arith.constant 128 : i32
        %parallel_loop3A_260 = arith.addi %parallel_loop3A_258, %parallel_loop3A_259 : i32
        %parallel_loop3A_261 = arith.index_cast %parallel_loop3A_260 : i32 to index
        %parallel_loop3A_262 = tpu.vector_load %arg10[%parallel_loop3A_261] {strides = array<i32>} : memref<16384xf32, #tpu.memory_space<vmem>>, vector<16xf32>,
        tpu.vector_store %arg10[%parallel_loop3A_261], %parallel_loop3A_256 {strides = array<i32>} : memref<16384xf32, #tpu.memory_space<vmem>>, vector<16xf32>,
        %parallel_loop3A_263 = arith.constant 2 : i32
        %parallel_loop3A_264 = vector.broadcast %parallel_loop3A_263 : i32 to vector<16xi32>
        %parallel_loop3A_265 = tpu.vector_load_idx %arg8[%parallel_loop3A_244, %parallel_loop3A_264] : memref<512x32xf32, #tpu.memory_space<vmem>>[vector<16xi32>, vector<16xi32>], vector<16xf32>,
        %parallel_loop3A_266 = arith.constant 0 : i32
        %parallel_loop3A_267 = arith.addi %parallel_loop3A_240, %parallel_loop3A_266 : i32
        %parallel_loop3A_268 = arith.constant 256 : i32
        %parallel_loop3A_269 = arith.addi %parallel_loop3A_267, %parallel_loop3A_268 : i32
        %parallel_loop3A_270 = arith.index_cast %parallel_loop3A_269 : i32 to index
        %parallel_loop3A_271 = tpu.vector_load %arg10[%parallel_loop3A_270] {strides = array<i32>} : memref<16384xf32, #tpu.memory_space<vmem>>, vector<16xf32>,
        tpu.vector_store %arg10[%parallel_loop3A_270], %parallel_loop3A_265 {strides = array<i32>} : memref<16384xf32, #tpu.memory_space<vmem>>, vector<16xf32>,
        %parallel_loop3A_272 = arith.constant 3 : i32
        %parallel_loop3A_273 = vector.broadcast %parallel_loop3A_272 : i32 to vector<16xi32>
        %parallel_loop3A_274 = tpu.vector_load_idx %arg8[%parallel_loop3A_244, %parallel_loop3A_273] : memref<512x32xf32, #tpu.memory_space<vmem>>[vector<16xi32>, vector<16xi32>], vector<16xf32>,
        %parallel_loop3A_275 = arith.constant 0 : i32
        %parallel_loop3A_276 = arith.addi %parallel_loop3A_240, %parallel_loop3A_275 : i32
        %parallel_loop3A_277 = arith.constant 384 : i32
        %parallel_loop3A_278 = arith.addi %parallel_loop3A_276, %parallel_loop3A_277 : i32
        %parallel_loop3A_279 = arith.index_cast %parallel_loop3A_278 : i32 to index
        %parallel_loop3A_280 = tpu.vector_load %arg10[%parallel_loop3A_279] {strides = array<i32>} : memref<16384xf32, #tpu.memory_space<vmem>>, vector<16xf32>,
        tpu.vector_store %arg10[%parallel_loop3A_279], %parallel_loop3A_274 {strides = array<i32>} : memref<16384xf32, #tpu.memory_space<vmem>>, vector<16xf32>,
        %parallel_loop3A_281 = arith.constant 4 : i32
        %parallel_loop3A_282 = vector.broadcast %parallel_loop3A_281 : i32 to vector<16xi32>
        %parallel_loop3A_283 = tpu.vector_load_idx %arg8[%parallel_loop3A_244, %parallel_loop3A_282] : memref<512x32xf32, #tpu.memory_space<vmem>>[vector<16xi32>, vector<16xi32>], vector<16xf32>,
        %parallel_loop3A_284 = arith.constant 0 : i32
        %parallel_loop3A_285 = arith.addi %parallel_loop3A_240, %parallel_loop3A_284 : i32
        %parallel_loop3A_286 = arith.constant 512 : i32
        %parallel_loop3A_287 = arith.addi %parallel_loop3A_285, %parallel_loop3A_286 : i32
        %parallel_loop3A_288 = arith.index_cast %parallel_loop3A_287 : i32 to index
        %parallel_loop3A_289 = tpu.vector_load %arg10[%parallel_loop3A_288] {strides = array<i32>} : memref<16384xf32, #tpu.memory_space<vmem>>, vector<16xf32>,
        tpu.vector_store %arg10[%parallel_loop3A_288], %parallel_loop3A_283 {strides = array<i32>} : memref<16384xf32, #tpu.memory_space<vmem>>, vector<16xf32>,
        %parallel_loop3A_290 = arith.constant 5 : i32
        %parallel_loop3A_291 = vector.broadcast %parallel_loop3A_290 : i32 to vector<16xi32>
        %parallel_loop3A_292 = tpu.vector_load_idx %arg8[%parallel_loop3A_244, %parallel_loop3A_291] : memref<512x32xf32, #tpu.memory_space<vmem>>[vector<16xi32>, vector<16xi32>], vector<16xf32>,
        %parallel_loop3A_293 = arith.constant 0 : i32
        %parallel_loop3A_294 = arith.addi %parallel_loop3A_240, %parallel_loop3A_293 : i32
        %parallel_loop3A_295 = arith.constant 640 : i32
        %parallel_loop3A_296 = arith.addi %parallel_loop3A_294, %parallel_loop3A_295 : i32
        %parallel_loop3A_297 = arith.index_cast %parallel_loop3A_296 : i32 to index
        %parallel_loop3A_298 = tpu.vector_load %arg10[%parallel_loop3A_297] {strides = array<i32>} : memref<16384xf32, #tpu.memory_space<vmem>>, vector<16xf32>,
        tpu.vector_store %arg10[%parallel_loop3A_297], %parallel_loop3A_292 {strides = array<i32>} : memref<16384xf32, #tpu.memory_space<vmem>>, vector<16xf32>,
        %parallel_loop3A_299 = arith.constant 6 : i32
        %parallel_loop3A_300 = vector.broadcast %parallel_loop3A_299 : i32 to vector<16xi32>
        %parallel_loop3A_301 = tpu.vector_load_idx %arg8[%parallel_loop3A_244, %parallel_loop3A_300] : memref<512x32xf32, #tpu.memory_space<vmem>>[vector<16xi32>, vector<16xi32>], vector<16xf32>,
        %parallel_loop3A_302 = arith.constant 0 : i32
        %parallel_loop3A_303 = arith.addi %parallel_loop3A_240, %parallel_loop3A_302 : i32
        %parallel_loop3A_304 = arith.constant 768 : i32
        %parallel_loop3A_305 = arith.addi %parallel_loop3A_303, %parallel_loop3A_304 : i32
        %parallel_loop3A_306 = arith.index_cast %parallel_loop3A_305 : i32 to index
        %parallel_loop3A_307 = tpu.vector_load %arg10[%parallel_loop3A_306] {strides = array<i32>} : memref<16384xf32, #tpu.memory_space<vmem>>, vector<16xf32>,
        tpu.vector_store %arg10[%parallel_loop3A_306], %parallel_loop3A_301 {strides = array<i32>} : memref<16384xf32, #tpu.memory_space<vmem>>, vector<16xf32>,
        %parallel_loop3A_308 = arith.constant 7 : i32
        %parallel_loop3A_309 = vector.broadcast %parallel_loop3A_308 : i32 to vector<16xi32>
        %parallel_loop3A_310 = tpu.vector_load_idx %arg8[%parallel_loop3A_244, %parallel_loop3A_309] : memref<512x32xf32, #tpu.memory_space<vmem>>[vector<16xi32>, vector<16xi32>], vector<16xf32>,
        %parallel_loop3A_311 = arith.constant 0 : i32
        %parallel_loop3A_312 = arith.addi %parallel_loop3A_240, %parallel_loop3A_311 : i32
        %parallel_loop3A_313 = arith.constant 896 : i32
        %parallel_loop3A_314 = arith.addi %parallel_loop3A_312, %parallel_loop3A_313 : i32
        %parallel_loop3A_315 = arith.index_cast %parallel_loop3A_314 : i32 to index
        %parallel_loop3A_316 = tpu.vector_load %arg10[%parallel_loop3A_315] {strides = array<i32>} : memref<16384xf32, #tpu.memory_space<vmem>>, vector<16xf32>,
        tpu.vector_store %arg10[%parallel_loop3A_315], %parallel_loop3A_310 {strides = array<i32>} : memref<16384xf32, #tpu.memory_space<vmem>>, vector<16xf32>,
        %parallel_loop3A_317 = arith.constant 8 : i32
        %parallel_loop3A_318 = vector.broadcast %parallel_loop3A_317 : i32 to vector<16xi32>
        %parallel_loop3A_319 = tpu.vector_load_idx %arg8[%parallel_loop3A_244, %parallel_loop3A_318] : memref<512x32xf32, #tpu.memory_space<vmem>>[vector<16xi32>, vector<16xi32>], vector<16xf32>,
        %parallel_loop3A_320 = arith.constant 4096 : i32
        %parallel_loop3A_321 = arith.addi %parallel_loop3A_240, %parallel_loop3A_320 : i32
        %parallel_loop3A_322 = arith.constant 0 : i32
        %parallel_loop3A_323 = arith.addi %parallel_loop3A_321, %parallel_loop3A_322 : i32
        %parallel_loop3A_324 = arith.index_cast %parallel_loop3A_323 : i32 to index
        %parallel_loop3A_325 = tpu.vector_load %arg10[%parallel_loop3A_324] {strides = array<i32>} : memref<16384xf32, #tpu.memory_space<vmem>>, vector<16xf32>,
        tpu.vector_store %arg10[%parallel_loop3A_324], %parallel_loop3A_319 {strides = array<i32>} : memref<16384xf32, #tpu.memory_space<vmem>>, vector<16xf32>,
        %parallel_loop3A_326 = arith.constant 9 : i32
        %parallel_loop3A_327 = vector.broadcast %parallel_loop3A_326 : i32 to vector<16xi32>
        %parallel_loop3A_328 = tpu.vector_load_idx %arg8[%parallel_loop3A_244, %parallel_loop3A_327] : memref<512x32xf32, #tpu.memory_space<vmem>>[vector<16xi32>, vector<16xi32>], vector<16xf32>,
        %parallel_loop3A_329 = arith.constant 4096 : i32
        %parallel_loop3A_330 = arith.addi %parallel_loop3A_240, %parallel_loop3A_329 : i32
        %parallel_loop3A_331 = arith.constant 128 : i32
        %parallel_loop3A_332 = arith.addi %parallel_loop3A_330, %parallel_loop3A_331 : i32
        %parallel_loop3A_333 = arith.index_cast %parallel_loop3A_332 : i32 to index
        %parallel_loop3A_334 = tpu.vector_load %arg10[%parallel_loop3A_333] {strides = array<i32>} : memref<16384xf32, #tpu.memory_space<vmem>>, vector<16xf32>,
        tpu.vector_store %arg10[%parallel_loop3A_333], %parallel_loop3A_328 {strides = array<i32>} : memref<16384xf32, #tpu.memory_space<vmem>>, vector<16xf32>,
        %parallel_loop3A_335 = arith.constant 10 : i32
        %parallel_loop3A_336 = vector.broadcast %parallel_loop3A_335 : i32 to vector<16xi32>
        %parallel_loop3A_337 = tpu.vector_load_idx %arg8[%parallel_loop3A_244, %parallel_loop3A_336] : memref<512x32xf32, #tpu.memory_space<vmem>>[vector<16xi32>, vector<16xi32>], vector<16xf32>,
        %parallel_loop3A_338 = arith.constant 4096 : i32
        %parallel_loop3A_339 = arith.addi %parallel_loop3A_240, %parallel_loop3A_338 : i32
        %parallel_loop3A_340 = arith.constant 256 : i32
        %parallel_loop3A_341 = arith.addi %parallel_loop3A_339, %parallel_loop3A_340 : i32
        %parallel_loop3A_342 = arith.index_cast %parallel_loop3A_341 : i32 to index
        %parallel_loop3A_343 = tpu.vector_load %arg10[%parallel_loop3A_342] {strides = array<i32>} : memref<16384xf32, #tpu.memory_space<vmem>>, vector<16xf32>,
        tpu.vector_store %arg10[%parallel_loop3A_342], %parallel_loop3A_337 {strides = array<i32>} : memref<16384xf32, #tpu.memory_space<vmem>>, vector<16xf32>,
        %parallel_loop3A_344 = arith.constant 11 : i32
        %parallel_loop3A_345 = vector.broadcast %parallel_loop3A_344 : i32 to vector<16xi32>
        %parallel_loop3A_346 = tpu.vector_load_idx %arg8[%parallel_loop3A_244, %parallel_loop3A_345] : memref<512x32xf32, #tpu.memory_space<vmem>>[vector<16xi32>, vector<16xi32>], vector<16xf32>,
        %parallel_loop3A_347 = arith.constant 4096 : i32
        %parallel_loop3A_348 = arith.addi %parallel_loop3A_240, %parallel_loop3A_347 : i32
        %parallel_loop3A_349 = arith.constant 384 : i32
        %parallel_loop3A_350 = arith.addi %parallel_loop3A_348, %parallel_loop3A_349 : i32
        %parallel_loop3A_351 = arith.index_cast %parallel_loop3A_350 : i32 to index
        %parallel_loop3A_352 = tpu.vector_load %arg10[%parallel_loop3A_351] {strides = array<i32>} : memref<16384xf32, #tpu.memory_space<vmem>>, vector<16xf32>,
        tpu.vector_store %arg10[%parallel_loop3A_351], %parallel_loop3A_346 {strides = array<i32>} : memref<16384xf32, #tpu.memory_space<vmem>>, vector<16xf32>,
        %parallel_loop3A_353 = arith.constant 12 : i32
        %parallel_loop3A_354 = vector.broadcast %parallel_loop3A_353 : i32 to vector<16xi32>
        %parallel_loop3A_355 = tpu.vector_load_idx %arg8[%parallel_loop3A_244, %parallel_loop3A_354] : memref<512x32xf32, #tpu.memory_space<vmem>>[vector<16xi32>, vector<16xi32>], vector<16xf32>,
        %parallel_loop3A_356 = arith.constant 4096 : i32
        %parallel_loop3A_357 = arith.addi %parallel_loop3A_240, %parallel_loop3A_356 : i32
        %parallel_loop3A_358 = arith.constant 512 : i32
        %parallel_loop3A_359 = arith.addi %parallel_loop3A_357, %parallel_loop3A_358 : i32
        %parallel_loop3A_360 = arith.index_cast %parallel_loop3A_359 : i32 to index
        %parallel_loop3A_361 = tpu.vector_load %arg10[%parallel_loop3A_360] {strides = array<i32>} : memref<16384xf32, #tpu.memory_space<vmem>>, vector<16xf32>,
        tpu.vector_store %arg10[%parallel_loop3A_360], %parallel_loop3A_355 {strides = array<i32>} : memref<16384xf32, #tpu.memory_space<vmem>>, vector<16xf32>,
        %parallel_loop3A_362 = arith.constant 13 : i32
        %parallel_loop3A_363 = vector.broadcast %parallel_loop3A_362 : i32 to vector<16xi32>
        %parallel_loop3A_364 = tpu.vector_load_idx %arg8[%parallel_loop3A_244, %parallel_loop3A_363] : memref<512x32xf32, #tpu.memory_space<vmem>>[vector<16xi32>, vector<16xi32>], vector<16xf32>,
        %parallel_loop3A_365 = arith.constant 4096 : i32
        %parallel_loop3A_366 = arith.addi %parallel_loop3A_240, %parallel_loop3A_365 : i32
        %parallel_loop3A_367 = arith.constant 640 : i32
        %parallel_loop3A_368 = arith.addi %parallel_loop3A_366, %parallel_loop3A_367 : i32
        %parallel_loop3A_369 = arith.index_cast %parallel_loop3A_368 : i32 to index
        %parallel_loop3A_370 = tpu.vector_load %arg10[%parallel_loop3A_369] {strides = array<i32>} : memref<16384xf32, #tpu.memory_space<vmem>>, vector<16xf32>,
        tpu.vector_store %arg10[%parallel_loop3A_369], %parallel_loop3A_364 {strides = array<i32>} : memref<16384xf32, #tpu.memory_space<vmem>>, vector<16xf32>,
        %parallel_loop3A_371 = arith.constant 14 : i32
        %parallel_loop3A_372 = vector.broadcast %parallel_loop3A_371 : i32 to vector<16xi32>
        %parallel_loop3A_373 = tpu.vector_load_idx %arg8[%parallel_loop3A_244, %parallel_loop3A_372] : memref<512x32xf32, #tpu.memory_space<vmem>>[vector<16xi32>, vector<16xi32>], vector<16xf32>,
        %parallel_loop3A_374 = arith.constant 4096 : i32
        %parallel_loop3A_375 = arith.addi %parallel_loop3A_240, %parallel_loop3A_374 : i32
        %parallel_loop3A_376 = arith.constant 768 : i32
        %parallel_loop3A_377 = arith.addi %parallel_loop3A_375, %parallel_loop3A_376 : i32
        %parallel_loop3A_378 = arith.index_cast %parallel_loop3A_377 : i32 to index
        %parallel_loop3A_379 = tpu.vector_load %arg10[%parallel_loop3A_378] {strides = array<i32>} : memref<16384xf32, #tpu.memory_space<vmem>>, vector<16xf32>,
        tpu.vector_store %arg10[%parallel_loop3A_378], %parallel_loop3A_373 {strides = array<i32>} : memref<16384xf32, #tpu.memory_space<vmem>>, vector<16xf32>,
        %parallel_loop3A_380 = arith.constant 15 : i32
        %parallel_loop3A_381 = vector.broadcast %parallel_loop3A_380 : i32 to vector<16xi32>
        %parallel_loop3A_382 = tpu.vector_load_idx %arg8[%parallel_loop3A_244, %parallel_loop3A_381] : memref<512x32xf32, #tpu.memory_space<vmem>>[vector<16xi32>, vector<16xi32>], vector<16xf32>,
        %parallel_loop3A_383 = arith.constant 4096 : i32
        %parallel_loop3A_384 = arith.addi %parallel_loop3A_240, %parallel_loop3A_383 : i32
        %parallel_loop3A_385 = arith.constant 896 : i32
        %parallel_loop3A_386 = arith.addi %parallel_loop3A_384, %parallel_loop3A_385 : i32
        %parallel_loop3A_387 = arith.index_cast %parallel_loop3A_386 : i32 to index
        %parallel_loop3A_388 = tpu.vector_load %arg10[%parallel_loop3A_387] {strides = array<i32>} : memref<16384xf32, #tpu.memory_space<vmem>>, vector<16xf32>,
        tpu.vector_store %arg10[%parallel_loop3A_387], %parallel_loop3A_382 {strides = array<i32>} : memref<16384xf32, #tpu.memory_space<vmem>>, vector<16xf32>,
        %parallel_loop3A_389 = arith.constant 16 : i32
        %parallel_loop3A_390 = vector.broadcast %parallel_loop3A_389 : i32 to vector<16xi32>
        %parallel_loop3A_391 = tpu.vector_load_idx %arg8[%parallel_loop3A_244, %parallel_loop3A_390] : memref<512x32xf32, #tpu.memory_space<vmem>>[vector<16xi32>, vector<16xi32>], vector<16xf32>,
        %parallel_loop3A_392 = arith.constant 8192 : i32
        %parallel_loop3A_393 = arith.addi %parallel_loop3A_240, %parallel_loop3A_392 : i32
        %parallel_loop3A_394 = arith.constant 0 : i32
        %parallel_loop3A_395 = arith.addi %parallel_loop3A_393, %parallel_loop3A_394 : i32
        %parallel_loop3A_396 = arith.index_cast %parallel_loop3A_395 : i32 to index
        %parallel_loop3A_397 = tpu.vector_load %arg10[%parallel_loop3A_396] {strides = array<i32>} : memref<16384xf32, #tpu.memory_space<vmem>>, vector<16xf32>,
        tpu.vector_store %arg10[%parallel_loop3A_396], %parallel_loop3A_391 {strides = array<i32>} : memref<16384xf32, #tpu.memory_space<vmem>>, vector<16xf32>,
        %parallel_loop3A_398 = arith.constant 17 : i32
        %parallel_loop3A_399 = vector.broadcast %parallel_loop3A_398 : i32 to vector<16xi32>
        %parallel_loop3A_400 = tpu.vector_load_idx %arg8[%parallel_loop3A_244, %parallel_loop3A_399] : memref<512x32xf32, #tpu.memory_space<vmem>>[vector<16xi32>, vector<16xi32>], vector<16xf32>,
        %parallel_loop3A_401 = arith.constant 8192 : i32
        %parallel_loop3A_402 = arith.addi %parallel_loop3A_240, %parallel_loop3A_401 : i32
        %parallel_loop3A_403 = arith.constant 128 : i32
        %parallel_loop3A_404 = arith.addi %parallel_loop3A_402, %parallel_loop3A_403 : i32
        %parallel_loop3A_405 = arith.index_cast %parallel_loop3A_404 : i32 to index
        %parallel_loop3A_406 = tpu.vector_load %arg10[%parallel_loop3A_405] {strides = array<i32>} : memref<16384xf32, #tpu.memory_space<vmem>>, vector<16xf32>,
        tpu.vector_store %arg10[%parallel_loop3A_405], %parallel_loop3A_400 {strides = array<i32>} : memref<16384xf32, #tpu.memory_space<vmem>>, vector<16xf32>,
        %parallel_loop3A_407 = arith.constant 18 : i32
        %parallel_loop3A_408 = vector.broadcast %parallel_loop3A_407 : i32 to vector<16xi32>
        %parallel_loop3A_409 = tpu.vector_load_idx %arg8[%parallel_loop3A_244, %parallel_loop3A_408] : memref<512x32xf32, #tpu.memory_space<vmem>>[vector<16xi32>, vector<16xi32>], vector<16xf32>,
        %parallel_loop3A_410 = arith.constant 8192 : i32
        %parallel_loop3A_411 = arith.addi %parallel_loop3A_240, %parallel_loop3A_410 : i32
        %parallel_loop3A_412 = arith.constant 256 : i32
        %parallel_loop3A_413 = arith.addi %parallel_loop3A_411, %parallel_loop3A_412 : i32
        %parallel_loop3A_414 = arith.index_cast %parallel_loop3A_413 : i32 to index
        %parallel_loop3A_415 = tpu.vector_load %arg10[%parallel_loop3A_414] {strides = array<i32>} : memref<16384xf32, #tpu.memory_space<vmem>>, vector<16xf32>,
        tpu.vector_store %arg10[%parallel_loop3A_414], %parallel_loop3A_409 {strides = array<i32>} : memref<16384xf32, #tpu.memory_space<vmem>>, vector<16xf32>,
        %parallel_loop3A_416 = arith.constant 19 : i32
        %parallel_loop3A_417 = vector.broadcast %parallel_loop3A_416 : i32 to vector<16xi32>
        %parallel_loop3A_418 = tpu.vector_load_idx %arg8[%parallel_loop3A_244, %parallel_loop3A_417] : memref<512x32xf32, #tpu.memory_space<vmem>>[vector<16xi32>, vector<16xi32>], vector<16xf32>,
        %parallel_loop3A_419 = arith.constant 8192 : i32
        %parallel_loop3A_420 = arith.addi %parallel_loop3A_240, %parallel_loop3A_419 : i32
        %parallel_loop3A_421 = arith.constant 384 : i32
        %parallel_loop3A_422 = arith.addi %parallel_loop3A_420, %parallel_loop3A_421 : i32
        %parallel_loop3A_423 = arith.index_cast %parallel_loop3A_422 : i32 to index
        %parallel_loop3A_424 = tpu.vector_load %arg10[%parallel_loop3A_423] {strides = array<i32>} : memref<16384xf32, #tpu.memory_space<vmem>>, vector<16xf32>,
        tpu.vector_store %arg10[%parallel_loop3A_423], %parallel_loop3A_418 {strides = array<i32>} : memref<16384xf32, #tpu.memory_space<vmem>>, vector<16xf32>,
        %parallel_loop3A_425 = arith.constant 20 : i32
        %parallel_loop3A_426 = vector.broadcast %parallel_loop3A_425 : i32 to vector<16xi32>
        %parallel_loop3A_427 = tpu.vector_load_idx %arg8[%parallel_loop3A_244, %parallel_loop3A_426] : memref<512x32xf32, #tpu.memory_space<vmem>>[vector<16xi32>, vector<16xi32>], vector<16xf32>,
        %parallel_loop3A_428 = arith.constant 8192 : i32
        %parallel_loop3A_429 = arith.addi %parallel_loop3A_240, %parallel_loop3A_428 : i32
        %parallel_loop3A_430 = arith.constant 512 : i32
        %parallel_loop3A_431 = arith.addi %parallel_loop3A_429, %parallel_loop3A_430 : i32
        %parallel_loop3A_432 = arith.index_cast %parallel_loop3A_431 : i32 to index
        %parallel_loop3A_433 = tpu.vector_load %arg10[%parallel_loop3A_432] {strides = array<i32>} : memref<16384xf32, #tpu.memory_space<vmem>>, vector<16xf32>,
        tpu.vector_store %arg10[%parallel_loop3A_432], %parallel_loop3A_427 {strides = array<i32>} : memref<16384xf32, #tpu.memory_space<vmem>>, vector<16xf32>,
        %parallel_loop3A_434 = arith.constant 21 : i32
        %parallel_loop3A_435 = vector.broadcast %parallel_loop3A_434 : i32 to vector<16xi32>
        %parallel_loop3A_436 = tpu.vector_load_idx %arg8[%parallel_loop3A_244, %parallel_loop3A_435] : memref<512x32xf32, #tpu.memory_space<vmem>>[vector<16xi32>, vector<16xi32>], vector<16xf32>,
        %parallel_loop3A_437 = arith.constant 8192 : i32
        %parallel_loop3A_438 = arith.addi %parallel_loop3A_240, %parallel_loop3A_437 : i32
        %parallel_loop3A_439 = arith.constant 640 : i32
        %parallel_loop3A_440 = arith.addi %parallel_loop3A_438, %parallel_loop3A_439 : i32
        %parallel_loop3A_441 = arith.index_cast %parallel_loop3A_440 : i32 to index
        %parallel_loop3A_442 = tpu.vector_load %arg10[%parallel_loop3A_441] {strides = array<i32>} : memref<16384xf32, #tpu.memory_space<vmem>>, vector<16xf32>,
        tpu.vector_store %arg10[%parallel_loop3A_441], %parallel_loop3A_436 {strides = array<i32>} : memref<16384xf32, #tpu.memory_space<vmem>>, vector<16xf32>,
        %parallel_loop3A_443 = arith.constant 22 : i32
        %parallel_loop3A_444 = vector.broadcast %parallel_loop3A_443 : i32 to vector<16xi32>
        %parallel_loop3A_445 = tpu.vector_load_idx %arg8[%parallel_loop3A_244, %parallel_loop3A_444] : memref<512x32xf32, #tpu.memory_space<vmem>>[vector<16xi32>, vector<16xi32>], vector<16xf32>,
        %parallel_loop3A_446 = arith.constant 8192 : i32
        %parallel_loop3A_447 = arith.addi %parallel_loop3A_240, %parallel_loop3A_446 : i32
        %parallel_loop3A_448 = arith.constant 768 : i32
        %parallel_loop3A_449 = arith.addi %parallel_loop3A_447, %parallel_loop3A_448 : i32
        %parallel_loop3A_450 = arith.index_cast %parallel_loop3A_449 : i32 to index
        %parallel_loop3A_451 = tpu.vector_load %arg10[%parallel_loop3A_450] {strides = array<i32>} : memref<16384xf32, #tpu.memory_space<vmem>>, vector<16xf32>,
        tpu.vector_store %arg10[%parallel_loop3A_450], %parallel_loop3A_445 {strides = array<i32>} : memref<16384xf32, #tpu.memory_space<vmem>>, vector<16xf32>,
        %parallel_loop3A_452 = arith.constant 23 : i32
        %parallel_loop3A_453 = vector.broadcast %parallel_loop3A_452 : i32 to vector<16xi32>
        %parallel_loop3A_454 = tpu.vector_load_idx %arg8[%parallel_loop3A_244, %parallel_loop3A_453] : memref<512x32xf32, #tpu.memory_space<vmem>>[vector<16xi32>, vector<16xi32>], vector<16xf32>,
        %parallel_loop3A_455 = arith.constant 8192 : i32
        %parallel_loop3A_456 = arith.addi %parallel_loop3A_240, %parallel_loop3A_455 : i32
        %parallel_loop3A_457 = arith.constant 896 : i32
        %parallel_loop3A_458 = arith.addi %parallel_loop3A_456, %parallel_loop3A_457 : i32
        %parallel_loop3A_459 = arith.index_cast %parallel_loop3A_458 : i32 to index
        %parallel_loop3A_460 = tpu.vector_load %arg10[%parallel_loop3A_459] {strides = array<i32>} : memref<16384xf32, #tpu.memory_space<vmem>>, vector<16xf32>,
        tpu.vector_store %arg10[%parallel_loop3A_459], %parallel_loop3A_454 {strides = array<i32>} : memref<16384xf32, #tpu.memory_space<vmem>>, vector<16xf32>,
        %parallel_loop3A_461 = arith.constant 24 : i32
        %parallel_loop3A_462 = vector.broadcast %parallel_loop3A_461 : i32 to vector<16xi32>
        %parallel_loop3A_463 = tpu.vector_load_idx %arg8[%parallel_loop3A_244, %parallel_loop3A_462] : memref<512x32xf32, #tpu.memory_space<vmem>>[vector<16xi32>, vector<16xi32>], vector<16xf32>,
        %parallel_loop3A_464 = arith.constant 12288 : i32
        %parallel_loop3A_465 = arith.addi %parallel_loop3A_240, %parallel_loop3A_464 : i32
        %parallel_loop3A_466 = arith.constant 0 : i32
        %parallel_loop3A_467 = arith.addi %parallel_loop3A_465, %parallel_loop3A_466 : i32
        %parallel_loop3A_468 = arith.index_cast %parallel_loop3A_467 : i32 to index
        %parallel_loop3A_469 = tpu.vector_load %arg10[%parallel_loop3A_468] {strides = array<i32>} : memref<16384xf32, #tpu.memory_space<vmem>>, vector<16xf32>,
        tpu.vector_store %arg10[%parallel_loop3A_468], %parallel_loop3A_463 {strides = array<i32>} : memref<16384xf32, #tpu.memory_space<vmem>>, vector<16xf32>,
        %parallel_loop3A_470 = arith.constant 25 : i32
        %parallel_loop3A_471 = vector.broadcast %parallel_loop3A_470 : i32 to vector<16xi32>
        %parallel_loop3A_472 = tpu.vector_load_idx %arg8[%parallel_loop3A_244, %parallel_loop3A_471] : memref<512x32xf32, #tpu.memory_space<vmem>>[vector<16xi32>, vector<16xi32>], vector<16xf32>,
        %parallel_loop3A_473 = arith.constant 12288 : i32
        %parallel_loop3A_474 = arith.addi %parallel_loop3A_240, %parallel_loop3A_473 : i32
        %parallel_loop3A_475 = arith.constant 128 : i32
        %parallel_loop3A_476 = arith.addi %parallel_loop3A_474, %parallel_loop3A_475 : i32
        %parallel_loop3A_477 = arith.index_cast %parallel_loop3A_476 : i32 to index
        %parallel_loop3A_478 = tpu.vector_load %arg10[%parallel_loop3A_477] {strides = array<i32>} : memref<16384xf32, #tpu.memory_space<vmem>>, vector<16xf32>,
        tpu.vector_store %arg10[%parallel_loop3A_477], %parallel_loop3A_472 {strides = array<i32>} : memref<16384xf32, #tpu.memory_space<vmem>>, vector<16xf32>,
        %parallel_loop3A_479 = arith.constant 26 : i32
        %parallel_loop3A_480 = vector.broadcast %parallel_loop3A_479 : i32 to vector<16xi32>
        %parallel_loop3A_481 = tpu.vector_load_idx %arg8[%parallel_loop3A_244, %parallel_loop3A_480] : memref<512x32xf32, #tpu.memory_space<vmem>>[vector<16xi32>, vector<16xi32>], vector<16xf32>,
        %parallel_loop3A_482 = arith.constant 12288 : i32
        %parallel_loop3A_483 = arith.addi %parallel_loop3A_240, %parallel_loop3A_482 : i32
        %parallel_loop3A_484 = arith.constant 256 : i32
        %parallel_loop3A_485 = arith.addi %parallel_loop3A_483, %parallel_loop3A_484 : i32
        %parallel_loop3A_486 = arith.index_cast %parallel_loop3A_485 : i32 to index
        %parallel_loop3A_487 = tpu.vector_load %arg10[%parallel_loop3A_486] {strides = array<i32>} : memref<16384xf32, #tpu.memory_space<vmem>>, vector<16xf32>,
        tpu.vector_store %arg10[%parallel_loop3A_486], %parallel_loop3A_481 {strides = array<i32>} : memref<16384xf32, #tpu.memory_space<vmem>>, vector<16xf32>,
        %parallel_loop3A_488 = arith.constant 27 : i32
        %parallel_loop3A_489 = vector.broadcast %parallel_loop3A_488 : i32 to vector<16xi32>
        %parallel_loop3A_490 = tpu.vector_load_idx %arg8[%parallel_loop3A_244, %parallel_loop3A_489] : memref<512x32xf32, #tpu.memory_space<vmem>>[vector<16xi32>, vector<16xi32>], vector<16xf32>,
        %parallel_loop3A_491 = arith.constant 12288 : i32
        %parallel_loop3A_492 = arith.addi %parallel_loop3A_240, %parallel_loop3A_491 : i32
        %parallel_loop3A_493 = arith.constant 384 : i32
        %parallel_loop3A_494 = arith.addi %parallel_loop3A_492, %parallel_loop3A_493 : i32
        %parallel_loop3A_495 = arith.index_cast %parallel_loop3A_494 : i32 to index
        %parallel_loop3A_496 = tpu.vector_load %arg10[%parallel_loop3A_495] {strides = array<i32>} : memref<16384xf32, #tpu.memory_space<vmem>>, vector<16xf32>,
        tpu.vector_store %arg10[%parallel_loop3A_495], %parallel_loop3A_490 {strides = array<i32>} : memref<16384xf32, #tpu.memory_space<vmem>>, vector<16xf32>,
        %parallel_loop3A_497 = arith.constant 28 : i32
        %parallel_loop3A_498 = vector.broadcast %parallel_loop3A_497 : i32 to vector<16xi32>
        %parallel_loop3A_499 = tpu.vector_load_idx %arg8[%parallel_loop3A_244, %parallel_loop3A_498] : memref<512x32xf32, #tpu.memory_space<vmem>>[vector<16xi32>, vector<16xi32>], vector<16xf32>,
        %parallel_loop3A_500 = arith.constant 12288 : i32
        %parallel_loop3A_501 = arith.addi %parallel_loop3A_240, %parallel_loop3A_500 : i32
        %parallel_loop3A_502 = arith.constant 512 : i32
        %parallel_loop3A_503 = arith.addi %parallel_loop3A_501, %parallel_loop3A_502 : i32
        %parallel_loop3A_504 = arith.index_cast %parallel_loop3A_503 : i32 to index
        %parallel_loop3A_505 = tpu.vector_load %arg10[%parallel_loop3A_504] {strides = array<i32>} : memref<16384xf32, #tpu.memory_space<vmem>>, vector<16xf32>,
        tpu.vector_store %arg10[%parallel_loop3A_504], %parallel_loop3A_499 {strides = array<i32>} : memref<16384xf32, #tpu.memory_space<vmem>>, vector<16xf32>,
        %parallel_loop3A_506 = arith.constant 29 : i32
        %parallel_loop3A_507 = vector.broadcast %parallel_loop3A_506 : i32 to vector<16xi32>
        %parallel_loop3A_508 = tpu.vector_load_idx %arg8[%parallel_loop3A_244, %parallel_loop3A_507] : memref<512x32xf32, #tpu.memory_space<vmem>>[vector<16xi32>, vector<16xi32>], vector<16xf32>,
        %parallel_loop3A_509 = arith.constant 12288 : i32
        %parallel_loop3A_510 = arith.addi %parallel_loop3A_240, %parallel_loop3A_509 : i32
        %parallel_loop3A_511 = arith.constant 640 : i32
        %parallel_loop3A_512 = arith.addi %parallel_loop3A_510, %parallel_loop3A_511 : i32
        %parallel_loop3A_513 = arith.index_cast %parallel_loop3A_512 : i32 to index
        %parallel_loop3A_514 = tpu.vector_load %arg10[%parallel_loop3A_513] {strides = array<i32>} : memref<16384xf32, #tpu.memory_space<vmem>>, vector<16xf32>,
        tpu.vector_store %arg10[%parallel_loop3A_513], %parallel_loop3A_508 {strides = array<i32>} : memref<16384xf32, #tpu.memory_space<vmem>>, vector<16xf32>,
        %parallel_loop3A_515 = arith.constant 30 : i32
        %parallel_loop3A_516 = vector.broadcast %parallel_loop3A_515 : i32 to vector<16xi32>
        %parallel_loop3A_517 = tpu.vector_load_idx %arg8[%parallel_loop3A_244, %parallel_loop3A_516] : memref<512x32xf32, #tpu.memory_space<vmem>>[vector<16xi32>, vector<16xi32>], vector<16xf32>,
        %parallel_loop3A_518 = arith.constant 12288 : i32
        %parallel_loop3A_519 = arith.addi %parallel_loop3A_240, %parallel_loop3A_518 : i32
        %parallel_loop3A_520 = arith.constant 768 : i32
        %parallel_loop3A_521 = arith.addi %parallel_loop3A_519, %parallel_loop3A_520 : i32
        %parallel_loop3A_522 = arith.index_cast %parallel_loop3A_521 : i32 to index
        %parallel_loop3A_523 = tpu.vector_load %arg10[%parallel_loop3A_522] {strides = array<i32>} : memref<16384xf32, #tpu.memory_space<vmem>>, vector<16xf32>,
        tpu.vector_store %arg10[%parallel_loop3A_522], %parallel_loop3A_517 {strides = array<i32>} : memref<16384xf32, #tpu.memory_space<vmem>>, vector<16xf32>,
        %parallel_loop3A_524 = arith.constant 31 : i32
        %parallel_loop3A_525 = vector.broadcast %parallel_loop3A_524 : i32 to vector<16xi32>
        %parallel_loop3A_526 = tpu.vector_load_idx %arg8[%parallel_loop3A_244, %parallel_loop3A_525] : memref<512x32xf32, #tpu.memory_space<vmem>>[vector<16xi32>, vector<16xi32>], vector<16xf32>,
        %parallel_loop3A_527 = arith.constant 12288 : i32
        %parallel_loop3A_528 = arith.addi %parallel_loop3A_240, %parallel_loop3A_527 : i32
        %parallel_loop3A_529 = arith.constant 896 : i32
        %parallel_loop3A_530 = arith.addi %parallel_loop3A_528, %parallel_loop3A_529 : i32
        %parallel_loop3A_531 = arith.index_cast %parallel_loop3A_530 : i32 to index
        %parallel_loop3A_532 = tpu.vector_load %arg10[%parallel_loop3A_531] {strides = array<i32>} : memref<16384xf32, #tpu.memory_space<vmem>>, vector<16xf32>,
        tpu.vector_store %arg10[%parallel_loop3A_531], %parallel_loop3A_526 {strides = array<i32>} : memref<16384xf32, #tpu.memory_space<vmem>>, vector<16xf32>,
      } {sc.loop_unroll_factor = 4 : i64, sc.parallel_access}
      %mul3A_83 = arith.constant 524288 : i32
      %mul3A_84 = arith.muli %add3A_74, %mul3A_83 : i32
      %add3A_85 = arith.constant 0 : i32
      %add3A_86 = arith.addi %mul3A_84, %add3A_85 : i32
      %add3A_87 = arith.addi %add3A_86, %mul3A_5 : i32
      %dma_start3A_88 = arith.constant 0 : i32
      %dma_start3A_89 = tpu.memref_slice %arg10[%dma_start3A_88] : memref<16384xf32, #tpu.memory_space<vmem>> -> memref<4096xf32, #tpu.memory_space<vmem>>
      %dma_start3A_90 = tpu.memref_slice %arg4[%add3A_87] : memref<26214400xf32, #tpu.memory_space<hbm>> -> memref<4096xf32, #tpu.memory_space<hbm>>
      %dma_start3A_91 = tpu.memref_slice %arg4[%add3A_87] : memref<26214400xf32, #tpu.memory_space<hbm>> -> memref<4096xf32, #tpu.memory_space<hbm>>
      %dma_start3A_92 = arith.constant 0 : i32
      %dma_start3A_93 = tpu.memref_slice %arg10[%dma_start3A_92] : memref<16384xf32, #tpu.memory_space<vmem>> -> memref<4096xf32, #tpu.memory_space<vmem>>
      tpu.enqueue_dma source(%dma_start3A_93 : memref<4096xf32, #tpu.memory_space<vmem>>) target(%dma_start3A_91 : memref<4096xf32, #tpu.memory_space<hbm>>) target_semaphore(%arg14 : memref<!tpu.dma_semaphore, #tpu.memory_space<semaphore_mem>>)
      %mul3A_94 = arith.constant 524288 : i32
      %mul3A_95 = arith.muli %add3A_74, %mul3A_94 : i32
      %add3A_96 = arith.constant 131072 : i32
      %add3A_97 = arith.addi %mul3A_95, %add3A_96 : i32
      %add3A_98 = arith.addi %add3A_97, %mul3A_5 : i32
      %dma_start3A_99 = arith.constant 4096 : i32
      %dma_start3A_100 = tpu.memref_slice %arg10[%dma_start3A_99] : memref<16384xf32, #tpu.memory_space<vmem>> -> memref<4096xf32, #tpu.memory_space<vmem>>
      %dma_start3A_101 = tpu.memref_slice %arg4[%add3A_98] : memref<26214400xf32, #tpu.memory_space<hbm>> -> memref<4096xf32, #tpu.memory_space<hbm>>
      %dma_start3A_102 = tpu.memref_slice %arg4[%add3A_98] : memref<26214400xf32, #tpu.memory_space<hbm>> -> memref<4096xf32, #tpu.memory_space<hbm>>
      %dma_start3A_103 = arith.constant 4096 : i32
      %dma_start3A_104 = tpu.memref_slice %arg10[%dma_start3A_103] : memref<16384xf32, #tpu.memory_space<vmem>> -> memref<4096xf32, #tpu.memory_space<vmem>>
      tpu.enqueue_dma source(%dma_start3A_104 : memref<4096xf32, #tpu.memory_space<vmem>>) target(%dma_start3A_102 : memref<4096xf32, #tpu.memory_space<hbm>>) target_semaphore(%arg14 : memref<!tpu.dma_semaphore, #tpu.memory_space<semaphore_mem>>)
      %mul3A_105 = arith.constant 524288 : i32
      %mul3A_106 = arith.muli %add3A_74, %mul3A_105 : i32
      %add3A_107 = arith.constant 262144 : i32
      %add3A_108 = arith.addi %mul3A_106, %add3A_107 : i32
      %add3A_109 = arith.addi %add3A_108, %mul3A_5 : i32
      %dma_start3A_110 = arith.constant 8192 : i32
      %dma_start3A_111 = tpu.memref_slice %arg10[%dma_start3A_110] : memref<16384xf32, #tpu.memory_space<vmem>> -> memref<4096xf32, #tpu.memory_space<vmem>>
      %dma_start3A_112 = tpu.memref_slice %arg4[%add3A_109] : memref<26214400xf32, #tpu.memory_space<hbm>> -> memref<4096xf32, #tpu.memory_space<hbm>>
      %dma_start3A_113 = tpu.memref_slice %arg4[%add3A_109] : memref<26214400xf32, #tpu.memory_space<hbm>> -> memref<4096xf32, #tpu.memory_space<hbm>>
      %dma_start3A_114 = arith.constant 8192 : i32
      %dma_start3A_115 = tpu.memref_slice %arg10[%dma_start3A_114] : memref<16384xf32, #tpu.memory_space<vmem>> -> memref<4096xf32, #tpu.memory_space<vmem>>
      tpu.enqueue_dma source(%dma_start3A_115 : memref<4096xf32, #tpu.memory_space<vmem>>) target(%dma_start3A_113 : memref<4096xf32, #tpu.memory_space<hbm>>) target_semaphore(%arg14 : memref<!tpu.dma_semaphore, #tpu.memory_space<semaphore_mem>>)
      %mul3A_116 = arith.constant 524288 : i32
      %mul3A_117 = arith.muli %add3A_74, %mul3A_116 : i32
      %add3A_118 = arith.constant 393216 : i32
      %add3A_119 = arith.addi %mul3A_117, %add3A_118 : i32
      %add3A_120 = arith.addi %add3A_119, %mul3A_5 : i32
      %dma_start3A_121 = arith.constant 12288 : i32
      %dma_start3A_122 = tpu.memref_slice %arg10[%dma_start3A_121] : memref<16384xf32, #tpu.memory_space<vmem>> -> memref<4096xf32, #tpu.memory_space<vmem>>
      %dma_start3A_123 = tpu.memref_slice %arg4[%add3A_120] : memref<26214400xf32, #tpu.memory_space<hbm>> -> memref<4096xf32, #tpu.memory_space<hbm>>
      %dma_start3A_124 = tpu.memref_slice %arg4[%add3A_120] : memref<26214400xf32, #tpu.memory_space<hbm>> -> memref<4096xf32, #tpu.memory_space<hbm>>
      %dma_start3A_125 = arith.constant 12288 : i32
      %dma_start3A_126 = tpu.memref_slice %arg10[%dma_start3A_125] : memref<16384xf32, #tpu.memory_space<vmem>> -> memref<4096xf32, #tpu.memory_space<vmem>>
      tpu.enqueue_dma source(%dma_start3A_126 : memref<4096xf32, #tpu.memory_space<vmem>>) target(%dma_start3A_124 : memref<4096xf32, #tpu.memory_space<hbm>>) target_semaphore(%arg14 : memref<!tpu.dma_semaphore, #tpu.memory_space<semaphore_mem>>)
      %lt3A = arith.constant 24 : i32
      %lt3A_127 = arith.cmpi slt, %scan3A_70, %lt3A : i32
      %convert_element_type3A_128 = arith.extui %lt3A_127 : i1 to i32
      %cond3A_129 = arith.constant 0 : i32
      %cond3A_130 = arith.cmpi ne, %convert_element_type3A_128, %cond3A_129 : i32
      scf.if %cond3A_130 {
        %add3A_195 = arith.constant 2 : i32
        %add3A_196 = arith.addi %add3A_74, %add3A_195 : i32
        %parallel_loop3A_197 = arith.constant 0 : i32
        %parallel_loop3A_198 = arith.constant 32 : i32
        %parallel_loop3A_199 = arith.constant 1 : i32
        scf.for %parallel_loop3A_203 = %parallel_loop3A_197 to %parallel_loop3A_198 step %parallel_loop3A_199  : i32 {
          %parallel_loop3A_204 = arith.constant 800 : i32
          %parallel_loop3A_205 = arith.muli %parallel_loop3A_203, %parallel_loop3A_204 : i32
          %parallel_loop3A_206 = arith.addi %parallel_loop3A_205, %add3A_196 : i32
          %parallel_loop3A_207 = vector.broadcast %parallel_loop3A_206 : i32 to vector<16xi32>
          %parallel_loop3A_208 = arith.addi %mul3A_3, %parallel_loop3A_207 : vector<16xi32>
          %parallel_loop3A_209 = tpu.vector_load_idx %arg5[%parallel_loop3A_208] : memref<25600xi32, #tpu.memory_space<vmem>>[vector<16xi32>], vector<16xi32>,
          %parallel_loop3A_210 = arith.constant 16 : i32
          %parallel_loop3A_211 = arith.muli %parallel_loop3A_203, %parallel_loop3A_210 : i32
          %parallel_loop3A_212 = arith.index_cast %parallel_loop3A_211 : i32 to index
          %parallel_loop3A_213 = tpu.vector_load %arg6[%parallel_loop3A_212] {strides = array<i32>} : memref<512xi32, #tpu.memory_space<vmem>>, vector<16xi32>,
          tpu.vector_store %arg6[%parallel_loop3A_212], %parallel_loop3A_209 {strides = array<i32>} : memref<512xi32, #tpu.memory_space<vmem>>, vector<16xi32>,
        } {sc.loop_unroll_factor = 4 : i64, sc.parallel_access}
        %dma_start3A_200 = arith.constant 0 : i32
        %dma_start3A_201 = arith.constant 0 : i32
        %dma_start3A_202 = tpu.memref_slice %arg3[%dma_start3A_200, %dma_start3A_201] : memref<1000000x32xf32, #tpu.memory_space<hbm>> -> memref<1000000x32xf32, #tpu.memory_space<hbm>>
        tpu.enqueue_indirect_dma source(%dma_start3A_202 : memref<1000000x32xf32, #tpu.memory_space<hbm>>) target(%arg8 : memref<512x32xf32, #tpu.memory_space<vmem>>) offsets(%arg6 : memref<512xi32, #tpu.memory_space<vmem>>) semaphore(%arg12 : memref<!tpu.dma_semaphore, #tpu.memory_space<semaphore_mem>>)
      } else {
      }
      %mul3A_131 = arith.constant 2 : i32
      %mul3A_132 = arith.muli %mul3A_131, %scan3A_70 : i32
      %add3A_133 = arith.constant 1 : i32
      %add3A_134 = arith.addi %mul3A_132, %add3A_133 : i32
      %dma_wait3A_135 = arith.constant 0 : i32
      %dma_wait3A_136 = arith.constant 0 : i32
      %dma_wait3A_137 = tpu.memref_slice %arg3[%dma_wait3A_135, %dma_wait3A_136] : memref<1000000x32xf32, #tpu.memory_space<hbm>> -> memref<1000000x32xf32, #tpu.memory_space<hbm>>
      tpu.wait_indirect_dma semaphore(%arg13 : memref<!tpu.dma_semaphore, #tpu.memory_space<semaphore_mem>>) src(%dma_wait3A_137 : memref<1000000x32xf32, #tpu.memory_space<hbm>>) dst(%arg9 : memref<512x32xf32, #tpu.memory_space<vmem>>)
      %gt3A_138 = arith.constant 0 : i32
      %gt3A_139 = arith.cmpi sgt, %scan3A_70, %gt3A_138 : i32
      %convert_element_type3A_140 = arith.extui %gt3A_139 : i1 to i32
      %cond3A_141 = arith.constant 0 : i32
      %cond3A_142 = arith.cmpi ne, %convert_element_type3A_140, %cond3A_141 : i32
      scf.if %cond3A_142 {
        %dma_wait3A_195 = arith.constant 0 : i32
        %dma_wait3A_196 = tpu.memref_slice %arg11[%dma_wait3A_195] : memref<16384xf32, #tpu.memory_space<vmem>> -> memref<4096xf32, #tpu.memory_space<vmem>>
        %dma_wait3A_197 = tpu.memref_slice %arg4[%mul3A_5] : memref<26214400xf32, #tpu.memory_space<hbm>> -> memref<4096xf32, #tpu.memory_space<hbm>>
        %dma_wait3A_198 = tpu.memref_slice %arg4[%mul3A_5] : memref<26214400xf32, #tpu.memory_space<hbm>> -> memref<4096xf32, #tpu.memory_space<hbm>>
        %dma_wait3A_199 = arith.constant 0 : i32
        %dma_wait3A_200 = tpu.memref_slice %arg11[%dma_wait3A_199] : memref<16384xf32, #tpu.memory_space<vmem>> -> memref<4096xf32, #tpu.memory_space<vmem>>
        tpu.wait_dma2 semaphore(%arg15 : memref<!tpu.dma_semaphore, #tpu.memory_space<semaphore_mem>>) src(%dma_wait3A_200 : memref<4096xf32, #tpu.memory_space<vmem>>) dst(%dma_wait3A_198 : memref<4096xf32, #tpu.memory_space<hbm>>)
        %dma_wait3A_201 = arith.constant 4096 : i32
        %dma_wait3A_202 = tpu.memref_slice %arg11[%dma_wait3A_201] : memref<16384xf32, #tpu.memory_space<vmem>> -> memref<4096xf32, #tpu.memory_space<vmem>>
        %dma_wait3A_203 = tpu.memref_slice %arg4[%mul3A_5] : memref<26214400xf32, #tpu.memory_space<hbm>> -> memref<4096xf32, #tpu.memory_space<hbm>>
        %dma_wait3A_204 = tpu.memref_slice %arg4[%mul3A_5] : memref<26214400xf32, #tpu.memory_space<hbm>> -> memref<4096xf32, #tpu.memory_space<hbm>>
        %dma_wait3A_205 = arith.constant 4096 : i32
        %dma_wait3A_206 = tpu.memref_slice %arg11[%dma_wait3A_205] : memref<16384xf32, #tpu.memory_space<vmem>> -> memref<4096xf32, #tpu.memory_space<vmem>>
        tpu.wait_dma2 semaphore(%arg15 : memref<!tpu.dma_semaphore, #tpu.memory_space<semaphore_mem>>) src(%dma_wait3A_206 : memref<4096xf32, #tpu.memory_space<vmem>>) dst(%dma_wait3A_204 : memref<4096xf32, #tpu.memory_space<hbm>>)
        %dma_wait3A_207 = arith.constant 8192 : i32
        %dma_wait3A_208 = tpu.memref_slice %arg11[%dma_wait3A_207] : memref<16384xf32, #tpu.memory_space<vmem>> -> memref<4096xf32, #tpu.memory_space<vmem>>
        %dma_wait3A_209 = tpu.memref_slice %arg4[%mul3A_5] : memref<26214400xf32, #tpu.memory_space<hbm>> -> memref<4096xf32, #tpu.memory_space<hbm>>
        %dma_wait3A_210 = tpu.memref_slice %arg4[%mul3A_5] : memref<26214400xf32, #tpu.memory_space<hbm>> -> memref<4096xf32, #tpu.memory_space<hbm>>
        %dma_wait3A_211 = arith.constant 8192 : i32
        %dma_wait3A_212 = tpu.memref_slice %arg11[%dma_wait3A_211] : memref<16384xf32, #tpu.memory_space<vmem>> -> memref<4096xf32, #tpu.memory_space<vmem>>
        tpu.wait_dma2 semaphore(%arg15 : memref<!tpu.dma_semaphore, #tpu.memory_space<semaphore_mem>>) src(%dma_wait3A_212 : memref<4096xf32, #tpu.memory_space<vmem>>) dst(%dma_wait3A_210 : memref<4096xf32, #tpu.memory_space<hbm>>)
        %dma_wait3A_213 = arith.constant 12288 : i32
        %dma_wait3A_214 = tpu.memref_slice %arg11[%dma_wait3A_213] : memref<16384xf32, #tpu.memory_space<vmem>> -> memref<4096xf32, #tpu.memory_space<vmem>>
        %dma_wait3A_215 = tpu.memref_slice %arg4[%mul3A_5] : memref<26214400xf32, #tpu.memory_space<hbm>> -> memref<4096xf32, #tpu.memory_space<hbm>>
        %dma_wait3A_216 = tpu.memref_slice %arg4[%mul3A_5] : memref<26214400xf32, #tpu.memory_space<hbm>> -> memref<4096xf32, #tpu.memory_space<hbm>>
        %dma_wait3A_217 = arith.constant 12288 : i32
        %dma_wait3A_218 = tpu.memref_slice %arg11[%dma_wait3A_217] : memref<16384xf32, #tpu.memory_space<vmem>> -> memref<4096xf32, #tpu.memory_space<vmem>>
        tpu.wait_dma2 semaphore(%arg15 : memref<!tpu.dma_semaphore, #tpu.memory_space<semaphore_mem>>) src(%dma_wait3A_218 : memref<4096xf32, #tpu.memory_space<vmem>>) dst(%dma_wait3A_216 : memref<4096xf32, #tpu.memory_space<hbm>>)
      } else {
      }
      %parallel_loop3A_143 = arith.constant 0 : i32
      %parallel_loop3A_144 = arith.constant 32 : i32
      %parallel_loop3A_145 = arith.constant 1 : i32
      scf.for %parallel_loop3A_195 = %parallel_loop3A_143 to %parallel_loop3A_144 step %parallel_loop3A_145  : i32 {
        %parallel_loop3A_196 = arith.constant 8 : i32
        %parallel_loop3A_197 = arith.divsi %parallel_loop3A_195, %parallel_loop3A_196 : i32
        %parallel_loop3A_198 = arith.constant 0 : i32
        %parallel_loop3A_199 = arith.cmpi sgt, %parallel_loop3A_195, %parallel_loop3A_198 : i32
        %parallel_loop3A_200 = arith.extui %parallel_loop3A_199 : i1 to i32
        %parallel_loop3A_201 = arith.constant 0 : i32
        %parallel_loop3A_202 = arith.cmpi slt, %parallel_loop3A_195, %parallel_loop3A_201 : i32
        %parallel_loop3A_203 = arith.extui %parallel_loop3A_202 : i1 to i32
        %parallel_loop3A_204 = arith.subi %parallel_loop3A_200, %parallel_loop3A_203 : i32
        %parallel_loop3A_205 = arith.constant 0 : i32
        %parallel_loop3A_206 = arith.cmpi sgt, %parallel_loop3A_196, %parallel_loop3A_205 : i32
        %parallel_loop3A_207 = arith.extui %parallel_loop3A_206 : i1 to i32
        %parallel_loop3A_208 = arith.constant 0 : i32
        %parallel_loop3A_209 = arith.cmpi slt, %parallel_loop3A_196, %parallel_loop3A_208 : i32
        %parallel_loop3A_210 = arith.extui %parallel_loop3A_209 : i1 to i32
        %parallel_loop3A_211 = arith.subi %parallel_loop3A_207, %parallel_loop3A_210 : i32
        %parallel_loop3A_212 = arith.cmpi ne, %parallel_loop3A_204, %parallel_loop3A_211 : i32
        %parallel_loop3A_213 = arith.remsi %parallel_loop3A_195, %parallel_loop3A_196 : i32
        %parallel_loop3A_214 = arith.constant 0 : i32
        %parallel_loop3A_215 = arith.cmpi ne, %parallel_loop3A_213, %parallel_loop3A_214 : i32
        %parallel_loop3A_216 = arith.andi %parallel_loop3A_212, %parallel_loop3A_215 : i1
        %parallel_loop3A_217 = arith.constant 1 : i32
        %parallel_loop3A_218 = arith.subi %parallel_loop3A_197, %parallel_loop3A_217 : i32
        %parallel_loop3A_219 = arith.select %parallel_loop3A_216, %parallel_loop3A_218, %parallel_loop3A_197 : i32
        %parallel_loop3A_220 = arith.constant 1024 : i32
        %parallel_loop3A_221 = arith.muli %parallel_loop3A_219, %parallel_loop3A_220 : i32
        %parallel_loop3A_222 = arith.constant 8 : i32
        %parallel_loop3A_223 = arith.constant 0 : i32
        %parallel_loop3A_224 = arith.cmpi eq, %parallel_loop3A_222, %parallel_loop3A_223 : i32
        %parallel_loop3A_225 = arith.constant 1 : i32
        %parallel_loop3A_226 = arith.select %parallel_loop3A_224, %parallel_loop3A_225, %parallel_loop3A_222 : i32
        %parallel_loop3A_227 = arith.remsi %parallel_loop3A_195, %parallel_loop3A_226 : i32
        %parallel_loop3A_228 = arith.constant 0 : i32
        %parallel_loop3A_229 = arith.cmpi ne, %parallel_loop3A_227, %parallel_loop3A_228 : i32
        %parallel_loop3A_230 = arith.constant 0 : i32
        %parallel_loop3A_231 = arith.cmpi slt, %parallel_loop3A_227, %parallel_loop3A_230 : i32
        %parallel_loop3A_232 = arith.constant 0 : i32
        %parallel_loop3A_233 = arith.cmpi slt, %parallel_loop3A_226, %parallel_loop3A_232 : i32
        %parallel_loop3A_234 = arith.xori %parallel_loop3A_231, %parallel_loop3A_233 : i1
        %parallel_loop3A_235 = arith.andi %parallel_loop3A_234, %parallel_loop3A_229 : i1
        %parallel_loop3A_236 = arith.addi %parallel_loop3A_227, %parallel_loop3A_226 : i32
        %parallel_loop3A_237 = arith.select %parallel_loop3A_235, %parallel_loop3A_236, %parallel_loop3A_227 : i32
        %parallel_loop3A_238 = arith.constant 16 : i32
        %parallel_loop3A_239 = arith.muli %parallel_loop3A_237, %parallel_loop3A_238 : i32
        %parallel_loop3A_240 = arith.addi %parallel_loop3A_221, %parallel_loop3A_239 : i32
        %parallel_loop3A_241 = arith.constant 16 : i32
        %parallel_loop3A_242 = arith.muli %parallel_loop3A_195, %parallel_loop3A_241 : i32
        %parallel_loop3A_243 = vector.broadcast %parallel_loop3A_242 : i32 to vector<16xi32>
        %parallel_loop3A_244 = arith.addi %iota3A, %parallel_loop3A_243 : vector<16xi32>
        %parallel_loop3A_245 = arith.constant 0 : i32
        %parallel_loop3A_246 = vector.broadcast %parallel_loop3A_245 : i32 to vector<16xi32>
        %parallel_loop3A_247 = tpu.vector_load_idx %arg9[%parallel_loop3A_244, %parallel_loop3A_246] : memref<512x32xf32, #tpu.memory_space<vmem>>[vector<16xi32>, vector<16xi32>], vector<16xf32>,
        %parallel_loop3A_248 = arith.constant 0 : i32
        %parallel_loop3A_249 = arith.addi %parallel_loop3A_240, %parallel_loop3A_248 : i32
        %parallel_loop3A_250 = arith.constant 0 : i32
        %parallel_loop3A_251 = arith.addi %parallel_loop3A_249, %parallel_loop3A_250 : i32
        %parallel_loop3A_252 = arith.index_cast %parallel_loop3A_251 : i32 to index
        %parallel_loop3A_253 = tpu.vector_load %arg11[%parallel_loop3A_252] {strides = array<i32>} : memref<16384xf32, #tpu.memory_space<vmem>>, vector<16xf32>,
        tpu.vector_store %arg11[%parallel_loop3A_252], %parallel_loop3A_247 {strides = array<i32>} : memref<16384xf32, #tpu.memory_space<vmem>>, vector<16xf32>,
        %parallel_loop3A_254 = arith.constant 1 : i32
        %parallel_loop3A_255 = vector.broadcast %parallel_loop3A_254 : i32 to vector<16xi32>
        %parallel_loop3A_256 = tpu.vector_load_idx %arg9[%parallel_loop3A_244, %parallel_loop3A_255] : memref<512x32xf32, #tpu.memory_space<vmem>>[vector<16xi32>, vector<16xi32>], vector<16xf32>,
        %parallel_loop3A_257 = arith.constant 0 : i32
        %parallel_loop3A_258 = arith.addi %parallel_loop3A_240, %parallel_loop3A_257 : i32
        %parallel_loop3A_259 = arith.constant 128 : i32
        %parallel_loop3A_260 = arith.addi %parallel_loop3A_258, %parallel_loop3A_259 : i32
        %parallel_loop3A_261 = arith.index_cast %parallel_loop3A_260 : i32 to index
        %parallel_loop3A_262 = tpu.vector_load %arg11[%parallel_loop3A_261] {strides = array<i32>} : memref<16384xf32, #tpu.memory_space<vmem>>, vector<16xf32>,
        tpu.vector_store %arg11[%parallel_loop3A_261], %parallel_loop3A_256 {strides = array<i32>} : memref<16384xf32, #tpu.memory_space<vmem>>, vector<16xf32>,
        %parallel_loop3A_263 = arith.constant 2 : i32
        %parallel_loop3A_264 = vector.broadcast %parallel_loop3A_263 : i32 to vector<16xi32>
        %parallel_loop3A_265 = tpu.vector_load_idx %arg9[%parallel_loop3A_244, %parallel_loop3A_264] : memref<512x32xf32, #tpu.memory_space<vmem>>[vector<16xi32>, vector<16xi32>], vector<16xf32>,
        %parallel_loop3A_266 = arith.constant 0 : i32
        %parallel_loop3A_267 = arith.addi %parallel_loop3A_240, %parallel_loop3A_266 : i32
        %parallel_loop3A_268 = arith.constant 256 : i32
        %parallel_loop3A_269 = arith.addi %parallel_loop3A_267, %parallel_loop3A_268 : i32
        %parallel_loop3A_270 = arith.index_cast %parallel_loop3A_269 : i32 to index
        %parallel_loop3A_271 = tpu.vector_load %arg11[%parallel_loop3A_270] {strides = array<i32>} : memref<16384xf32, #tpu.memory_space<vmem>>, vector<16xf32>,
        tpu.vector_store %arg11[%parallel_loop3A_270], %parallel_loop3A_265 {strides = array<i32>} : memref<16384xf32, #tpu.memory_space<vmem>>, vector<16xf32>,
        %parallel_loop3A_272 = arith.constant 3 : i32
        %parallel_loop3A_273 = vector.broadcast %parallel_loop3A_272 : i32 to vector<16xi32>
        %parallel_loop3A_274 = tpu.vector_load_idx %arg9[%parallel_loop3A_244, %parallel_loop3A_273] : memref<512x32xf32, #tpu.memory_space<vmem>>[vector<16xi32>, vector<16xi32>], vector<16xf32>,
        %parallel_loop3A_275 = arith.constant 0 : i32
        %parallel_loop3A_276 = arith.addi %parallel_loop3A_240, %parallel_loop3A_275 : i32
        %parallel_loop3A_277 = arith.constant 384 : i32
        %parallel_loop3A_278 = arith.addi %parallel_loop3A_276, %parallel_loop3A_277 : i32
        %parallel_loop3A_279 = arith.index_cast %parallel_loop3A_278 : i32 to index
        %parallel_loop3A_280 = tpu.vector_load %arg11[%parallel_loop3A_279] {strides = array<i32>} : memref<16384xf32, #tpu.memory_space<vmem>>, vector<16xf32>,
        tpu.vector_store %arg11[%parallel_loop3A_279], %parallel_loop3A_274 {strides = array<i32>} : memref<16384xf32, #tpu.memory_space<vmem>>, vector<16xf32>,
        %parallel_loop3A_281 = arith.constant 4 : i32
        %parallel_loop3A_282 = vector.broadcast %parallel_loop3A_281 : i32 to vector<16xi32>
        %parallel_loop3A_283 = tpu.vector_load_idx %arg9[%parallel_loop3A_244, %parallel_loop3A_282] : memref<512x32xf32, #tpu.memory_space<vmem>>[vector<16xi32>, vector<16xi32>], vector<16xf32>,
        %parallel_loop3A_284 = arith.constant 0 : i32
        %parallel_loop3A_285 = arith.addi %parallel_loop3A_240, %parallel_loop3A_284 : i32
        %parallel_loop3A_286 = arith.constant 512 : i32
        %parallel_loop3A_287 = arith.addi %parallel_loop3A_285, %parallel_loop3A_286 : i32
        %parallel_loop3A_288 = arith.index_cast %parallel_loop3A_287 : i32 to index
        %parallel_loop3A_289 = tpu.vector_load %arg11[%parallel_loop3A_288] {strides = array<i32>} : memref<16384xf32, #tpu.memory_space<vmem>>, vector<16xf32>,
        tpu.vector_store %arg11[%parallel_loop3A_288], %parallel_loop3A_283 {strides = array<i32>} : memref<16384xf32, #tpu.memory_space<vmem>>, vector<16xf32>,
        %parallel_loop3A_290 = arith.constant 5 : i32
        %parallel_loop3A_291 = vector.broadcast %parallel_loop3A_290 : i32 to vector<16xi32>
        %parallel_loop3A_292 = tpu.vector_load_idx %arg9[%parallel_loop3A_244, %parallel_loop3A_291] : memref<512x32xf32, #tpu.memory_space<vmem>>[vector<16xi32>, vector<16xi32>], vector<16xf32>,
        %parallel_loop3A_293 = arith.constant 0 : i32
        %parallel_loop3A_294 = arith.addi %parallel_loop3A_240, %parallel_loop3A_293 : i32
        %parallel_loop3A_295 = arith.constant 640 : i32
        %parallel_loop3A_296 = arith.addi %parallel_loop3A_294, %parallel_loop3A_295 : i32
        %parallel_loop3A_297 = arith.index_cast %parallel_loop3A_296 : i32 to index
        %parallel_loop3A_298 = tpu.vector_load %arg11[%parallel_loop3A_297] {strides = array<i32>} : memref<16384xf32, #tpu.memory_space<vmem>>, vector<16xf32>,
        tpu.vector_store %arg11[%parallel_loop3A_297], %parallel_loop3A_292 {strides = array<i32>} : memref<16384xf32, #tpu.memory_space<vmem>>, vector<16xf32>,
        %parallel_loop3A_299 = arith.constant 6 : i32
        %parallel_loop3A_300 = vector.broadcast %parallel_loop3A_299 : i32 to vector<16xi32>
        %parallel_loop3A_301 = tpu.vector_load_idx %arg9[%parallel_loop3A_244, %parallel_loop3A_300] : memref<512x32xf32, #tpu.memory_space<vmem>>[vector<16xi32>, vector<16xi32>], vector<16xf32>,
        %parallel_loop3A_302 = arith.constant 0 : i32
        %parallel_loop3A_303 = arith.addi %parallel_loop3A_240, %parallel_loop3A_302 : i32
        %parallel_loop3A_304 = arith.constant 768 : i32
        %parallel_loop3A_305 = arith.addi %parallel_loop3A_303, %parallel_loop3A_304 : i32
        %parallel_loop3A_306 = arith.index_cast %parallel_loop3A_305 : i32 to index
        %parallel_loop3A_307 = tpu.vector_load %arg11[%parallel_loop3A_306] {strides = array<i32>} : memref<16384xf32, #tpu.memory_space<vmem>>, vector<16xf32>,
        tpu.vector_store %arg11[%parallel_loop3A_306], %parallel_loop3A_301 {strides = array<i32>} : memref<16384xf32, #tpu.memory_space<vmem>>, vector<16xf32>,
        %parallel_loop3A_308 = arith.constant 7 : i32
        %parallel_loop3A_309 = vector.broadcast %parallel_loop3A_308 : i32 to vector<16xi32>
        %parallel_loop3A_310 = tpu.vector_load_idx %arg9[%parallel_loop3A_244, %parallel_loop3A_309] : memref<512x32xf32, #tpu.memory_space<vmem>>[vector<16xi32>, vector<16xi32>], vector<16xf32>,
        %parallel_loop3A_311 = arith.constant 0 : i32
        %parallel_loop3A_312 = arith.addi %parallel_loop3A_240, %parallel_loop3A_311 : i32
        %parallel_loop3A_313 = arith.constant 896 : i32
        %parallel_loop3A_314 = arith.addi %parallel_loop3A_312, %parallel_loop3A_313 : i32
        %parallel_loop3A_315 = arith.index_cast %parallel_loop3A_314 : i32 to index
        %parallel_loop3A_316 = tpu.vector_load %arg11[%parallel_loop3A_315] {strides = array<i32>} : memref<16384xf32, #tpu.memory_space<vmem>>, vector<16xf32>,
        tpu.vector_store %arg11[%parallel_loop3A_315], %parallel_loop3A_310 {strides = array<i32>} : memref<16384xf32, #tpu.memory_space<vmem>>, vector<16xf32>,
        %parallel_loop3A_317 = arith.constant 8 : i32
        %parallel_loop3A_318 = vector.broadcast %parallel_loop3A_317 : i32 to vector<16xi32>
        %parallel_loop3A_319 = tpu.vector_load_idx %arg9[%parallel_loop3A_244, %parallel_loop3A_318] : memref<512x32xf32, #tpu.memory_space<vmem>>[vector<16xi32>, vector<16xi32>], vector<16xf32>,
        %parallel_loop3A_320 = arith.constant 4096 : i32
        %parallel_loop3A_321 = arith.addi %parallel_loop3A_240, %parallel_loop3A_320 : i32
        %parallel_loop3A_322 = arith.constant 0 : i32
        %parallel_loop3A_323 = arith.addi %parallel_loop3A_321, %parallel_loop3A_322 : i32
        %parallel_loop3A_324 = arith.index_cast %parallel_loop3A_323 : i32 to index
        %parallel_loop3A_325 = tpu.vector_load %arg11[%parallel_loop3A_324] {strides = array<i32>} : memref<16384xf32, #tpu.memory_space<vmem>>, vector<16xf32>,
        tpu.vector_store %arg11[%parallel_loop3A_324], %parallel_loop3A_319 {strides = array<i32>} : memref<16384xf32, #tpu.memory_space<vmem>>, vector<16xf32>,
        %parallel_loop3A_326 = arith.constant 9 : i32
        %parallel_loop3A_327 = vector.broadcast %parallel_loop3A_326 : i32 to vector<16xi32>
        %parallel_loop3A_328 = tpu.vector_load_idx %arg9[%parallel_loop3A_244, %parallel_loop3A_327] : memref<512x32xf32, #tpu.memory_space<vmem>>[vector<16xi32>, vector<16xi32>], vector<16xf32>,
        %parallel_loop3A_329 = arith.constant 4096 : i32
        %parallel_loop3A_330 = arith.addi %parallel_loop3A_240, %parallel_loop3A_329 : i32
        %parallel_loop3A_331 = arith.constant 128 : i32
        %parallel_loop3A_332 = arith.addi %parallel_loop3A_330, %parallel_loop3A_331 : i32
        %parallel_loop3A_333 = arith.index_cast %parallel_loop3A_332 : i32 to index
        %parallel_loop3A_334 = tpu.vector_load %arg11[%parallel_loop3A_333] {strides = array<i32>} : memref<16384xf32, #tpu.memory_space<vmem>>, vector<16xf32>,
        tpu.vector_store %arg11[%parallel_loop3A_333], %parallel_loop3A_328 {strides = array<i32>} : memref<16384xf32, #tpu.memory_space<vmem>>, vector<16xf32>,
        %parallel_loop3A_335 = arith.constant 10 : i32
        %parallel_loop3A_336 = vector.broadcast %parallel_loop3A_335 : i32 to vector<16xi32>
        %parallel_loop3A_337 = tpu.vector_load_idx %arg9[%parallel_loop3A_244, %parallel_loop3A_336] : memref<512x32xf32, #tpu.memory_space<vmem>>[vector<16xi32>, vector<16xi32>], vector<16xf32>,
        %parallel_loop3A_338 = arith.constant 4096 : i32
        %parallel_loop3A_339 = arith.addi %parallel_loop3A_240, %parallel_loop3A_338 : i32
        %parallel_loop3A_340 = arith.constant 256 : i32
        %parallel_loop3A_341 = arith.addi %parallel_loop3A_339, %parallel_loop3A_340 : i32
        %parallel_loop3A_342 = arith.index_cast %parallel_loop3A_341 : i32 to index
        %parallel_loop3A_343 = tpu.vector_load %arg11[%parallel_loop3A_342] {strides = array<i32>} : memref<16384xf32, #tpu.memory_space<vmem>>, vector<16xf32>,
        tpu.vector_store %arg11[%parallel_loop3A_342], %parallel_loop3A_337 {strides = array<i32>} : memref<16384xf32, #tpu.memory_space<vmem>>, vector<16xf32>,
        %parallel_loop3A_344 = arith.constant 11 : i32
        %parallel_loop3A_345 = vector.broadcast %parallel_loop3A_344 : i32 to vector<16xi32>
        %parallel_loop3A_346 = tpu.vector_load_idx %arg9[%parallel_loop3A_244, %parallel_loop3A_345] : memref<512x32xf32, #tpu.memory_space<vmem>>[vector<16xi32>, vector<16xi32>], vector<16xf32>,
        %parallel_loop3A_347 = arith.constant 4096 : i32
        %parallel_loop3A_348 = arith.addi %parallel_loop3A_240, %parallel_loop3A_347 : i32
        %parallel_loop3A_349 = arith.constant 384 : i32
        %parallel_loop3A_350 = arith.addi %parallel_loop3A_348, %parallel_loop3A_349 : i32
        %parallel_loop3A_351 = arith.index_cast %parallel_loop3A_350 : i32 to index
        %parallel_loop3A_352 = tpu.vector_load %arg11[%parallel_loop3A_351] {strides = array<i32>} : memref<16384xf32, #tpu.memory_space<vmem>>, vector<16xf32>,
        tpu.vector_store %arg11[%parallel_loop3A_351], %parallel_loop3A_346 {strides = array<i32>} : memref<16384xf32, #tpu.memory_space<vmem>>, vector<16xf32>,
        %parallel_loop3A_353 = arith.constant 12 : i32
        %parallel_loop3A_354 = vector.broadcast %parallel_loop3A_353 : i32 to vector<16xi32>
        %parallel_loop3A_355 = tpu.vector_load_idx %arg9[%parallel_loop3A_244, %parallel_loop3A_354] : memref<512x32xf32, #tpu.memory_space<vmem>>[vector<16xi32>, vector<16xi32>], vector<16xf32>,
        %parallel_loop3A_356 = arith.constant 4096 : i32
        %parallel_loop3A_357 = arith.addi %parallel_loop3A_240, %parallel_loop3A_356 : i32
        %parallel_loop3A_358 = arith.constant 512 : i32
        %parallel_loop3A_359 = arith.addi %parallel_loop3A_357, %parallel_loop3A_358 : i32
        %parallel_loop3A_360 = arith.index_cast %parallel_loop3A_359 : i32 to index
        %parallel_loop3A_361 = tpu.vector_load %arg11[%parallel_loop3A_360] {strides = array<i32>} : memref<16384xf32, #tpu.memory_space<vmem>>, vector<16xf32>,
        tpu.vector_store %arg11[%parallel_loop3A_360], %parallel_loop3A_355 {strides = array<i32>} : memref<16384xf32, #tpu.memory_space<vmem>>, vector<16xf32>,
        %parallel_loop3A_362 = arith.constant 13 : i32
        %parallel_loop3A_363 = vector.broadcast %parallel_loop3A_362 : i32 to vector<16xi32>
        %parallel_loop3A_364 = tpu.vector_load_idx %arg9[%parallel_loop3A_244, %parallel_loop3A_363] : memref<512x32xf32, #tpu.memory_space<vmem>>[vector<16xi32>, vector<16xi32>], vector<16xf32>,
        %parallel_loop3A_365 = arith.constant 4096 : i32
        %parallel_loop3A_366 = arith.addi %parallel_loop3A_240, %parallel_loop3A_365 : i32
        %parallel_loop3A_367 = arith.constant 640 : i32
        %parallel_loop3A_368 = arith.addi %parallel_loop3A_366, %parallel_loop3A_367 : i32
        %parallel_loop3A_369 = arith.index_cast %parallel_loop3A_368 : i32 to index
        %parallel_loop3A_370 = tpu.vector_load %arg11[%parallel_loop3A_369] {strides = array<i32>} : memref<16384xf32, #tpu.memory_space<vmem>>, vector<16xf32>,
        tpu.vector_store %arg11[%parallel_loop3A_369], %parallel_loop3A_364 {strides = array<i32>} : memref<16384xf32, #tpu.memory_space<vmem>>, vector<16xf32>,
        %parallel_loop3A_371 = arith.constant 14 : i32
        %parallel_loop3A_372 = vector.broadcast %parallel_loop3A_371 : i32 to vector<16xi32>
        %parallel_loop3A_373 = tpu.vector_load_idx %arg9[%parallel_loop3A_244, %parallel_loop3A_372] : memref<512x32xf32, #tpu.memory_space<vmem>>[vector<16xi32>, vector<16xi32>], vector<16xf32>,
        %parallel_loop3A_374 = arith.constant 4096 : i32
        %parallel_loop3A_375 = arith.addi %parallel_loop3A_240, %parallel_loop3A_374 : i32
        %parallel_loop3A_376 = arith.constant 768 : i32
        %parallel_loop3A_377 = arith.addi %parallel_loop3A_375, %parallel_loop3A_376 : i32
        %parallel_loop3A_378 = arith.index_cast %parallel_loop3A_377 : i32 to index
        %parallel_loop3A_379 = tpu.vector_load %arg11[%parallel_loop3A_378] {strides = array<i32>} : memref<16384xf32, #tpu.memory_space<vmem>>, vector<16xf32>,
        tpu.vector_store %arg11[%parallel_loop3A_378], %parallel_loop3A_373 {strides = array<i32>} : memref<16384xf32, #tpu.memory_space<vmem>>, vector<16xf32>,
        %parallel_loop3A_380 = arith.constant 15 : i32
        %parallel_loop3A_381 = vector.broadcast %parallel_loop3A_380 : i32 to vector<16xi32>
        %parallel_loop3A_382 = tpu.vector_load_idx %arg9[%parallel_loop3A_244, %parallel_loop3A_381] : memref<512x32xf32, #tpu.memory_space<vmem>>[vector<16xi32>, vector<16xi32>], vector<16xf32>,
        %parallel_loop3A_383 = arith.constant 4096 : i32
        %parallel_loop3A_384 = arith.addi %parallel_loop3A_240, %parallel_loop3A_383 : i32
        %parallel_loop3A_385 = arith.constant 896 : i32
        %parallel_loop3A_386 = arith.addi %parallel_loop3A_384, %parallel_loop3A_385 : i32
        %parallel_loop3A_387 = arith.index_cast %parallel_loop3A_386 : i32 to index
        %parallel_loop3A_388 = tpu.vector_load %arg11[%parallel_loop3A_387] {strides = array<i32>} : memref<16384xf32, #tpu.memory_space<vmem>>, vector<16xf32>,
        tpu.vector_store %arg11[%parallel_loop3A_387], %parallel_loop3A_382 {strides = array<i32>} : memref<16384xf32, #tpu.memory_space<vmem>>, vector<16xf32>,
        %parallel_loop3A_389 = arith.constant 16 : i32
        %parallel_loop3A_390 = vector.broadcast %parallel_loop3A_389 : i32 to vector<16xi32>
        %parallel_loop3A_391 = tpu.vector_load_idx %arg9[%parallel_loop3A_244, %parallel_loop3A_390] : memref<512x32xf32, #tpu.memory_space<vmem>>[vector<16xi32>, vector<16xi32>], vector<16xf32>,
        %parallel_loop3A_392 = arith.constant 8192 : i32
        %parallel_loop3A_393 = arith.addi %parallel_loop3A_240, %parallel_loop3A_392 : i32
        %parallel_loop3A_394 = arith.constant 0 : i32
        %parallel_loop3A_395 = arith.addi %parallel_loop3A_393, %parallel_loop3A_394 : i32
        %parallel_loop3A_396 = arith.index_cast %parallel_loop3A_395 : i32 to index
        %parallel_loop3A_397 = tpu.vector_load %arg11[%parallel_loop3A_396] {strides = array<i32>} : memref<16384xf32, #tpu.memory_space<vmem>>, vector<16xf32>,
        tpu.vector_store %arg11[%parallel_loop3A_396], %parallel_loop3A_391 {strides = array<i32>} : memref<16384xf32, #tpu.memory_space<vmem>>, vector<16xf32>,
        %parallel_loop3A_398 = arith.constant 17 : i32
        %parallel_loop3A_399 = vector.broadcast %parallel_loop3A_398 : i32 to vector<16xi32>
        %parallel_loop3A_400 = tpu.vector_load_idx %arg9[%parallel_loop3A_244, %parallel_loop3A_399] : memref<512x32xf32, #tpu.memory_space<vmem>>[vector<16xi32>, vector<16xi32>], vector<16xf32>,
        %parallel_loop3A_401 = arith.constant 8192 : i32
        %parallel_loop3A_402 = arith.addi %parallel_loop3A_240, %parallel_loop3A_401 : i32
        %parallel_loop3A_403 = arith.constant 128 : i32
        %parallel_loop3A_404 = arith.addi %parallel_loop3A_402, %parallel_loop3A_403 : i32
        %parallel_loop3A_405 = arith.index_cast %parallel_loop3A_404 : i32 to index
        %parallel_loop3A_406 = tpu.vector_load %arg11[%parallel_loop3A_405] {strides = array<i32>} : memref<16384xf32, #tpu.memory_space<vmem>>, vector<16xf32>,
        tpu.vector_store %arg11[%parallel_loop3A_405], %parallel_loop3A_400 {strides = array<i32>} : memref<16384xf32, #tpu.memory_space<vmem>>, vector<16xf32>,
        %parallel_loop3A_407 = arith.constant 18 : i32
        %parallel_loop3A_408 = vector.broadcast %parallel_loop3A_407 : i32 to vector<16xi32>
        %parallel_loop3A_409 = tpu.vector_load_idx %arg9[%parallel_loop3A_244, %parallel_loop3A_408] : memref<512x32xf32, #tpu.memory_space<vmem>>[vector<16xi32>, vector<16xi32>], vector<16xf32>,
        %parallel_loop3A_410 = arith.constant 8192 : i32
        %parallel_loop3A_411 = arith.addi %parallel_loop3A_240, %parallel_loop3A_410 : i32
        %parallel_loop3A_412 = arith.constant 256 : i32
        %parallel_loop3A_413 = arith.addi %parallel_loop3A_411, %parallel_loop3A_412 : i32
        %parallel_loop3A_414 = arith.index_cast %parallel_loop3A_413 : i32 to index
        %parallel_loop3A_415 = tpu.vector_load %arg11[%parallel_loop3A_414] {strides = array<i32>} : memref<16384xf32, #tpu.memory_space<vmem>>, vector<16xf32>,
        tpu.vector_store %arg11[%parallel_loop3A_414], %parallel_loop3A_409 {strides = array<i32>} : memref<16384xf32, #tpu.memory_space<vmem>>, vector<16xf32>,
        %parallel_loop3A_416 = arith.constant 19 : i32
        %parallel_loop3A_417 = vector.broadcast %parallel_loop3A_416 : i32 to vector<16xi32>
        %parallel_loop3A_418 = tpu.vector_load_idx %arg9[%parallel_loop3A_244, %parallel_loop3A_417] : memref<512x32xf32, #tpu.memory_space<vmem>>[vector<16xi32>, vector<16xi32>], vector<16xf32>,
        %parallel_loop3A_419 = arith.constant 8192 : i32
        %parallel_loop3A_420 = arith.addi %parallel_loop3A_240, %parallel_loop3A_419 : i32
        %parallel_loop3A_421 = arith.constant 384 : i32
        %parallel_loop3A_422 = arith.addi %parallel_loop3A_420, %parallel_loop3A_421 : i32
        %parallel_loop3A_423 = arith.index_cast %parallel_loop3A_422 : i32 to index
        %parallel_loop3A_424 = tpu.vector_load %arg11[%parallel_loop3A_423] {strides = array<i32>} : memref<16384xf32, #tpu.memory_space<vmem>>, vector<16xf32>,
        tpu.vector_store %arg11[%parallel_loop3A_423], %parallel_loop3A_418 {strides = array<i32>} : memref<16384xf32, #tpu.memory_space<vmem>>, vector<16xf32>,
        %parallel_loop3A_425 = arith.constant 20 : i32
        %parallel_loop3A_426 = vector.broadcast %parallel_loop3A_425 : i32 to vector<16xi32>
        %parallel_loop3A_427 = tpu.vector_load_idx %arg9[%parallel_loop3A_244, %parallel_loop3A_426] : memref<512x32xf32, #tpu.memory_space<vmem>>[vector<16xi32>, vector<16xi32>], vector<16xf32>,
        %parallel_loop3A_428 = arith.constant 8192 : i32
        %parallel_loop3A_429 = arith.addi %parallel_loop3A_240, %parallel_loop3A_428 : i32
        %parallel_loop3A_430 = arith.constant 512 : i32
        %parallel_loop3A_431 = arith.addi %parallel_loop3A_429, %parallel_loop3A_430 : i32
        %parallel_loop3A_432 = arith.index_cast %parallel_loop3A_431 : i32 to index
        %parallel_loop3A_433 = tpu.vector_load %arg11[%parallel_loop3A_432] {strides = array<i32>} : memref<16384xf32, #tpu.memory_space<vmem>>, vector<16xf32>,
        tpu.vector_store %arg11[%parallel_loop3A_432], %parallel_loop3A_427 {strides = array<i32>} : memref<16384xf32, #tpu.memory_space<vmem>>, vector<16xf32>,
        %parallel_loop3A_434 = arith.constant 21 : i32
        %parallel_loop3A_435 = vector.broadcast %parallel_loop3A_434 : i32 to vector<16xi32>
        %parallel_loop3A_436 = tpu.vector_load_idx %arg9[%parallel_loop3A_244, %parallel_loop3A_435] : memref<512x32xf32, #tpu.memory_space<vmem>>[vector<16xi32>, vector<16xi32>], vector<16xf32>,
        %parallel_loop3A_437 = arith.constant 8192 : i32
        %parallel_loop3A_438 = arith.addi %parallel_loop3A_240, %parallel_loop3A_437 : i32
        %parallel_loop3A_439 = arith.constant 640 : i32
        %parallel_loop3A_440 = arith.addi %parallel_loop3A_438, %parallel_loop3A_439 : i32
        %parallel_loop3A_441 = arith.index_cast %parallel_loop3A_440 : i32 to index
        %parallel_loop3A_442 = tpu.vector_load %arg11[%parallel_loop3A_441] {strides = array<i32>} : memref<16384xf32, #tpu.memory_space<vmem>>, vector<16xf32>,
        tpu.vector_store %arg11[%parallel_loop3A_441], %parallel_loop3A_436 {strides = array<i32>} : memref<16384xf32, #tpu.memory_space<vmem>>, vector<16xf32>,
        %parallel_loop3A_443 = arith.constant 22 : i32
        %parallel_loop3A_444 = vector.broadcast %parallel_loop3A_443 : i32 to vector<16xi32>
        %parallel_loop3A_445 = tpu.vector_load_idx %arg9[%parallel_loop3A_244, %parallel_loop3A_444] : memref<512x32xf32, #tpu.memory_space<vmem>>[vector<16xi32>, vector<16xi32>], vector<16xf32>,
        %parallel_loop3A_446 = arith.constant 8192 : i32
        %parallel_loop3A_447 = arith.addi %parallel_loop3A_240, %parallel_loop3A_446 : i32
        %parallel_loop3A_448 = arith.constant 768 : i32
        %parallel_loop3A_449 = arith.addi %parallel_loop3A_447, %parallel_loop3A_448 : i32
        %parallel_loop3A_450 = arith.index_cast %parallel_loop3A_449 : i32 to index
        %parallel_loop3A_451 = tpu.vector_load %arg11[%parallel_loop3A_450] {strides = array<i32>} : memref<16384xf32, #tpu.memory_space<vmem>>, vector<16xf32>,
        tpu.vector_store %arg11[%parallel_loop3A_450], %parallel_loop3A_445 {strides = array<i32>} : memref<16384xf32, #tpu.memory_space<vmem>>, vector<16xf32>,
        %parallel_loop3A_452 = arith.constant 23 : i32
        %parallel_loop3A_453 = vector.broadcast %parallel_loop3A_452 : i32 to vector<16xi32>
        %parallel_loop3A_454 = tpu.vector_load_idx %arg9[%parallel_loop3A_244, %parallel_loop3A_453] : memref<512x32xf32, #tpu.memory_space<vmem>>[vector<16xi32>, vector<16xi32>], vector<16xf32>,
        %parallel_loop3A_455 = arith.constant 8192 : i32
        %parallel_loop3A_456 = arith.addi %parallel_loop3A_240, %parallel_loop3A_455 : i32
        %parallel_loop3A_457 = arith.constant 896 : i32
        %parallel_loop3A_458 = arith.addi %parallel_loop3A_456, %parallel_loop3A_457 : i32
        %parallel_loop3A_459 = arith.index_cast %parallel_loop3A_458 : i32 to index
        %parallel_loop3A_460 = tpu.vector_load %arg11[%parallel_loop3A_459] {strides = array<i32>} : memref<16384xf32, #tpu.memory_space<vmem>>, vector<16xf32>,
        tpu.vector_store %arg11[%parallel_loop3A_459], %parallel_loop3A_454 {strides = array<i32>} : memref<16384xf32, #tpu.memory_space<vmem>>, vector<16xf32>,
        %parallel_loop3A_461 = arith.constant 24 : i32
        %parallel_loop3A_462 = vector.broadcast %parallel_loop3A_461 : i32 to vector<16xi32>
        %parallel_loop3A_463 = tpu.vector_load_idx %arg9[%parallel_loop3A_244, %parallel_loop3A_462] : memref<512x32xf32, #tpu.memory_space<vmem>>[vector<16xi32>, vector<16xi32>], vector<16xf32>,
        %parallel_loop3A_464 = arith.constant 12288 : i32
        %parallel_loop3A_465 = arith.addi %parallel_loop3A_240, %parallel_loop3A_464 : i32
        %parallel_loop3A_466 = arith.constant 0 : i32
        %parallel_loop3A_467 = arith.addi %parallel_loop3A_465, %parallel_loop3A_466 : i32
        %parallel_loop3A_468 = arith.index_cast %parallel_loop3A_467 : i32 to index
        %parallel_loop3A_469 = tpu.vector_load %arg11[%parallel_loop3A_468] {strides = array<i32>} : memref<16384xf32, #tpu.memory_space<vmem>>, vector<16xf32>,
        tpu.vector_store %arg11[%parallel_loop3A_468], %parallel_loop3A_463 {strides = array<i32>} : memref<16384xf32, #tpu.memory_space<vmem>>, vector<16xf32>,
        %parallel_loop3A_470 = arith.constant 25 : i32
        %parallel_loop3A_471 = vector.broadcast %parallel_loop3A_470 : i32 to vector<16xi32>
        %parallel_loop3A_472 = tpu.vector_load_idx %arg9[%parallel_loop3A_244, %parallel_loop3A_471] : memref<512x32xf32, #tpu.memory_space<vmem>>[vector<16xi32>, vector<16xi32>], vector<16xf32>,
        %parallel_loop3A_473 = arith.constant 12288 : i32
        %parallel_loop3A_474 = arith.addi %parallel_loop3A_240, %parallel_loop3A_473 : i32
        %parallel_loop3A_475 = arith.constant 128 : i32
        %parallel_loop3A_476 = arith.addi %parallel_loop3A_474, %parallel_loop3A_475 : i32
        %parallel_loop3A_477 = arith.index_cast %parallel_loop3A_476 : i32 to index
        %parallel_loop3A_478 = tpu.vector_load %arg11[%parallel_loop3A_477] {strides = array<i32>} : memref<16384xf32, #tpu.memory_space<vmem>>, vector<16xf32>,
        tpu.vector_store %arg11[%parallel_loop3A_477], %parallel_loop3A_472 {strides = array<i32>} : memref<16384xf32, #tpu.memory_space<vmem>>, vector<16xf32>,
        %parallel_loop3A_479 = arith.constant 26 : i32
        %parallel_loop3A_480 = vector.broadcast %parallel_loop3A_479 : i32 to vector<16xi32>
        %parallel_loop3A_481 = tpu.vector_load_idx %arg9[%parallel_loop3A_244, %parallel_loop3A_480] : memref<512x32xf32, #tpu.memory_space<vmem>>[vector<16xi32>, vector<16xi32>], vector<16xf32>,
        %parallel_loop3A_482 = arith.constant 12288 : i32
        %parallel_loop3A_483 = arith.addi %parallel_loop3A_240, %parallel_loop3A_482 : i32
        %parallel_loop3A_484 = arith.constant 256 : i32
        %parallel_loop3A_485 = arith.addi %parallel_loop3A_483, %parallel_loop3A_484 : i32
        %parallel_loop3A_486 = arith.index_cast %parallel_loop3A_485 : i32 to index
        %parallel_loop3A_487 = tpu.vector_load %arg11[%parallel_loop3A_486] {strides = array<i32>} : memref<16384xf32, #tpu.memory_space<vmem>>, vector<16xf32>,
        tpu.vector_store %arg11[%parallel_loop3A_486], %parallel_loop3A_481 {strides = array<i32>} : memref<16384xf32, #tpu.memory_space<vmem>>, vector<16xf32>,
        %parallel_loop3A_488 = arith.constant 27 : i32
        %parallel_loop3A_489 = vector.broadcast %parallel_loop3A_488 : i32 to vector<16xi32>
        %parallel_loop3A_490 = tpu.vector_load_idx %arg9[%parallel_loop3A_244, %parallel_loop3A_489] : memref<512x32xf32, #tpu.memory_space<vmem>>[vector<16xi32>, vector<16xi32>], vector<16xf32>,
        %parallel_loop3A_491 = arith.constant 12288 : i32
        %parallel_loop3A_492 = arith.addi %parallel_loop3A_240, %parallel_loop3A_491 : i32
        %parallel_loop3A_493 = arith.constant 384 : i32
        %parallel_loop3A_494 = arith.addi %parallel_loop3A_492, %parallel_loop3A_493 : i32
        %parallel_loop3A_495 = arith.index_cast %parallel_loop3A_494 : i32 to index
        %parallel_loop3A_496 = tpu.vector_load %arg11[%parallel_loop3A_495] {strides = array<i32>} : memref<16384xf32, #tpu.memory_space<vmem>>, vector<16xf32>,
        tpu.vector_store %arg11[%parallel_loop3A_495], %parallel_loop3A_490 {strides = array<i32>} : memref<16384xf32, #tpu.memory_space<vmem>>, vector<16xf32>,
        %parallel_loop3A_497 = arith.constant 28 : i32
        %parallel_loop3A_498 = vector.broadcast %parallel_loop3A_497 : i32 to vector<16xi32>
        %parallel_loop3A_499 = tpu.vector_load_idx %arg9[%parallel_loop3A_244, %parallel_loop3A_498] : memref<512x32xf32, #tpu.memory_space<vmem>>[vector<16xi32>, vector<16xi32>], vector<16xf32>,
        %parallel_loop3A_500 = arith.constant 12288 : i32
        %parallel_loop3A_501 = arith.addi %parallel_loop3A_240, %parallel_loop3A_500 : i32
        %parallel_loop3A_502 = arith.constant 512 : i32
        %parallel_loop3A_503 = arith.addi %parallel_loop3A_501, %parallel_loop3A_502 : i32
        %parallel_loop3A_504 = arith.index_cast %parallel_loop3A_503 : i32 to index
        %parallel_loop3A_505 = tpu.vector_load %arg11[%parallel_loop3A_504] {strides = array<i32>} : memref<16384xf32, #tpu.memory_space<vmem>>, vector<16xf32>,
        tpu.vector_store %arg11[%parallel_loop3A_504], %parallel_loop3A_499 {strides = array<i32>} : memref<16384xf32, #tpu.memory_space<vmem>>, vector<16xf32>,
        %parallel_loop3A_506 = arith.constant 29 : i32
        %parallel_loop3A_507 = vector.broadcast %parallel_loop3A_506 : i32 to vector<16xi32>
        %parallel_loop3A_508 = tpu.vector_load_idx %arg9[%parallel_loop3A_244, %parallel_loop3A_507] : memref<512x32xf32, #tpu.memory_space<vmem>>[vector<16xi32>, vector<16xi32>], vector<16xf32>,
        %parallel_loop3A_509 = arith.constant 12288 : i32
        %parallel_loop3A_510 = arith.addi %parallel_loop3A_240, %parallel_loop3A_509 : i32
        %parallel_loop3A_511 = arith.constant 640 : i32
        %parallel_loop3A_512 = arith.addi %parallel_loop3A_510, %parallel_loop3A_511 : i32
        %parallel_loop3A_513 = arith.index_cast %parallel_loop3A_512 : i32 to index
        %parallel_loop3A_514 = tpu.vector_load %arg11[%parallel_loop3A_513] {strides = array<i32>} : memref<16384xf32, #tpu.memory_space<vmem>>, vector<16xf32>,
        tpu.vector_store %arg11[%parallel_loop3A_513], %parallel_loop3A_508 {strides = array<i32>} : memref<16384xf32, #tpu.memory_space<vmem>>, vector<16xf32>,
        %parallel_loop3A_515 = arith.constant 30 : i32
        %parallel_loop3A_516 = vector.broadcast %parallel_loop3A_515 : i32 to vector<16xi32>
        %parallel_loop3A_517 = tpu.vector_load_idx %arg9[%parallel_loop3A_244, %parallel_loop3A_516] : memref<512x32xf32, #tpu.memory_space<vmem>>[vector<16xi32>, vector<16xi32>], vector<16xf32>,
        %parallel_loop3A_518 = arith.constant 12288 : i32
        %parallel_loop3A_519 = arith.addi %parallel_loop3A_240, %parallel_loop3A_518 : i32
        %parallel_loop3A_520 = arith.constant 768 : i32
        %parallel_loop3A_521 = arith.addi %parallel_loop3A_519, %parallel_loop3A_520 : i32
        %parallel_loop3A_522 = arith.index_cast %parallel_loop3A_521 : i32 to index
        %parallel_loop3A_523 = tpu.vector_load %arg11[%parallel_loop3A_522] {strides = array<i32>} : memref<16384xf32, #tpu.memory_space<vmem>>, vector<16xf32>,
        tpu.vector_store %arg11[%parallel_loop3A_522], %parallel_loop3A_517 {strides = array<i32>} : memref<16384xf32, #tpu.memory_space<vmem>>, vector<16xf32>,
        %parallel_loop3A_524 = arith.constant 31 : i32
        %parallel_loop3A_525 = vector.broadcast %parallel_loop3A_524 : i32 to vector<16xi32>
        %parallel_loop3A_526 = tpu.vector_load_idx %arg9[%parallel_loop3A_244, %parallel_loop3A_525] : memref<512x32xf32, #tpu.memory_space<vmem>>[vector<16xi32>, vector<16xi32>], vector<16xf32>,
        %parallel_loop3A_527 = arith.constant 12288 : i32
        %parallel_loop3A_528 = arith.addi %parallel_loop3A_240, %parallel_loop3A_527 : i32
        %parallel_loop3A_529 = arith.constant 896 : i32
        %parallel_loop3A_530 = arith.addi %parallel_loop3A_528, %parallel_loop3A_529 : i32
        %parallel_loop3A_531 = arith.index_cast %parallel_loop3A_530 : i32 to index
        %parallel_loop3A_532 = tpu.vector_load %arg11[%parallel_loop3A_531] {strides = array<i32>} : memref<16384xf32, #tpu.memory_space<vmem>>, vector<16xf32>,
        tpu.vector_store %arg11[%parallel_loop3A_531], %parallel_loop3A_526 {strides = array<i32>} : memref<16384xf32, #tpu.memory_space<vmem>>, vector<16xf32>,
      } {sc.loop_unroll_factor = 4 : i64, sc.parallel_access}
      %mul3A_146 = arith.constant 524288 : i32
      %mul3A_147 = arith.muli %add3A_134, %mul3A_146 : i32
      %add3A_148 = arith.constant 0 : i32
      %add3A_149 = arith.addi %mul3A_147, %add3A_148 : i32
      %add3A_150 = arith.addi %add3A_149, %mul3A_5 : i32
      %dma_start3A_151 = arith.constant 0 : i32
      %dma_start3A_152 = tpu.memref_slice %arg11[%dma_start3A_151] : memref<16384xf32, #tpu.memory_space<vmem>> -> memref<4096xf32, #tpu.memory_space<vmem>>
      %dma_start3A_153 = tpu.memref_slice %arg4[%add3A_150] : memref<26214400xf32, #tpu.memory_space<hbm>> -> memref<4096xf32, #tpu.memory_space<hbm>>
      %dma_start3A_154 = tpu.memref_slice %arg4[%add3A_150] : memref<26214400xf32, #tpu.memory_space<hbm>> -> memref<4096xf32, #tpu.memory_space<hbm>>
      %dma_start3A_155 = arith.constant 0 : i32
      %dma_start3A_156 = tpu.memref_slice %arg11[%dma_start3A_155] : memref<16384xf32, #tpu.memory_space<vmem>> -> memref<4096xf32, #tpu.memory_space<vmem>>
      tpu.enqueue_dma source(%dma_start3A_156 : memref<4096xf32, #tpu.memory_space<vmem>>) target(%dma_start3A_154 : memref<4096xf32, #tpu.memory_space<hbm>>) target_semaphore(%arg15 : memref<!tpu.dma_semaphore, #tpu.memory_space<semaphore_mem>>)
      %mul3A_157 = arith.constant 524288 : i32
      %mul3A_158 = arith.muli %add3A_134, %mul3A_157 : i32
      %add3A_159 = arith.constant 131072 : i32
      %add3A_160 = arith.addi %mul3A_158, %add3A_159 : i32
      %add3A_161 = arith.addi %add3A_160, %mul3A_5 : i32
      %dma_start3A_162 = arith.constant 4096 : i32
      %dma_start3A_163 = tpu.memref_slice %arg11[%dma_start3A_162] : memref<16384xf32, #tpu.memory_space<vmem>> -> memref<4096xf32, #tpu.memory_space<vmem>>
      %dma_start3A_164 = tpu.memref_slice %arg4[%add3A_161] : memref<26214400xf32, #tpu.memory_space<hbm>> -> memref<4096xf32, #tpu.memory_space<hbm>>
      %dma_start3A_165 = tpu.memref_slice %arg4[%add3A_161] : memref<26214400xf32, #tpu.memory_space<hbm>> -> memref<4096xf32, #tpu.memory_space<hbm>>
      %dma_start3A_166 = arith.constant 4096 : i32
      %dma_start3A_167 = tpu.memref_slice %arg11[%dma_start3A_166] : memref<16384xf32, #tpu.memory_space<vmem>> -> memref<4096xf32, #tpu.memory_space<vmem>>
      tpu.enqueue_dma source(%dma_start3A_167 : memref<4096xf32, #tpu.memory_space<vmem>>) target(%dma_start3A_165 : memref<4096xf32, #tpu.memory_space<hbm>>) target_semaphore(%arg15 : memref<!tpu.dma_semaphore, #tpu.memory_space<semaphore_mem>>)
      %mul3A_168 = arith.constant 524288 : i32
      %mul3A_169 = arith.muli %add3A_134, %mul3A_168 : i32
      %add3A_170 = arith.constant 262144 : i32
      %add3A_171 = arith.addi %mul3A_169, %add3A_170 : i32
      %add3A_172 = arith.addi %add3A_171, %mul3A_5 : i32
      %dma_start3A_173 = arith.constant 8192 : i32
      %dma_start3A_174 = tpu.memref_slice %arg11[%dma_start3A_173] : memref<16384xf32, #tpu.memory_space<vmem>> -> memref<4096xf32, #tpu.memory_space<vmem>>
      %dma_start3A_175 = tpu.memref_slice %arg4[%add3A_172] : memref<26214400xf32, #tpu.memory_space<hbm>> -> memref<4096xf32, #tpu.memory_space<hbm>>
      %dma_start3A_176 = tpu.memref_slice %arg4[%add3A_172] : memref<26214400xf32, #tpu.memory_space<hbm>> -> memref<4096xf32, #tpu.memory_space<hbm>>
      %dma_start3A_177 = arith.constant 8192 : i32
      %dma_start3A_178 = tpu.memref_slice %arg11[%dma_start3A_177] : memref<16384xf32, #tpu.memory_space<vmem>> -> memref<4096xf32, #tpu.memory_space<vmem>>
      tpu.enqueue_dma source(%dma_start3A_178 : memref<4096xf32, #tpu.memory_space<vmem>>) target(%dma_start3A_176 : memref<4096xf32, #tpu.memory_space<hbm>>) target_semaphore(%arg15 : memref<!tpu.dma_semaphore, #tpu.memory_space<semaphore_mem>>)
      %mul3A_179 = arith.constant 524288 : i32
      %mul3A_180 = arith.muli %add3A_134, %mul3A_179 : i32
      %add3A_181 = arith.constant 393216 : i32
      %add3A_182 = arith.addi %mul3A_180, %add3A_181 : i32
      %add3A_183 = arith.addi %add3A_182, %mul3A_5 : i32
      %dma_start3A_184 = arith.constant 12288 : i32
      %dma_start3A_185 = tpu.memref_slice %arg11[%dma_start3A_184] : memref<16384xf32, #tpu.memory_space<vmem>> -> memref<4096xf32, #tpu.memory_space<vmem>>
      %dma_start3A_186 = tpu.memref_slice %arg4[%add3A_183] : memref<26214400xf32, #tpu.memory_space<hbm>> -> memref<4096xf32, #tpu.memory_space<hbm>>
      %dma_start3A_187 = tpu.memref_slice %arg4[%add3A_183] : memref<26214400xf32, #tpu.memory_space<hbm>> -> memref<4096xf32, #tpu.memory_space<hbm>>
      %dma_start3A_188 = arith.constant 12288 : i32
      %dma_start3A_189 = tpu.memref_slice %arg11[%dma_start3A_188] : memref<16384xf32, #tpu.memory_space<vmem>> -> memref<4096xf32, #tpu.memory_space<vmem>>
      tpu.enqueue_dma source(%dma_start3A_189 : memref<4096xf32, #tpu.memory_space<vmem>>) target(%dma_start3A_187 : memref<4096xf32, #tpu.memory_space<hbm>>) target_semaphore(%arg15 : memref<!tpu.dma_semaphore, #tpu.memory_space<semaphore_mem>>)
      %lt3A_190 = arith.constant 24 : i32
      %lt3A_191 = arith.cmpi slt, %scan3A_70, %lt3A_190 : i32
      %convert_element_type3A_192 = arith.extui %lt3A_191 : i1 to i32
      %cond3A_193 = arith.constant 0 : i32
      %cond3A_194 = arith.cmpi ne, %convert_element_type3A_192, %cond3A_193 : i32
      scf.if %cond3A_194 {
        %add3A_195 = arith.constant 2 : i32
        %add3A_196 = arith.addi %add3A_134, %add3A_195 : i32
        %parallel_loop3A_197 = arith.constant 0 : i32
        %parallel_loop3A_198 = arith.constant 32 : i32
        %parallel_loop3A_199 = arith.constant 1 : i32
        scf.for %parallel_loop3A_203 = %parallel_loop3A_197 to %parallel_loop3A_198 step %parallel_loop3A_199  : i32 {
          %parallel_loop3A_204 = arith.constant 800 : i32
          %parallel_loop3A_205 = arith.muli %parallel_loop3A_203, %parallel_loop3A_204 : i32
          %parallel_loop3A_206 = arith.addi %parallel_loop3A_205, %add3A_196 : i32
          %parallel_loop3A_207 = vector.broadcast %parallel_loop3A_206 : i32 to vector<16xi32>
          %parallel_loop3A_208 = arith.addi %mul3A_3, %parallel_loop3A_207 : vector<16xi32>
          %parallel_loop3A_209 = tpu.vector_load_idx %arg5[%parallel_loop3A_208] : memref<25600xi32, #tpu.memory_space<vmem>>[vector<16xi32>], vector<16xi32>,
          %parallel_loop3A_210 = arith.constant 16 : i32
          %parallel_loop3A_211 = arith.muli %parallel_loop3A_203, %parallel_loop3A_210 : i32
          %parallel_loop3A_212 = arith.index_cast %parallel_loop3A_211 : i32 to index
          %parallel_loop3A_213 = tpu.vector_load %arg7[%parallel_loop3A_212] {strides = array<i32>} : memref<512xi32, #tpu.memory_space<vmem>>, vector<16xi32>,
          tpu.vector_store %arg7[%parallel_loop3A_212], %parallel_loop3A_209 {strides = array<i32>} : memref<512xi32, #tpu.memory_space<vmem>>, vector<16xi32>,
        } {sc.loop_unroll_factor = 4 : i64, sc.parallel_access}
        %dma_start3A_200 = arith.constant 0 : i32
        %dma_start3A_201 = arith.constant 0 : i32
        %dma_start3A_202 = tpu.memref_slice %arg3[%dma_start3A_200, %dma_start3A_201] : memref<1000000x32xf32, #tpu.memory_space<hbm>> -> memref<1000000x32xf32, #tpu.memory_space<hbm>>
        tpu.enqueue_indirect_dma source(%dma_start3A_202 : memref<1000000x32xf32, #tpu.memory_space<hbm>>) target(%arg9 : memref<512x32xf32, #tpu.memory_space<vmem>>) offsets(%arg7 : memref<512xi32, #tpu.memory_space<vmem>>) semaphore(%arg13 : memref<!tpu.dma_semaphore, #tpu.memory_space<semaphore_mem>>)
      } else {
      }
    }
    %scan3A_22 = arith.constant 25 : i32
    %dma_wait3A = arith.constant 0 : i32
    %dma_wait3A_23 = tpu.memref_slice %arg10[%dma_wait3A] : memref<16384xf32, #tpu.memory_space<vmem>> -> memref<4096xf32, #tpu.memory_space<vmem>>
    %dma_wait3A_24 = tpu.memref_slice %arg4[%mul3A_5] : memref<26214400xf32, #tpu.memory_space<hbm>> -> memref<4096xf32, #tpu.memory_space<hbm>>
    %dma_wait3A_25 = tpu.memref_slice %arg4[%mul3A_5] : memref<26214400xf32, #tpu.memory_space<hbm>> -> memref<4096xf32, #tpu.memory_space<hbm>>
    %dma_wait3A_26 = arith.constant 0 : i32
    %dma_wait3A_27 = tpu.memref_slice %arg10[%dma_wait3A_26] : memref<16384xf32, #tpu.memory_space<vmem>> -> memref<4096xf32, #tpu.memory_space<vmem>>
    tpu.wait_dma2 semaphore(%arg14 : memref<!tpu.dma_semaphore, #tpu.memory_space<semaphore_mem>>) src(%dma_wait3A_27 : memref<4096xf32, #tpu.memory_space<vmem>>) dst(%dma_wait3A_25 : memref<4096xf32, #tpu.memory_space<hbm>>)
    %dma_wait3A_28 = arith.constant 4096 : i32
    %dma_wait3A_29 = tpu.memref_slice %arg10[%dma_wait3A_28] : memref<16384xf32, #tpu.memory_space<vmem>> -> memref<4096xf32, #tpu.memory_space<vmem>>
    %dma_wait3A_30 = tpu.memref_slice %arg4[%mul3A_5] : memref<26214400xf32, #tpu.memory_space<hbm>> -> memref<4096xf32, #tpu.memory_space<hbm>>
    %dma_wait3A_31 = tpu.memref_slice %arg4[%mul3A_5] : memref<26214400xf32, #tpu.memory_space<hbm>> -> memref<4096xf32, #tpu.memory_space<hbm>>
    %dma_wait3A_32 = arith.constant 4096 : i32
    %dma_wait3A_33 = tpu.memref_slice %arg10[%dma_wait3A_32] : memref<16384xf32, #tpu.memory_space<vmem>> -> memref<4096xf32, #tpu.memory_space<vmem>>
    tpu.wait_dma2 semaphore(%arg14 : memref<!tpu.dma_semaphore, #tpu.memory_space<semaphore_mem>>) src(%dma_wait3A_33 : memref<4096xf32, #tpu.memory_space<vmem>>) dst(%dma_wait3A_31 : memref<4096xf32, #tpu.memory_space<hbm>>)
    %dma_wait3A_34 = arith.constant 8192 : i32
    %dma_wait3A_35 = tpu.memref_slice %arg10[%dma_wait3A_34] : memref<16384xf32, #tpu.memory_space<vmem>> -> memref<4096xf32, #tpu.memory_space<vmem>>
    %dma_wait3A_36 = tpu.memref_slice %arg4[%mul3A_5] : memref<26214400xf32, #tpu.memory_space<hbm>> -> memref<4096xf32, #tpu.memory_space<hbm>>
    %dma_wait3A_37 = tpu.memref_slice %arg4[%mul3A_5] : memref<26214400xf32, #tpu.memory_space<hbm>> -> memref<4096xf32, #tpu.memory_space<hbm>>
    %dma_wait3A_38 = arith.constant 8192 : i32
    %dma_wait3A_39 = tpu.memref_slice %arg10[%dma_wait3A_38] : memref<16384xf32, #tpu.memory_space<vmem>> -> memref<4096xf32, #tpu.memory_space<vmem>>
    tpu.wait_dma2 semaphore(%arg14 : memref<!tpu.dma_semaphore, #tpu.memory_space<semaphore_mem>>) src(%dma_wait3A_39 : memref<4096xf32, #tpu.memory_space<vmem>>) dst(%dma_wait3A_37 : memref<4096xf32, #tpu.memory_space<hbm>>)
    %dma_wait3A_40 = arith.constant 12288 : i32
    %dma_wait3A_41 = tpu.memref_slice %arg10[%dma_wait3A_40] : memref<16384xf32, #tpu.memory_space<vmem>> -> memref<4096xf32, #tpu.memory_space<vmem>>
    %dma_wait3A_42 = tpu.memref_slice %arg4[%mul3A_5] : memref<26214400xf32, #tpu.memory_space<hbm>> -> memref<4096xf32, #tpu.memory_space<hbm>>
    %dma_wait3A_43 = tpu.memref_slice %arg4[%mul3A_5] : memref<26214400xf32, #tpu.memory_space<hbm>> -> memref<4096xf32, #tpu.memory_space<hbm>>
    %dma_wait3A_44 = arith.constant 12288 : i32
    %dma_wait3A_45 = tpu.memref_slice %arg10[%dma_wait3A_44] : memref<16384xf32, #tpu.memory_space<vmem>> -> memref<4096xf32, #tpu.memory_space<vmem>>
    tpu.wait_dma2 semaphore(%arg14 : memref<!tpu.dma_semaphore, #tpu.memory_space<semaphore_mem>>) src(%dma_wait3A_45 : memref<4096xf32, #tpu.memory_space<vmem>>) dst(%dma_wait3A_43 : memref<4096xf32, #tpu.memory_space<hbm>>)
    %dma_wait3A_46 = arith.constant 0 : i32
    %dma_wait3A_47 = tpu.memref_slice %arg11[%dma_wait3A_46] : memref<16384xf32, #tpu.memory_space<vmem>> -> memref<4096xf32, #tpu.memory_space<vmem>>
    %dma_wait3A_48 = tpu.memref_slice %arg4[%mul3A_5] : memref<26214400xf32, #tpu.memory_space<hbm>> -> memref<4096xf32, #tpu.memory_space<hbm>>
    %dma_wait3A_49 = tpu.memref_slice %arg4[%mul3A_5] : memref<26214400xf32, #tpu.memory_space<hbm>> -> memref<4096xf32, #tpu.memory_space<hbm>>
    %dma_wait3A_50 = arith.constant 0 : i32
    %dma_wait3A_51 = tpu.memref_slice %arg11[%dma_wait3A_50] : memref<16384xf32, #tpu.memory_space<vmem>> -> memref<4096xf32, #tpu.memory_space<vmem>>
    tpu.wait_dma2 semaphore(%arg15 : memref<!tpu.dma_semaphore, #tpu.memory_space<semaphore_mem>>) src(%dma_wait3A_51 : memref<4096xf32, #tpu.memory_space<vmem>>) dst(%dma_wait3A_49 : memref<4096xf32, #tpu.memory_space<hbm>>)
    %dma_wait3A_52 = arith.constant 4096 : i32
    %dma_wait3A_53 = tpu.memref_slice %arg11[%dma_wait3A_52] : memref<16384xf32, #tpu.memory_space<vmem>> -> memref<4096xf32, #tpu.memory_space<vmem>>
    %dma_wait3A_54 = tpu.memref_slice %arg4[%mul3A_5] : memref<26214400xf32, #tpu.memory_space<hbm>> -> memref<4096xf32, #tpu.memory_space<hbm>>
    %dma_wait3A_55 = tpu.memref_slice %arg4[%mul3A_5] : memref<26214400xf32, #tpu.memory_space<hbm>> -> memref<4096xf32, #tpu.memory_space<hbm>>
    %dma_wait3A_56 = arith.constant 4096 : i32
    %dma_wait3A_57 = tpu.memref_slice %arg11[%dma_wait3A_56] : memref<16384xf32, #tpu.memory_space<vmem>> -> memref<4096xf32, #tpu.memory_space<vmem>>
    tpu.wait_dma2 semaphore(%arg15 : memref<!tpu.dma_semaphore, #tpu.memory_space<semaphore_mem>>) src(%dma_wait3A_57 : memref<4096xf32, #tpu.memory_space<vmem>>) dst(%dma_wait3A_55 : memref<4096xf32, #tpu.memory_space<hbm>>)
    %dma_wait3A_58 = arith.constant 8192 : i32
    %dma_wait3A_59 = tpu.memref_slice %arg11[%dma_wait3A_58] : memref<16384xf32, #tpu.memory_space<vmem>> -> memref<4096xf32, #tpu.memory_space<vmem>>
    %dma_wait3A_60 = tpu.memref_slice %arg4[%mul3A_5] : memref<26214400xf32, #tpu.memory_space<hbm>> -> memref<4096xf32, #tpu.memory_space<hbm>>
    %dma_wait3A_61 = tpu.memref_slice %arg4[%mul3A_5] : memref<26214400xf32, #tpu.memory_space<hbm>> -> memref<4096xf32, #tpu.memory_space<hbm>>
    %dma_wait3A_62 = arith.constant 8192 : i32
    %dma_wait3A_63 = tpu.memref_slice %arg11[%dma_wait3A_62] : memref<16384xf32, #tpu.memory_space<vmem>> -> memref<4096xf32, #tpu.memory_space<vmem>>
    tpu.wait_dma2 semaphore(%arg15 : memref<!tpu.dma_semaphore, #tpu.memory_space<semaphore_mem>>) src(%dma_wait3A_63 : memref<4096xf32, #tpu.memory_space<vmem>>) dst(%dma_wait3A_61 : memref<4096xf32, #tpu.memory_space<hbm>>)
    %dma_wait3A_64 = arith.constant 12288 : i32
    %dma_wait3A_65 = tpu.memref_slice %arg11[%dma_wait3A_64] : memref<16384xf32, #tpu.memory_space<vmem>> -> memref<4096xf32, #tpu.memory_space<vmem>>
    %dma_wait3A_66 = tpu.memref_slice %arg4[%mul3A_5] : memref<26214400xf32, #tpu.memory_space<hbm>> -> memref<4096xf32, #tpu.memory_space<hbm>>
    %dma_wait3A_67 = tpu.memref_slice %arg4[%mul3A_5] : memref<26214400xf32, #tpu.memory_space<hbm>> -> memref<4096xf32, #tpu.memory_space<hbm>>
    %dma_wait3A_68 = arith.constant 12288 : i32
    %dma_wait3A_69 = tpu.memref_slice %arg11[%dma_wait3A_68] : memref<16384xf32, #tpu.memory_space<vmem>> -> memref<4096xf32, #tpu.memory_space<vmem>>
    tpu.wait_dma2 semaphore(%arg15 : memref<!tpu.dma_semaphore, #tpu.memory_space<semaphore_mem>>) src(%dma_wait3A_69 : memref<4096xf32, #tpu.memory_space<vmem>>) dst(%dma_wait3A_67 : memref<4096xf32, #tpu.memory_space<hbm>>)
    return
  }
}

</mosaic_0001>

<sc_bundles>
// kernel: kernel.3.cloned.1.call-start
scs
__scs_entry_jumppad:
0x0: {  	(pc) =	sbr.rel $0x88, $3  }
0x1: {  	(tag) =	ssettag $0x0;
	lr =	simm.s32 $0x1  }
0x2: {  	[smem:$0x3F9F] =	sst lr;
	_ =	strace $0xD0000000  }
0x3: {  	_ = 	snop  }
0x4: {  	_ = 	snop  }
0x5: {  	_ = 	snop  }
0x6: {  	_ = 	snop  }
0x7: {  	_ = 	snop  }
__scs_overlays_trampoline_lowered:
0x8: {  	[smem:$0x3FAE] =	sst s0  }
0x9: {  	[smem:$0x3FAF] =	sst s1  }
0xa: {  	[smem:$0x3FB0] =	sst s2  }
0xb: {  	[smem:$0x3FB1] =	sst s3  }
0xc: {  	[smem:$0x3FB2] =	sst s4  }
0xd: {  	[smem:$0x3FB3] =	sst s5  }
0xe: {  	[smem:$0x3FB4] =	sst s6  }
0xf: {  	[smem:$0x3FB5] =	sst s7  }
0x10: {  	[smem:$0x3FB6] =	sst s8  }
0x11: {  	[smem:$0x3FB7] =	sst s9;
	s0 =	simm.s32 @!p0 $0x0  }
0x12: {  	s1 =	sld [smem:$0x3F9D];
	s0 =	simm.s32 @p0 $0x1  }
0x13: {  	[smem:$0x3FB8] =	sst s0;
	s0 =	simm.s32 @!p1 $0x0  }
0x14: {  	s2 =	sld [smem:$0x3F9C];
	s0 =	simm.s32 @p1 $0x1  }
0x15: {  	[smem:$0x3FB9] =	sst s0;
	s0 =	simm.s32 @!p2 $0x0  }
0x16: {  	s3 =	sld [smem:$0x3FDB];
	s0 =	simm.s32 @p2 $0x1  }
0x17: {  	s4 =	simm.s32 $0x1BF5;
	[smem:$0x3FBB] =	sst s0  }
0x18: {  	s0 =	sld [smem:$0x3F9E];
	_ =	swait.ge [sflag:s4], $0x0  }
0x19: {  	s7 =	sld [smem:$0x3F9F]  }
0x1a: {  	s8 =	sadd.s32 $0xFFFFE003, lr  }
0x1b: {  	s9 =	sadd.s32 $0xFFFFFEF7, lr;
	s5 =	simm.s32 $0xFFFFFFFF;
	p2 =	slt.u32 s8, $0xFFFFF086  }
0x1c: {  	p1 =	slt.u32 s9, $0xF7A;
	s5 =	simm.s32 @!p2 $0x0  }
0x1d: {  	s5 =	simm.s32 @p1 $0x1;
	p0 =	seq.s32 s7, s2  }
0x1e: {  	s7 =	smul.u32 @!p0 $0xF7A, s2;
	p2 =	seq.s32 @!p0 s5, $0x0  }
0x1f: {  	s9 =	smul.u32 $0xF7A, s1;
	s8 =	simm.s32 @!p0 $0x1BF5;
	p2 =	por !p2, p0  }
0x20: {  	[sflag:s8] =	ssyncset.s32 @!p0 $0xFFFFF086;
	s6 =	sadd.s32 @!p0 s3, s7;
	s7 =	simm.s32 @!p0 $0x108  }
0x21: {  	s3 =	sadd.s32 s3, s9;
	s6 =	sadd.s32 @!p0 $0x88, s6;
	s7 =	simm.s32 @p2 $0x1082  }
0x22: {  	[simem:s7], [sflag:s8] =	dma.local @!p0 [hbm:s6], $0xF7A  }
0x23: {  	s9 =	sor.u32 $0xD0000000, s2;
	s6 =	simm.s32 $0x108;
	_ =	swait.ge @!p0 [sflag:s8], $0x0  }
0x24: {  	s3 =	sadd.s32 $0x88, s3;
	s6 =	simm.s32 @!p1 $0x1082;
	[sflag:s4] =	ssyncset.s32 $0xFFFFF086  }
0x25: {  	[simem:s6], [sflag:s4] =	dma.local [hbm:s3], $0xF7A  }
0x26: {  	[smem:$0x3F9F] =	sst s1;
	(tag) =	ssettag s2;
	_ =	strace s9  }
0x27: {  	s1 =	sld [smem:$0x3FAF]  }
0x28: {  	s2 =	sld [smem:$0x3FB0]  }
0x29: {  	s4 =	sld [smem:$0x3FB2]  }
0x2a: {  	p0 =	seq.s32 s5, $0x0;
	s5 =	sld [smem:$0x3FB3]  }
0x2b: {  	s6 =	sld [smem:$0x3FB4]  }
0x2c: {  	s7 =	sld [smem:$0x3FB5]  }
0x2d: {  	s3 =	simm.s32 $0x108;
	s8 =	sld [smem:$0x3FB6]  }
0x2e: {  	s3 =	simm.s32 @!p0 $0x1082;
	s9 =	sld [smem:$0x3FB7]  }
0x2f: {  	lr =	sadd.s32 s0, s3;
	s0 =	sld [smem:$0x3FAE]  }
0x30: {  	s3 =	sld [smem:$0x3FB1]  }
0x31: {  	[smem:$0x3FBA] =	sst s10  }
0x32: {  	s10 =	sld [smem:$0x3FB8];
	_ =	sdelay $0x3  }
0x33: {  	p0 =	seq.s32 s10, $0x1;
	s10 =	sld [smem:$0x3FBA];
	_ =	sdelay $0x3  }
0x34: {  	[smem:$0x3FBA] =	sst s10  }
0x35: {  	s10 =	sld [smem:$0x3FB9];
	_ =	sdelay $0x3  }
0x36: {  	p1 =	seq.s32 s10, $0x1;
	s10 =	sld [smem:$0x3FBA];
	_ =	sdelay $0x3  }
0x37: {  	[smem:$0x3FBA] =	sst s10  }
0x38: {  	s10 =	sld [smem:$0x3FBB]  }
0x39: {  	_ = 	snop;
	(pc) =	sbr.ind lr, $3  }
0x3a: {  	_ = 	snop  }
0x3b: {  	_ = 	snop  }
0x3c: {  	p2 =	seq.s32 s10, $0x1;
	s10 =	sld [smem:$0x3FBA]  }
0x3d: {  	_ =	shalt  }
0x3e: {  	_ =	shalt  }
0x3f: {  	_ =	shalt  }
0x40: {  	_ =	shalt  }
0x41: {  	_ =	shalt  }
0x42: {  	_ =	shalt  }
0x43: {  	_ =	shalt  }
0x44: {  	_ =	shalt  }
0x45: {  	_ =	shalt  }
0x46: {  	_ =	shalt  }
0x47: {  	_ =	shalt  }
0x48: {  	_ =	shalt  }
0x49: {  	_ =	shalt  }
0x4a: {  	_ =	shalt  }
0x4b: {  	_ =	shalt  }
0x4c: {  	_ =	shalt  }
0x4d: {  	_ =	shalt  }
0x4e: {  	_ =	shalt  }
0x4f: {  	_ =	shalt  }
0x50: {  	_ =	shalt  }
0x51: {  	_ =	shalt  }
0x52: {  	_ =	shalt  }
0x53: {  	_ =	shalt  }
0x54: {  	_ =	shalt  }
0x55: {  	_ =	shalt  }
0x56: {  	_ =	shalt  }
0x57: {  	_ =	shalt  }
0x58: {  	_ =	shalt  }
0x59: {  	_ =	shalt  }
0x5a: {  	_ =	shalt  }
0x5b: {  	_ =	shalt  }
0x5c: {  	_ =	shalt  }
0x5d: {  	_ =	shalt  }
0x5e: {  	_ =	shalt  }
0x5f: {  	_ =	shalt  }
0x60: {  	_ =	shalt  }
0x61: {  	_ =	shalt  }
0x62: {  	_ =	shalt  }
0x63: {  	_ =	shalt  }
0x64: {  	_ =	shalt  }
0x65: {  	_ =	shalt  }
0x66: {  	_ =	shalt  }
0x67: {  	_ =	shalt  }
0x68: {  	_ =	shalt  }
0x69: {  	_ =	shalt  }
0x6a: {  	_ =	shalt  }
0x6b: {  	_ =	shalt  }
0x6c: {  	_ =	shalt  }
0x6d: {  	_ =	shalt  }
0x6e: {  	_ =	shalt  }
0x6f: {  	_ =	shalt  }
0x70: {  	_ =	shalt  }
0x71: {  	_ =	shalt  }
0x72: {  	_ =	shalt  }
0x73: {  	_ =	shalt  }
0x74: {  	_ =	shalt  }
0x75: {  	_ =	shalt  }
0x76: {  	_ =	shalt  }
0x77: {  	_ =	shalt  }
0x78: {  	_ =	shalt  }
0x79: {  	_ =	shalt  }
0x7a: {  	_ =	shalt  }
0x7b: {  	_ =	shalt  }
0x7c: {  	_ =	shalt  }
0x7d: {  	_ =	shalt  }
0x7e: {  	_ =	shalt  }
0x7f: {  	_ =	shalt  }
0x80: {  	_ =	shalt  }
0x81: {  	_ =	shalt  }
0x82: {  	_ =	shalt  }
0x83: {  	_ =	shalt  }
0x84: {  	_ =	shalt  }
0x85: {  	_ =	shalt  }
0x86: {  	_ =	shalt  }
0x87: {  	_ =	shalt  }
.Lfunc_end0:
.L_simem_size_0:
called_computation_lowered:
.L_overlay_start_0:
0x88: {  	s2 =	sld [smem:$0x3FD9]  }
0x89: {  	s3 =	sld [smem:$0x3FFE];
	_ =	sdelay $0x1  }
0x8a: {  	s1 =	srdreg.scid  }
0x8b: {  	s0 =	sand.u32 $0x1, s1  }
0x8c: {  	s17 =	sshll.u32 s0, $0xA;
	s2 =	sadd.s32 s3, s2  }
0x8d: {  	s2 =	sadd.s32 s2, s17  }
0x8e: {  	[smem:$0x3FC6] =	sst s2  }
0x8f: {  	_ = 	snop  }
0x90: {  	s2 =	sld [smem:$0x3FD0];
	(tm) =	ssettm $0x1  }
0x91: {  	s18 =	sld [smem:$0x3FFB];
	_ =	sdelay $0x3  }
0x92: {  	_ =	strace s18  }
0x93: {  	s3 =	sld [smem:$0x3FFC];
	_ =	sdelay $0x3  }
0x94: {  	_ =	strace s3  }
0x95: {  	s3 =	sld [smem:$0x3FFD];
	_ =	sdelay $0x3  }
0x96: {  	_ =	strace s3  }
0x97: {  	_ =	strace $0x8FFFFFFF  }
0x98: {  	s19 =	sld [smem:$0x3FDB];
	_ =	sdelay $0x1  }
0x99: {  	s4 =	simm.s32 $_scs_section_size  }
0x9a: {  	s5 =	simm.s32 $_size__tile_overlayer_lowered;
	s6 =	simm.s32 $_tile_overlayer_lowered  }
0x9b: {  	s22 =	simm.s32 $0x1BFF;
	s21 =	sshll.u32 s6, $0x1;
	s3 =	sadd.s32 s4, s19  }
0x9c: {  	s7 =	simm.s32 $0x0;
	s20 =	sshll.u32 s5, $0x1;
	s5 =	sadd.s32 s21, s3  }
0x9d: {  	[timem:s7], [sflag:s22] =	dma.local [hbm:s5], s20  }
0x9e: {  	_ =	swait.ge [sflag:s22], s20  }
0x9f: {  	s4 =	ssub.s32 $0x0, s20;
	[sflag:s22] =	ssyncset.done $0x0  }
0xa0: {  	[sflag:s22] =	ssyncadd.s32 s4;
	_ =	sdelay $0x1  }
0xa1: {  	s23 =	simm.s32 $0x1B8B  }
0xa2: {  	_ =	swait.ge [sflag:s23], $0x1  }
0xa3: {  	[sflag:s23] =	ssyncset.done $0x0  }
0xa4: {  	s25 =	simm.s32 $0x1B8E;
	s24 =	sld [smem:$0x3FFE];
	[sflag:s23] =	ssyncadd.s32 $0xFFFFFFFF  }
0xa5: {  	s26 =	simm.s32 $execute0_lowered;
	[smem:$0x3FD2] =	sst s25  }
0xa6: {  	s5 =	sshll.u32 s26, $0x1;
	_ =	strace $0x80000046;
	[dreg:$0x1] =	wrdreg $0xFFFFFFFF  }
0xa7: {  	s28 =	simm.s32 $_size_execute0_lowered;
	s3 =	sadd.s32 s3, s5;
	[dreg:$0x0] =	wrdreg $0x0  }
0xa8: {  	s5 =	sshll.u32 s28, $0x1;
	[dreg:$0x2] =	wrdreg s3  }
0xa9: {  	[dreg:$0x3] =	wrdreg s5  }
0xaa: {  	[dreg:$0x4] =	wrdreg $0xC0  }
0xab: {  	_ =	task [dreg:s7], $0x5FFFF  }
0xac: {  	[dreg:$0x1] =	wrdreg $0xFFFFFFFF  }
0xad: {  	[dreg:$0x0] =	wrdreg $0x60  }
0xae: {  	[dreg:$0x2] =	wrdreg s24  }
0xaf: {  	[dreg:$0x3] =	wrdreg s2  }
0xb0: {  	[dreg:$0x4] =	wrdreg $0x9  }
0xb1: {  	_ =	task.clear_ibuf [dreg:s7], $0x5FFFF;
	_ =	strace $0x90000046  }
0xb2: {  	s29 =	simm.s32 $0x9;
	_ =	strace $0x80000048  }
0xb3: {  	_ =	swait.ge [sflag:s29], $0x1  }
0xb4: {  	[sflag:s29] =	ssyncadd.s32 $0xFFFFFFFF  }
0xb5: {  	_ =	strace $0x90000048  }
0xb6: {  	_ =	sfence  }
0xb7: {  	s30 =	sld [smem:$0x0];
	_ =	sdelay $0x2  }
0xb8: {  	s31 =	sshll.u32 s1, $0xD;
	s1 =	sshrl.u32 s1, $0x2  }
0xb9: {  	s3 =	sand.u32 $0x4000, s31;
	s1 =	sadd.s32 s1, s30  }
0xba: {  	s0 =	sor.u32 s3, s0;
	s1 =	sshll.u32 s1, $0x11  }
0xbb: {  	s0 =	sor.u32 s1, s0  }
0xbc: {  	s0 =	sadd.s32 $0x8F2B, s0  }
0xbd: {  	[sflag:s0] =	ssyncadd.remote.s32 $0x1  }
0xbe: {  	_ =	sfence.sel $0xFFFF  }
0xbf: {  	[dreg:$0x0] =	wrdreg $0xFFFFFFFF;
	(pc) =	sbr.abs _section_cstart, $3  }
0xc0: {  	[dreg:$0x1] =	wrdreg $0xFFFFFFFF  }
0xc1: {  	_ =	task.clear_ibuf [dreg:s7], $0x2FFFF;
	_ =	strace $0x9FFFFFFF  }
0xc2: {  	(tm) =	ssettm $0x7FFFFFFF  }
0xc3: {  	_ =	shalt  }
tec
execute0_lowered:
.L_overlay_start_1:
0x0: {  	(tag) =	ssettag $0x1  }
0x1: {  	s0 =	rddreg [dreg:$0x0];
	s1 =	srdreg.scid  }
0x2: {  	s2 =	stileid.u32;
	s6 =	rddreg [dreg:$0x1]  }
0x3: {  	s3 =	simm.s32 $0x0;
	s18 =	simm.s32 $0x6800;
	s20 =	simm.s32 $0xA800  }
0x4: {  	s21 =	simm.s32 $0x1;
	s28 =	simm.s32 $0x4;
	s1 =	sand.u32 $0x1, s1  }
0x5: {  	s2 =	sshll.u32 s2, $0x1;
	[smem:$0x7FF] =	sst s3;
	s31 =	sadd.s32 $0x4000, s6  }
0x6: {  	s8 =	sadd.s32 $0x8000, s6;
	s9 =	sadd.s32 $0xC000, s6;
	s10 =	sadd.s32 $0x10000, s6  }
0x7: {  	s11 =	sadd.s32 $0x14000, s6;
	s12 =	sadd.s32 $0x18000, s6;
	s2 =	sor.u32 s1, s2  }
0x8: {  	v0 =	vlaneseq.u32;
	_ =	strace $0x80000047;
	s1 =	ssub.s32 $0x2, s1;
	s4 =	smul.u32 $0xC80, s2  }
.Ltmp0:
0x9: {  	v11 =	vmul.u32 $0x32, v0;
	[dreg:$0x5] =	wrdreg s31;
	s29 =	sshll.u32 s2, $0x9;
	(pc) =	sbr.rel .LBB2_1-.Ltmp0, $4  }
0xa: {  	v1 =	vand.u32 $0x3, v0;
	v23 =	vmul.u32 $0x20, v0;
	s26 =	sshrl.u32 s1, $0x1;
	[dreg:$0x3] =	wrdreg s29;
	s5 =	sadd.s32 s4, s0  }
0xb: {  	v12 =	vmul.u32 $0x2, v1;
	[tilespmem:$0x1FFD0] =	vst v11;
	s4 =	sadd.s32 $0xF42A00, s0;
	s0 =	ssub.s32 s1, s26;
	s30 =	sadd.s32 $0x600, s5  }
0xc: {  	s13 =	sadd.s32 $0x1C000, s6;
	[tilespmem:$0x1FFF0] =	vst v23;
	s0 =	smax.u32 s0, $0x1;
	[dreg:$0x4] =	wrdreg s30  }
0xd: {  	[tilespmem:$0x1FFE0] =	vst v12;
	s26 =	simm.s32 $0x2;
	s1 =	simm.s32 $0x0;
	[dreg:$0x6] =	wrdreg s0  }
.LBB2_19:
0xe: {  	s0 =	simm.s32 $0x3  }
0xf: {  	_ =	swait.ge [sflag:s0], $0x1000  }
0x10: {  	[sflag:s0] =	ssyncset.done $0x0  }
0x11: {  	[sflag:s0] =	ssyncadd.s32 $0xFFFFF000  }
0x12: {  	_ =	swait.ge [sflag:s0], $0x1000  }
0x13: {  	[sflag:s0] =	ssyncset.done $0x0  }
0x14: {  	[sflag:s0] =	ssyncadd.s32 $0xFFFFF000  }
0x15: {  	_ =	swait.ge [sflag:s0], $0x1000  }
0x16: {  	[sflag:s0] =	ssyncset.done $0x0  }
0x17: {  	[sflag:s0] =	ssyncadd.s32 $0xFFFFF000  }
0x18: {  	_ =	swait.ge [sflag:s0], $0x1000  }
0x19: {  	[sflag:s0] =	ssyncset.done $0x0  }
0x1a: {  	[sflag:s0] =	ssyncadd.s32 $0xFFFFF000  }
0x1b: {  	_ =	swait.ge [sflag:s28], $0x1000  }
0x1c: {  	[sflag:s28] =	ssyncset.done $0x0  }
0x1d: {  	[sflag:s28] =	ssyncadd.s32 $0xFFFFF000  }
0x1e: {  	_ =	swait.ge [sflag:s28], $0x1000  }
0x1f: {  	[sflag:s28] =	ssyncset.done $0x0  }
0x20: {  	[sflag:s28] =	ssyncadd.s32 $0xFFFFF000  }
0x21: {  	_ =	swait.ge [sflag:s28], $0x1000  }
0x22: {  	[sflag:s28] =	ssyncset.done $0x0  }
0x23: {  	[sflag:s28] =	ssyncadd.s32 $0xFFFFF000  }
0x24: {  	_ =	swait.ge [sflag:s28], $0x1000  }
0x25: {  	s1 =	rddreg [dreg:$0x7]  }
0x26: {  	s31 =	rddreg [dreg:$0x6];
	s1 =	sadd.s32 $0x1, s1  }
0x27: {  	p0 =	sne.s32 s1, s31  }
.Ltmp1:
0x28: {  	_ = 	snop;
	(pc) =	sbr.rel @!p0 .LBB2_20-.Ltmp1, $3  }
0x29: {  	_ =	sdelay $0x1  }
0x2a: {  	[sflag:s28] =	ssyncset.done $0x0;
	v12 =	vld [tilespmem:$0x1FFE0]  }
0x2b: {  	[sflag:s28] =	ssyncadd.s32 $0xFFFFF000  }
.LBB2_1:
0x2c: {  	s0 =	simm.s32 $0x960  }
0x2d: {  	s19 =	simm.s32 $0x320;
	v0 =	vadd.s32 s0, v11  }
0x2e: {  	[dreg:$0x7] =	wrdreg s1;
	s22 =	simm.s32 $0x640;
	v1 =	vadd.s32 s19, v11;
	v0 =	vand.u32 $0xFFF8, v0  }
0x2f: {  	s23 =	rddreg [dreg:$0x4];
	s24 =	simm.s32 $0x5;
	v2 =	vadd.s32 s22, v11;
	v1 =	vand.u32 $0xFFF8, v1;
	v0 =	vor.u32 v12, v0  }
0x30: {  	v3 =	vadd.s32 s3, v11;
	[tilespmem:s3], [sflag:$0x5] =	stream.linear.gather [hbm4b:s23+s3], $0x6400, $0x38;
	v2 =	vand.u32 $0xFFF8, v2;
	v1 =	vor.u32 v12, v1;
	[tilespmem:$0x16800] =	vst v63  }
0x31: {  	s25 =	simm.s32 $0xC80;
	v3 =	vand.u32 $0xFFF8, v3;
	_ =	swait.ge [sflag:s24], $0x6400;
	v4 =	vor.u32 v12, v2  }
0x32: {  	s30 =	simm.s32 $0x15E0;
	s31 =	simm.s32 $0x12C0;
	[sflag:s24] =	ssyncset.done $0x0;
	v5 =	vor.u32 v12, v3  }
0x33: {  	s29 =	simm.s32 $0xFA0;
	v6 =	vadd.s32 s30, v11;
	v7 =	vadd.s32 s31, v11;
	v2 =	vadd.s32 s25, v11;
	[sflag:s24] =	ssyncadd.s32 $0xFFFF9C00  }
0x34: {  	v6 =	vand.u32 $0xFFF8, v6;
	v3 =	vand.u32 $0xFFF8, v2;
	v2 =	vadd.s32 s29, v11;
	v0 =	vld.idx.msk [tilespmem:v0+s3+$0x0], $0xffff  }
0x35: {  	v8 =	vand.u32 $0xFFF8, v7;
	v7 =	vor.u32 v12, v6;
	v2 =	vand.u32 $0xFFF8, v2;
	v1 =	vld.idx.msk [tilespmem:v1+s3+$0x0], $0xffff  }
0x36: {  	v2 =	vor.u32 v12, v2;
	v4 =	vld.idx.msk [tilespmem:v4+s3+$0x0], $0xffff  }
0x37: {  	v6 =	vor.u32 v12, v8;
	v5 =	vld.idx.msk [tilespmem:v5+s3+$0x0], $0xffff  }
0x38: {  	s1 =	simm.s32 $0x4;
	s2 =	simm.s32 $0x1900;
	s0 =	simm.s32 $0x6420;
	v3 =	vor.u32 v12, v3  }
.LBB2_2:
0x39: {  	v8 =	vadd.s32 s2, v11;
	s5 =	sadd.s32 $0x320, s2;
	s6 =	sadd.s32 $0x960, s2;
	s1 =	sadd.s32 $0x4, s1;
	[tilespmem:s0+$0x10] =	vst v0  }
0x3a: {  	v8 =	vand.u32 $0xFFF8, v8;
	v9 =	vadd.s32 s5, v11;
	s5 =	sadd.s32 $0x640, s2;
	v10 =	vadd.s32 s6, v11;
	p0 =	slt.u32 s1, $0x1C;
	v0 =	vld.idx.msk [tilespmem:v7+s3+$0x0], $0xffff;
	[tilespmem:s0+$0xFFFFFFF0] =	vst v1  }
.Ltmp2:
0x3b: {  	v7 =	vand.u32 $0xFFF8, v9;
	v9 =	vadd.s32 s5, v11;
	v10 =	vand.u32 $0xFFF8, v10;
	v1 =	vld.idx.msk [tilespmem:v2+s3+$0x0], $0xffff;
	[tilespmem:s0+$0x0] =	vst v4;
	(pc) =	sbr.rel @p0 .LBB2_2-.Ltmp2, $3  }
0x3c: {  	v2 =	vor.u32 v12, v7;
	v9 =	vand.u32 $0xFFF8, v9;
	v7 =	vor.u32 v12, v10;
	v4 =	vld.idx.msk [tilespmem:v6+s3+$0x0], $0xffff;
	[tilespmem:s0+$0xFFFFFFE0] =	vst v5  }
0x3d: {  	v6 =	vor.u32 v12, v9;
	v5 =	vld.idx.msk [tilespmem:v3+s3+$0x0], $0xffff;
	v3 =	vor.u32 v12, v8;
	_ =	sdelay $0x1  }
0x3e: {  	s2 =	sadd.s32 $0xC80, s2;
	s0 =	sadd.s32 $0x40, s0  }
0x3f: {  	_ =	sdelay $0x3  }
0x40: {  	v7 =	vld.idx.msk [tilespmem:v7+s3+$0x0], $0xffff  }
0x41: {  	[tilespmem:s0+$0x10] =	vst v0;
	v0 =	vld.idx.msk [tilespmem:v2+s3+$0x0], $0xffff  }
0x42: {  	[tilespmem:s0+$0xFFFFFFF0] =	vst v1;
	v1 =	vld.idx.msk [tilespmem:v6+s3+$0x0], $0xffff  }
0x43: {  	v2 =	vld.idx.msk [tilespmem:v3+s3+$0x0], $0xffff;
	s1 =	simm.s32 $0x961;
	[tilespmem:s0+$0x0] =	vst v4  }
0x44: {  	s23 =	sadd.s32 $0x40, s0;
	v3 =	vadd.s32 s1, v11;
	[tilespmem:s0+$0xFFFFFFE0] =	vst v5  }
0x45: {  	s24 =	simm.s32 $0x641;
	[tilespmem:s23+$0x10] =	vst v7  }
0x46: {  	s2 =	simm.s32 $0x321;
	[tilespmem:s23+$0xFFFFFFF0] =	vst v0;
	v0 =	vadd.s32 s24, v11  }
0x47: {  	s25 =	simm.s32 $0x1;
	v4 =	vadd.s32 s2, v11;
	[tilespmem:s23+$0x0] =	vst v1  }
0x48: {  	s29 =	simm.s32 $0x15E1;
	[tilespmem:s23+$0xFFFFFFE0] =	vst v2;
	v2 =	vadd.s32 s25, v11  }
0x49: {  	v8 =	vadd.s32 s29, v11;
	v7 =	vld.idx.msk [tilespmem:v3+s3+$0x0], $0xffff  }
0x4a: {  	s6 =	simm.s32 $0x12C1  }
0x4b: {  	s31 =	simm.s32 $0xFA1;
	v6 =	vadd.s32 s6, v11;
	v1 =	vld.idx.msk [tilespmem:v0+s3+$0x0], $0xffff  }
0x4c: {  	s30 =	simm.s32 $0xC81;
	v5 =	vadd.s32 s31, v11;
	v0 =	vld.idx.msk [tilespmem:v4+s3+$0x0], $0xffff  }
0x4d: {  	s0 =	simm.s32 $0x6620;
	v3 =	vadd.s32 s30, v11;
	v2 =	vld.idx.msk [tilespmem:v2+s3+$0x0], $0xffff  }
0x4e: {  	s5 =	simm.s32 $0x8;
	s2 =	simm.s32 $0x2261;
	s1 =	simm.s32 $0x6660;
	v4 =	vld.idx.msk [tilespmem:v8+s3+$0x0], $0xffff;
	[tilespmem:s0+$0x10] =	vst v7  }
.LBB2_4:
0x4f: {  	s6 =	sadd.s32 $0xFFFFF6A0, s2;
	s5 =	sadd.s32 $0x4, s5  }
0x50: {  	s7 =	sadd.s32 $0xFFFFF9C0, s2;
	s14 =	sadd.s32 $0xFFFFFCE0, s2;
	v7 =	vadd.s32 s2, v11;
	[tilespmem:s0+$0x0] =	vst v1;
	v1 =	vld.idx.msk [tilespmem:v6+s3+$0x0], $0xffff;
	p0 =	slt.u32 s5, $0x1C  }
.Ltmp3:
0x51: {  	v9 =	vmovc v0;
	v8 =	vadd.s32 s6, v11;
	v6 =	vadd.s32 s14, v11;
	v0 =	vld.idx.msk [tilespmem:v5+s3+$0x0], $0xffff;
	v5 =	vadd.s32 s7, v11;
	(pc) =	sbr.rel @p0 .LBB2_4-.Ltmp3, $3  }
0x52: {  	[tilespmem:s0+$0xFFFFFFE0] =	vst v2;
	v2 =	vld.idx.msk [tilespmem:v3+s3+$0x0], $0xffff;
	v3 =	vmov v8  }
0x53: {  	[tilespmem:s0+$0xFFFFFFF0] =	vst v9;
	s0 =	smov.u32 s1;
	_ =	sdelay $0x1  }
0x54: {  	s2 =	sadd.s32 $0xC80, s2;
	s1 =	sadd.s32 $0x40, s1;
	[tilespmem:s0+$0x10] =	vst v4;
	v4 =	vld.idx.msk [tilespmem:v7+s3+$0x0], $0xffff  }
0x55: {  	_ =	sdelay $0x1  }
0x56: {  	s5 =	sadd.s32 $0xFFFFFCE0, s2;
	v7 =	vadd.s32 s2, v11  }
0x57: {  	s6 =	sadd.s32 $0xFFFFF6A0, s2;
	v8 =	vadd.s32 s5, v11  }
0x58: {  	s24 =	sadd.s32 $0xFFFFF9C0, s2;
	v6 =	vld.idx.msk [tilespmem:v6+s3+$0x0], $0xffff;
	v9 =	vadd.s32 s6, v11  }
0x59: {  	[tilespmem:s0+$0x0] =	vst v1;
	v3 =	vld.idx.msk [tilespmem:v3+s3+$0x0], $0xffff;
	v60 =	vadd.s32 s24, v11  }
0x5a: {  	v5 =	vld.idx.msk [tilespmem:v5+s3+$0x0], $0xffff;
	[tilespmem:s0+$0xFFFFFFF0] =	vst v0  }
0x5b: {  	[tilespmem:s0+$0xFFFFFFE0] =	vst v2;
	v61 =	vld.idx.msk [tilespmem:v7+s3+$0x0], $0xffff  }
0x5c: {  	[tilespmem:s1+$0x10] =	vst v4;
	v62 =	vld.idx.msk [tilespmem:v8+s3+$0x0], $0xffff  }
0x5d: {  	[tilespmem:s1+$0x0] =	vst v6;
	v63 =	vld.idx.msk [tilespmem:v9+s3+$0x0], $0xffff  }
0x5e: {  	[tilespmem:s1+$0xFFFFFFE0] =	vst v3;
	v1 =	vld.idx.msk [tilespmem:v60+s3+$0x0], $0xffff  }
0x5f: {  	s25 =	sadd.s32 $0x40, s1;
	[tilespmem:s1+$0xFFFFFFF0] =	vst v5  }
0x60: {  	[tilespmem:s25+$0x10] =	vst v61  }
0x61: {  	[tilespmem:s25+$0x0] =	vst v62  }
0x62: {  	[tilespmem:s25+$0xFFFFFFE0] =	vst v63  }
0x63: {  	s29 =	simm.s32 $0x200;
	s30 =	simm.s32 $0x6400;
	s31 =	simm.s32 $0x6600;
	[tilespmem:s25+$0xFFFFFFF0] =	vst v1  }
0x64: {  	[tilespmem:s18], [sflag:$0x1] =	stream.indirect.gather [hbm4b:s4+s29], $0x20, s30, s29, $0xb8;
	[tilespmem:$0x16800] =	vst v63  }
0x65: {  	s15 =	simm.s32 $0x962;
	s0 =	simm.s32 $0x963;
	s6 =	simm.s32 $0x0  }
0x66: {  	[tilespmem:s20], [sflag:$0x2] =	stream.indirect.gather [hbm4b:s4+s29], $0x20, s31, s29, $0xb8;
	[tilespmem:$0x16800] =	vst v63  }
.LBB2_6:
0x67: {  	_ =	swait.ge [sflag:s21], $0x4000  }
0x68: {  	p0 =	seq.s32 s6, $0x0;
	[sflag:s21] =	ssyncset.done $0x0  }
0x69: {  	s1 =	simm.s32 @!p0 $0x3;
	[sflag:s21] =	ssyncadd.s32 $0xFFFFC000  }
0x6a: {  	_ =	swait.ge @!p0 [sflag:s1], $0x1000  }
0x6b: {  	[sflag:s1] =	ssyncset.done @!p0 $0x0  }
0x6c: {  	[sflag:s1] =	ssyncadd.s32 @!p0 $0xFFFFF000  }
0x6d: {  	_ =	swait.ge @!p0 [sflag:s1], $0x1000  }
0x6e: {  	s2 =	simm.s32 $0x20;
	[sflag:s1] =	ssyncset.done @!p0 $0x0  }
0x6f: {  	s5 =	simm.s32 $0x0;
	v0 =	vmov s2;
	[sflag:s1] =	ssyncadd.s32 @!p0 $0xFFFFF000  }
0x70: {  	s7 =	simm.s32 $0x10;
	v1 =	vmov s5;
	v0 =	vshll.u32 v0, $0x5;
	_ =	swait.ge @!p0 [sflag:s1], $0x1000  }
0x71: {  	v2 =	vmov s7;
	v1 =	vshll.u32 v1, $0x5;
	v7 =	vor.u32 v23, v0;
	[sflag:s1] =	ssyncset.done @!p0 $0x0  }
0x72: {  	v6 =	vor.u32 v23, v1;
	v0 =	vshll.u32 v2, $0x5;
	[sflag:s1] =	ssyncadd.s32 @!p0 $0xFFFFF000  }
0x73: {  	s14 =	simm.s32 $0x30;
	v4 =	vor.u32 v23, v0;
	_ =	swait.ge @!p0 [sflag:s1], $0x1000  }
0x74: {  	v0 =	vmov s14;
	[sflag:s1] =	ssyncset.done @!p0 $0x0  }
0x75: {  	v0 =	vshll.u32 v0, $0x5;
	[sflag:s1] =	ssyncadd.s32 @!p0 $0xFFFFF000  }
0x76: {  	v5 =	vor.u32 v23, v0;
	v0 =	vld.idx.msk [tilespmem:v7+s18+$0x0], $0xffff  }
0x77: {  	s19 =	simm.s32 $0x0;
	v2 =	vor.u32 $0x1, v7;
	v1 =	vld.idx.msk [tilespmem:v6+s18+$0x0], $0xffff  }
0x78: {  	v3 =	vor.u32 $0x1, v6;
	s1 =	sand.u32 $0xC00, s19;
	v8 =	vld.idx.msk [tilespmem:v4+s18+$0x0], $0xffff  }
0x79: {  	s22 =	sand.u32 $0x60, s2;
	v9 =	vor.u32 $0x1, v4;
	s16 =	sadd.s32 $0xE800, s1  }
0x7a: {  	s23 =	sand.u32 $0x40, s5;
	s1 =	sor.u32 s22, s16  }
0x7b: {  	s24 =	sand.u32 $0x50, s7;
	v10 =	vld.idx.msk [tilespmem:v5+s18+$0x0], $0xffff;
	s2 =	sor.u32 s23, s16;
	[tilespmem:s1+$0x0] =	vst v0  }
0x7c: {  	s17 =	sor.u32 s24, s16;
	v0 =	vor.u32 $0x1, v5;
	[tilespmem:s2+$0x0] =	vst v1;
	v1 =	vld.idx.msk [tilespmem:v2+s18+$0x0], $0xffff  }
0x7d: {  	[tilespmem:s17+$0x0] =	vst v8;
	v2 =	vld.idx.msk [tilespmem:v3+s18+$0x0], $0xffff;
	v3 =	vor.u32 $0x2, v7  }
0x7e: {  	s25 =	sand.u32 $0x70, s14;
	v8 =	vor.u32 $0x2, v6;
	v9 =	vld.idx.msk [tilespmem:v9+s18+$0x0], $0xffff  }
0x7f: {  	v11 =	vor.u32 $0x2, v4;
	s19 =	sor.u32 s25, s16  }
0x80: {  	[tilespmem:s19+$0x0] =	vst v10  }
0x81: {  	v0 =	vld.idx.msk [tilespmem:v0+s18+$0x0], $0xffff;
	[tilespmem:s1+$0x80] =	vst v1  }
0x82: {  	v1 =	vor.u32 $0x2, v5;
	[tilespmem:s2+$0x80] =	vst v2;
	v2 =	vld.idx.msk [tilespmem:v3+s18+$0x0], $0xffff  }
0x83: {  	[tilespmem:s17+$0x80] =	vst v9;
	v3 =	vld.idx.msk [tilespmem:v8+s18+$0x0], $0xffff;
	v8 =	vor.u32 $0x3, v7  }
0x84: {  	v9 =	vor.u32 $0x3, v6;
	v10 =	vld.idx.msk [tilespmem:v11+s18+$0x0], $0xffff  }
0x85: {  	v11 =	vor.u32 $0x3, v4  }
0x86: {  	[tilespmem:s19+$0x80] =	vst v0  }
0x87: {  	v0 =	vld.idx.msk [tilespmem:v1+s18+$0x0], $0xffff;
	[tilespmem:s1+$0x100] =	vst v2  }
0x88: {  	v1 =	vor.u32 $0x3, v5;
	[tilespmem:s2+$0x100] =	vst v3;
	v2 =	vld.idx.msk [tilespmem:v8+s18+$0x0], $0xffff  }
0x89: {  	[tilespmem:s17+$0x100] =	vst v10;
	v3 =	vld.idx.msk [tilespmem:v9+s18+$0x0], $0xffff;
	v8 =	vor.u32 $0x4, v7  }
0x8a: {  	v9 =	vor.u32 $0x4, v6;
	v10 =	vld.idx.msk [tilespmem:v11+s18+$0x0], $0xffff  }
0x8b: {  	v11 =	vor.u32 $0x4, v4  }
0x8c: {  	[tilespmem:s19+$0x100] =	vst v0  }
0x8d: {  	v0 =	vld.idx.msk [tilespmem:v1+s18+$0x0], $0xffff;
	[tilespmem:s1+$0x180] =	vst v2  }
0x8e: {  	v1 =	vor.u32 $0x4, v5;
	[tilespmem:s2+$0x180] =	vst v3;
	v2 =	vld.idx.msk [tilespmem:v8+s18+$0x0], $0xffff  }
0x8f: {  	[tilespmem:s17+$0x180] =	vst v10;
	v3 =	vld.idx.msk [tilespmem:v9+s18+$0x0], $0xffff;
	v8 =	vor.u32 $0x5, v7  }
0x90: {  	v9 =	vor.u32 $0x5, v6;
	v10 =	vld.idx.msk [tilespmem:v11+s18+$0x0], $0xffff  }
0x91: {  	v11 =	vor.u32 $0x5, v4  }
0x92: {  	[tilespmem:s19+$0x180] =	vst v0  }
0x93: {  	v0 =	vld.idx.msk [tilespmem:v1+s18+$0x0], $0xffff;
	[tilespmem:s1+$0x200] =	vst v2  }
0x94: {  	v1 =	vor.u32 $0x5, v5;
	[tilespmem:s2+$0x200] =	vst v3;
	v2 =	vld.idx.msk [tilespmem:v8+s18+$0x0], $0xffff  }
0x95: {  	[tilespmem:s17+$0x200] =	vst v10;
	v3 =	vld.idx.msk [tilespmem:v9+s18+$0x0], $0xffff;
	v8 =	vor.u32 $0x6, v7  }
0x96: {  	v9 =	vor.u32 $0x6, v6;
	v10 =	vld.idx.msk [tilespmem:v11+s18+$0x0], $0xffff  }
0x97: {  	v11 =	vor.u32 $0x6, v4  }
0x98: {  	[tilespmem:s19+$0x200] =	vst v0  }
0x99: {  	v0 =	vld.idx.msk [tilespmem:v1+s18+$0x0], $0xffff;
	[tilespmem:s1+$0x280] =	vst v2  }
0x9a: {  	v1 =	vor.u32 $0x6, v5;
	[tilespmem:s2+$0x280] =	vst v3;
	v2 =	vld.idx.msk [tilespmem:v8+s18+$0x0], $0xffff  }
0x9b: {  	[tilespmem:s17+$0x280] =	vst v10;
	v3 =	vld.idx.msk [tilespmem:v9+s18+$0x0], $0xffff;
	v8 =	vor.u32 $0x7, v7  }
0x9c: {  	v9 =	vor.u32 $0x7, v6;
	v10 =	vld.idx.msk [tilespmem:v11+s18+$0x0], $0xffff  }
0x9d: {  	v11 =	vor.u32 $0x7, v4  }
0x9e: {  	[tilespmem:s19+$0x280] =	vst v0  }
0x9f: {  	v0 =	vld.idx.msk [tilespmem:v1+s18+$0x0], $0xffff;
	[tilespmem:s1+$0x300] =	vst v2  }
0xa0: {  	v1 =	vor.u32 $0x7, v5;
	[tilespmem:s2+$0x300] =	vst v3;
	v2 =	vld.idx.msk [tilespmem:v8+s18+$0x0], $0xffff  }
0xa1: {  	[tilespmem:s17+$0x300] =	vst v10;
	v3 =	vld.idx.msk [tilespmem:v9+s18+$0x0], $0xffff;
	v8 =	vor.u32 $0x8, v7  }
0xa2: {  	v9 =	vor.u32 $0x8, v6;
	v10 =	vld.idx.msk [tilespmem:v11+s18+$0x0], $0xffff  }
0xa3: {  	v11 =	vor.u32 $0x8, v4  }
0xa4: {  	[tilespmem:s19+$0x300] =	vst v0  }
0xa5: {  	v0 =	vld.idx.msk [tilespmem:v1+s18+$0x0], $0xffff;
	[tilespmem:s1+$0x380] =	vst v2  }
0xa6: {  	v1 =	vor.u32 $0x8, v5;
	[tilespmem:s2+$0x380] =	vst v3;
	v2 =	vld.idx.msk [tilespmem:v8+s18+$0x0], $0xffff  }
0xa7: {  	[tilespmem:s17+$0x380] =	vst v10;
	v3 =	vld.idx.msk [tilespmem:v9+s18+$0x0], $0xffff;
	v8 =	vor.u32 $0x9, v7  }
0xa8: {  	v9 =	vor.u32 $0x9, v6;
	v10 =	vld.idx.msk [tilespmem:v11+s18+$0x0], $0xffff  }
0xa9: {  	v11 =	vor.u32 $0x9, v4  }
0xaa: {  	[tilespmem:s19+$0x380] =	vst v0  }
0xab: {  	v0 =	vld.idx.msk [tilespmem:v1+s18+$0x0], $0xffff;
	[tilespmem:s1+$0x1000] =	vst v2  }
0xac: {  	v1 =	vor.u32 $0x9, v5;
	[tilespmem:s2+$0x1000] =	vst v3;
	v2 =	vld.idx.msk [tilespmem:v8+s18+$0x0], $0xffff  }
0xad: {  	[tilespmem:s17+$0x1000] =	vst v10;
	v3 =	vld.idx.msk [tilespmem:v9+s18+$0x0], $0xffff;
	v8 =	vor.u32 $0xA, v7  }
0xae: {  	v9 =	vor.u32 $0xA, v6;
	v10 =	vld.idx.msk [tilespmem:v11+s18+$0x0], $0xffff  }
0xaf: {  	v11 =	vor.u32 $0xA, v4  }
0xb0: {  	[tilespmem:s19+$0x1000] =	vst v0  }
0xb1: {  	v0 =	vld.idx.msk [tilespmem:v1+s18+$0x0], $0xffff;
	[tilespmem:s1+$0x1080] =	vst v2  }
0xb2: {  	v1 =	vor.u32 $0xA, v5;
	[tilespmem:s2+$0x1080] =	vst v3;
	v2 =	vld.idx.msk [tilespmem:v8+s18+$0x0], $0xffff  }
0xb3: {  	[tilespmem:s17+$0x1080] =	vst v10;
	v3 =	vld.idx.msk [tilespmem:v9+s18+$0x0], $0xffff;
	v8 =	vor.u32 $0xB, v7  }
0xb4: {  	v9 =	vor.u32 $0xB, v6;
	v10 =	vld.idx.msk [tilespmem:v11+s18+$0x0], $0xffff  }
0xb5: {  	v11 =	vor.u32 $0xB, v4  }
0xb6: {  	[tilespmem:s19+$0x1080] =	vst v0  }
0xb7: {  	v0 =	vld.idx.msk [tilespmem:v1+s18+$0x0], $0xffff;
	[tilespmem:s1+$0x1100] =	vst v2  }
0xb8: {  	v1 =	vor.u32 $0xB, v5;
	[tilespmem:s2+$0x1100] =	vst v3;
	v2 =	vld.idx.msk [tilespmem:v8+s18+$0x0], $0xffff  }
0xb9: {  	[tilespmem:s17+$0x1100] =	vst v10;
	v3 =	vld.idx.msk [tilespmem:v9+s18+$0x0], $0xffff;
	v8 =	vor.u32 $0xC, v7  }
0xba: {  	v9 =	vor.u32 $0xC, v6;
	v10 =	vld.idx.msk [tilespmem:v11+s18+$0x0], $0xffff  }
0xbb: {  	v11 =	vor.u32 $0xC, v4  }
0xbc: {  	[tilespmem:s19+$0x1100] =	vst v0  }
0xbd: {  	v0 =	vld.idx.msk [tilespmem:v1+s18+$0x0], $0xffff;
	[tilespmem:s1+$0x1180] =	vst v2  }
0xbe: {  	v1 =	vor.u32 $0xC, v5;
	[tilespmem:s2+$0x1180] =	vst v3;
	v2 =	vld.idx.msk [tilespmem:v8+s18+$0x0], $0xffff  }
0xbf: {  	[tilespmem:s17+$0x1180] =	vst v10;
	v3 =	vld.idx.msk [tilespmem:v9+s18+$0x0], $0xffff;
	v8 =	vor.u32 $0xD, v7  }
0xc0: {  	v9 =	vor.u32 $0xD, v6;
	v10 =	vld.idx.msk [tilespmem:v11+s18+$0x0], $0xffff  }
0xc1: {  	v11 =	vor.u32 $0xD, v4  }
0xc2: {  	[tilespmem:s19+$0x1180] =	vst v0  }
0xc3: {  	v0 =	vld.idx.msk [tilespmem:v1+s18+$0x0], $0xffff;
	[tilespmem:s1+$0x1200] =	vst v2  }
0xc4: {  	v1 =	vor.u32 $0xD, v5;
	[tilespmem:s2+$0x1200] =	vst v3;
	v2 =	vld.idx.msk [tilespmem:v8+s18+$0x0], $0xffff  }
0xc5: {  	[tilespmem:s17+$0x1200] =	vst v10;
	v3 =	vld.idx.msk [tilespmem:v9+s18+$0x0], $0xffff;
	v8 =	vor.u32 $0xE, v7  }
0xc6: {  	v9 =	vor.u32 $0xE, v6;
	v10 =	vld.idx.msk [tilespmem:v11+s18+$0x0], $0xffff  }
0xc7: {  	v11 =	vor.u32 $0xE, v4  }
0xc8: {  	[tilespmem:s19+$0x1200] =	vst v0  }
0xc9: {  	v0 =	vld.idx.msk [tilespmem:v1+s18+$0x0], $0xffff;
	[tilespmem:s1+$0x1280] =	vst v2  }
0xca: {  	v1 =	vor.u32 $0xE, v5;
	[tilespmem:s2+$0x1280] =	vst v3;
	v2 =	vld.idx.msk [tilespmem:v8+s18+$0x0], $0xffff  }
0xcb: {  	[tilespmem:s17+$0x1280] =	vst v10;
	v3 =	vld.idx.msk [tilespmem:v9+s18+$0x0], $0xffff;
	v8 =	vor.u32 $0xF, v7  }
0xcc: {  	v9 =	vor.u32 $0xF, v6;
	v10 =	vld.idx.msk [tilespmem:v11+s18+$0x0], $0xffff  }
0xcd: {  	v11 =	vor.u32 $0xF, v4  }
0xce: {  	[tilespmem:s19+$0x1280] =	vst v0  }
0xcf: {  	v0 =	vld.idx.msk [tilespmem:v1+s18+$0x0], $0xffff;
	[tilespmem:s1+$0x1300] =	vst v2  }
0xd0: {  	v1 =	vor.u32 $0xF, v5;
	[tilespmem:s2+$0x1300] =	vst v3;
	v2 =	vld.idx.msk [tilespmem:v8+s18+$0x0], $0xffff  }
0xd1: {  	[tilespmem:s17+$0x1300] =	vst v10;
	v3 =	vld.idx.msk [tilespmem:v9+s18+$0x0], $0xffff;
	v8 =	vor.u32 $0x10, v7  }
0xd2: {  	v9 =	vor.u32 $0x10, v6;
	v10 =	vld.idx.msk [tilespmem:v11+s18+$0x0], $0xffff  }
0xd3: {  	v11 =	vor.u32 $0x10, v4  }
0xd4: {  	[tilespmem:s19+$0x1300] =	vst v0  }
0xd5: {  	v0 =	vld.idx.msk [tilespmem:v1+s18+$0x0], $0xffff;
	[tilespmem:s1+$0x1380] =	vst v2  }
0xd6: {  	v1 =	vor.u32 $0x10, v5;
	[tilespmem:s2+$0x1380] =	vst v3;
	v2 =	vld.idx.msk [tilespmem:v8+s18+$0x0], $0xffff  }
0xd7: {  	[tilespmem:s17+$0x1380] =	vst v10;
	v3 =	vld.idx.msk [tilespmem:v9+s18+$0x0], $0xffff;
	v8 =	vor.u32 $0x11, v7  }
0xd8: {  	v9 =	vor.u32 $0x11, v6;
	v10 =	vld.idx.msk [tilespmem:v11+s18+$0x0], $0xffff  }
0xd9: {  	v11 =	vor.u32 $0x11, v4  }
0xda: {  	[tilespmem:s19+$0x1380] =	vst v0  }
0xdb: {  	v0 =	vld.idx.msk [tilespmem:v1+s18+$0x0], $0xffff;
	[tilespmem:s1+$0x2000] =	vst v2  }
0xdc: {  	v1 =	vor.u32 $0x11, v5;
	[tilespmem:s2+$0x2000] =	vst v3;
	v2 =	vld.idx.msk [tilespmem:v8+s18+$0x0], $0xffff  }
0xdd: {  	s7 =	simm.s32 $0x60;
	[tilespmem:s17+$0x2000] =	vst v10;
	v10 =	vor.u32 $0x12, v7;
	v8 =	vld.idx.msk [tilespmem:v9+s18+$0x0], $0xffff  }
0xde: {  	v12 =	vor.u32 $0x12, v6;
	s14 =	simm.s32 $0x40;
	v3 =	vmov s7;
	v11 =	vld.idx.msk [tilespmem:v11+s18+$0x0], $0xffff  }
0xdf: {  	v13 =	vor.u32 $0x12, v4;
	s16 =	simm.s32 $0x50;
	v9 =	vmov s14;
	v3 =	vshll.u32 v3, $0x5  }
0xe0: {  	s23 =	simm.s32 $0x70;
	v14 =	vmov s16;
	v63 =	vor.u32 v23, v3;
	[tilespmem:s19+$0x2000] =	vst v0;
	v0 =	vshll.u32 v9, $0x5  }
0xe1: {  	v15 =	vmov s23;
	v1 =	vld.idx.msk [tilespmem:v1+s18+$0x0], $0xffff;
	v9 =	vor.u32 v23, v0;
	v0 =	vshll.u32 v14, $0x5;
	[tilespmem:s1+$0x2080] =	vst v2  }
0xe2: {  	v2 =	vshll.u32 v15, $0x5;
	v48 =	vor.u32 v23, v0;
	[tilespmem:s2+$0x2080] =	vst v8;
	v8 =	vld.idx.msk [tilespmem:v10+s18+$0x0], $0xffff  }
0xe3: {  	[tilespmem:s17+$0x2080] =	vst v11;
	v0 =	vor.u32 v23, v2;
	v2 =	vld.idx.msk [tilespmem:v12+s18+$0x0], $0xffff  }
0xe4: {  	v10 =	vld.idx.msk [tilespmem:v13+s18+$0x0], $0xffff;
	v12 =	vor.u32 $0x12, v5  }
0xe5: {  	v11 =	vor.u32 $0x13, v7;
	v13 =	vld.idx.msk [tilespmem:v63+s18+$0x0], $0xffff  }
0xe6: {  	s29 =	simm.s32 $0x200;
	v14 =	vor.u32 $0x13, v6;
	v15 =	vld.idx.msk [tilespmem:v9+s18+$0x0], $0xffff;
	[tilespmem:s19+$0x2080] =	vst v1  }
0xe7: {  	s22 =	sand.u32 $0xC00, s29;
	v16 =	vor.u32 $0x1, v63;
	v1 =	vld.idx.msk [tilespmem:v48+s18+$0x0], $0xffff;
	[tilespmem:s1+$0x2100] =	vst v8  }
0xe8: {  	s5 =	sand.u32 $0x60, s7;
	s24 =	sadd.s32 $0xE800, s22;
	v17 =	vor.u32 $0x1, v9;
	v18 =	vld.idx.msk [tilespmem:v0+s18+$0x0], $0xffff;
	[tilespmem:s2+$0x2100] =	vst v2  }
0xe9: {  	s22 =	sor.u32 s5, s24;
	s7 =	sand.u32 $0x40, s14;
	v8 =	vor.u32 $0x1, v48;
	[tilespmem:s17+$0x2100] =	vst v10;
	v10 =	vld.idx.msk [tilespmem:v12+s18+$0x0], $0xffff  }
0xea: {  	s14 =	sand.u32 $0x50, s16;
	s25 =	sor.u32 s7, s24;
	[tilespmem:s22+$0x0] =	vst v13;
	v2 =	vld.idx.msk [tilespmem:v11+s18+$0x0], $0xffff;
	v11 =	vor.u32 $0x1, v0  }
0xeb: {  	s16 =	sand.u32 $0x70, s23;
	s23 =	sor.u32 s14, s24;
	v12 =	vld.idx.msk [tilespmem:v14+s18+$0x0], $0xffff;
	v14 =	vor.u32 $0x13, v4;
	[tilespmem:s25+$0x0] =	vst v15  }
0xec: {  	s24 =	sor.u32 s16, s24;
	v13 =	vor.u32 $0x14, v7;
	v15 =	vld.idx.msk [tilespmem:v16+s18+$0x0], $0xffff;
	[tilespmem:s23+$0x0] =	vst v1  }
0xed: {  	v16 =	vor.u32 $0x13, v5;
	v17 =	vld.idx.msk [tilespmem:v17+s18+$0x0], $0xffff;
	[tilespmem:s24+$0x0] =	vst v18  }
0xee: {  	v1 =	vld.idx.msk [tilespmem:v8+s18+$0x0], $0xffff;
	v8 =	vor.u32 $0x2, v63;
	[tilespmem:s19+$0x2100] =	vst v10  }
0xef: {  	v18 =	vor.u32 $0x2, v9;
	v11 =	vld.idx.msk [tilespmem:v11+s18+$0x0], $0xffff;
	[tilespmem:s1+$0x2180] =	vst v2  }
0xf0: {  	v2 =	vor.u32 $0x2, v48;
	[tilespmem:s2+$0x2180] =	vst v12;
	v12 =	vld.idx.msk [tilespmem:v14+s18+$0x0], $0xffff  }
0xf1: {  	v10 =	vor.u32 $0x2, v0;
	v13 =	vld.idx.msk [tilespmem:v13+s18+$0x0], $0xffff;
	[tilespmem:s22+$0x80] =	vst v15  }
0xf2: {  	v14 =	vor.u32 $0x15, v7;
	v15 =	vld.idx.msk [tilespmem:v16+s18+$0x0], $0xffff;
	[tilespmem:s25+$0x80] =	vst v17  }
0xf3: {  	v16 =	vor.u32 $0x14, v6;
	v8 =	vld.idx.msk [tilespmem:v8+s18+$0x0], $0xffff;
	[tilespmem:s23+$0x80] =	vst v1  }
0xf4: {  	v17 =	vor.u32 $0x14, v4;
	v18 =	vld.idx.msk [tilespmem:v18+s18+$0x0], $0xffff;
	[tilespmem:s24+$0x80] =	vst v11  }
0xf5: {  	v1 =	vld.idx.msk [tilespmem:v2+s18+$0x0], $0xffff;
	v2 =	vor.u32 $0x3, v63;
	[tilespmem:s17+$0x2180] =	vst v12  }
0xf6: {  	v11 =	vor.u32 $0x3, v9;
	v10 =	vld.idx.msk [tilespmem:v10+s18+$0x0], $0xffff;
	[tilespmem:s1+$0x2200] =	vst v13  }
0xf7: {  	v13 =	vor.u32 $0x3, v48;
	v12 =	vld.idx.msk [tilespmem:v14+s18+$0x0], $0xffff;
	[tilespmem:s19+$0x2180] =	vst v15  }
0xf8: {  	v14 =	vor.u32 $0x3, v0;
	v16 =	vld.idx.msk [tilespmem:v16+s18+$0x0], $0xffff;
	[tilespmem:s22+$0x100] =	vst v8  }
0xf9: {  	v15 =	vor.u32 $0x16, v7;
	v8 =	vld.idx.msk [tilespmem:v17+s18+$0x0], $0xffff;
	[tilespmem:s25+$0x100] =	vst v18  }
0xfa: {  	v17 =	vor.u32 $0x14, v5;
	v2 =	vld.idx.msk [tilespmem:v2+s18+$0x0], $0xffff;
	[tilespmem:s23+$0x100] =	vst v1  }
0xfb: {  	v18 =	vor.u32 $0x15, v6;
	v11 =	vld.idx.msk [tilespmem:v11+s18+$0x0], $0xffff;
	[tilespmem:s24+$0x100] =	vst v10  }
0xfc: {  	v1 =	vld.idx.msk [tilespmem:v13+s18+$0x0], $0xffff;
	v13 =	vor.u32 $0x4, v63;
	[tilespmem:s1+$0x2280] =	vst v12  }
0xfd: {  	v10 =	vor.u32 $0x4, v9;
	v14 =	vld.idx.msk [tilespmem:v14+s18+$0x0], $0xffff;
	[tilespmem:s2+$0x2200] =	vst v16  }
0xfe: {  	v12 =	vor.u32 $0x4, v48;
	v15 =	vld.idx.msk [tilespmem:v15+s18+$0x0], $0xffff;
	[tilespmem:s17+$0x2200] =	vst v8  }
0xff: {  	v16 =	vor.u32 $0x4, v0;
	v8 =	vld.idx.msk [tilespmem:v17+s18+$0x0], $0xffff;
	[tilespmem:s22+$0x180] =	vst v2  }
0x100: {  	v17 =	vor.u32 $0x17, v7;
	v2 =	vld.idx.msk [tilespmem:v18+s18+$0x0], $0xffff;
	[tilespmem:s25+$0x180] =	vst v11  }
0x101: {  	v18 =	vor.u32 $0x15, v4;
	v11 =	vld.idx.msk [tilespmem:v13+s18+$0x0], $0xffff;
	[tilespmem:s23+$0x180] =	vst v1  }
0x102: {  	v13 =	vor.u32 $0x15, v5;
	v10 =	vld.idx.msk [tilespmem:v10+s18+$0x0], $0xffff;
	[tilespmem:s24+$0x180] =	vst v14  }
0x103: {  	v1 =	vld.idx.msk [tilespmem:v12+s18+$0x0], $0xffff;
	v12 =	vor.u32 $0x5, v63;
	[tilespmem:s1+$0x2300] =	vst v15  }
0x104: {  	v14 =	vor.u32 $0x5, v9;
	v16 =	vld.idx.msk [tilespmem:v16+s18+$0x0], $0xffff;
	[tilespmem:s19+$0x2200] =	vst v8  }
0x105: {  	v15 =	vor.u32 $0x5, v48;
	v17 =	vld.idx.msk [tilespmem:v17+s18+$0x0], $0xffff;
	[tilespmem:s2+$0x2280] =	vst v2  }
0x106: {  	v8 =	vor.u32 $0x5, v0;
	v2 =	vld.idx.msk [tilespmem:v18+s18+$0x0], $0xffff;
	[tilespmem:s22+$0x200] =	vst v11  }
0x107: {  	v18 =	vor.u32 $0x16, v6;
	v13 =	vld.idx.msk [tilespmem:v13+s18+$0x0], $0xffff;
	[tilespmem:s25+$0x200] =	vst v10  }
0x108: {  	v11 =	vor.u32 $0x18, v7;
	v10 =	vld.idx.msk [tilespmem:v12+s18+$0x0], $0xffff;
	[tilespmem:s23+$0x200] =	vst v1  }
0x109: {  	v12 =	vor.u32 $0x16, v4;
	v14 =	vld.idx.msk [tilespmem:v14+s18+$0x0], $0xffff;
	[tilespmem:s24+$0x200] =	vst v16  }
0x10a: {  	v1 =	vld.idx.msk [tilespmem:v15+s18+$0x0], $0xffff;
	v15 =	vor.u32 $0x6, v63;
	[tilespmem:s1+$0x2380] =	vst v17  }
0x10b: {  	v16 =	vor.u32 $0x6, v9;
	v8 =	vld.idx.msk [tilespmem:v8+s18+$0x0], $0xffff;
	[tilespmem:s17+$0x2280] =	vst v2  }
0x10c: {  	v17 =	vor.u32 $0x6, v48;
	v18 =	vld.idx.msk [tilespmem:v18+s18+$0x0], $0xffff;
	[tilespmem:s19+$0x2280] =	vst v13  }
0x10d: {  	v2 =	vld.idx.msk [tilespmem:v11+s18+$0x0], $0xffff;
	v11 =	vor.u32 $0x6, v0;
	[tilespmem:s22+$0x280] =	vst v10  }
0x10e: {  	v10 =	vld.idx.msk [tilespmem:v12+s18+$0x0], $0xffff;
	v12 =	vor.u32 $0x19, v7;
	[tilespmem:s25+$0x280] =	vst v14  }
0x10f: {  	v13 =	vor.u32 $0x16, v5;
	v14 =	vld.idx.msk [tilespmem:v15+s18+$0x0], $0xffff;
	[tilespmem:s23+$0x280] =	vst v1  }
0x110: {  	v15 =	vor.u32 $0x17, v6;
	v16 =	vld.idx.msk [tilespmem:v16+s18+$0x0], $0xffff;
	[tilespmem:s24+$0x280] =	vst v8  }
0x111: {  	v1 =	vld.idx.msk [tilespmem:v17+s18+$0x0], $0xffff;
	v17 =	vor.u32 $0x7, v63;
	[tilespmem:s2+$0x2300] =	vst v18  }
0x112: {  	v8 =	vor.u32 $0x7, v9;
	v11 =	vld.idx.msk [tilespmem:v11+s18+$0x0], $0xffff;
	[tilespmem:s1+$0x3000] =	vst v2  }
0x113: {  	v2 =	vor.u32 $0x7, v48;
	v12 =	vld.idx.msk [tilespmem:v12+s18+$0x0], $0xffff;
	[tilespmem:s17+$0x2300] =	vst v10  }
0x114: {  	v18 =	vor.u32 $0x7, v0;
	v10 =	vld.idx.msk [tilespmem:v13+s18+$0x0], $0xffff;
	[tilespmem:s22+$0x300] =	vst v14  }
0x115: {  	v13 =	vld.idx.msk [tilespmem:v15+s18+$0x0], $0xffff;
	v14 =	vor.u32 $0x1A, v7;
	[tilespmem:s25+$0x300] =	vst v16  }
0x116: {  	v15 =	vor.u32 $0x17, v4;
	v16 =	vld.idx.msk [tilespmem:v17+s18+$0x0], $0xffff;
	[tilespmem:s23+$0x300] =	vst v1  }
0x117: {  	v17 =	vor.u32 $0x17, v5;
	v8 =	vld.idx.msk [tilespmem:v8+s18+$0x0], $0xffff;
	[tilespmem:s24+$0x300] =	vst v11  }
0x118: {  	v1 =	vld.idx.msk [tilespmem:v2+s18+$0x0], $0xffff;
	v2 =	vor.u32 $0x8, v63;
	[tilespmem:s1+$0x3080] =	vst v12  }
0x119: {  	v11 =	vor.u32 $0x8, v9;
	v18 =	vld.idx.msk [tilespmem:v18+s18+$0x0], $0xffff;
	[tilespmem:s19+$0x2300] =	vst v10  }
0x11a: {  	v12 =	vor.u32 $0x8, v48;
	v14 =	vld.idx.msk [tilespmem:v14+s18+$0x0], $0xffff;
	[tilespmem:s2+$0x2380] =	vst v13  }
0x11b: {  	v10 =	vor.u32 $0x8, v0;
	v13 =	vld.idx.msk [tilespmem:v15+s18+$0x0], $0xffff;
	[tilespmem:s22+$0x380] =	vst v16  }
0x11c: {  	v15 =	vor.u32 $0x1B, v7;
	v16 =	vld.idx.msk [tilespmem:v17+s18+$0x0], $0xffff;
	[tilespmem:s25+$0x380] =	vst v8  }
0x11d: {  	v17 =	vor.u32 $0x18, v6;
	v2 =	vld.idx.msk [tilespmem:v2+s18+$0x0], $0xffff;
	[tilespmem:s23+$0x380] =	vst v1  }
0x11e: {  	v8 =	vor.u32 $0x18, v4;
	v11 =	vld.idx.msk [tilespmem:v11+s18+$0x0], $0xffff;
	[tilespmem:s24+$0x380] =	vst v18  }
0x11f: {  	v1 =	vld.idx.msk [tilespmem:v12+s18+$0x0], $0xffff;
	v12 =	vor.u32 $0x9, v63;
	[tilespmem:s1+$0x3100] =	vst v14  }
0x120: {  	v18 =	vor.u32 $0x9, v9;
	v10 =	vld.idx.msk [tilespmem:v10+s18+$0x0], $0xffff;
	[tilespmem:s17+$0x2380] =	vst v13  }
0x121: {  	v14 =	vor.u32 $0x9, v48;
	v13 =	vld.idx.msk [tilespmem:v15+s18+$0x0], $0xffff;
	[tilespmem:s19+$0x2380] =	vst v16  }
0x122: {  	v15 =	vor.u32 $0x9, v0;
	v17 =	vld.idx.msk [tilespmem:v17+s18+$0x0], $0xffff;
	[tilespmem:s22+$0x1000] =	vst v2  }
0x123: {  	v2 =	vld.idx.msk [tilespmem:v8+s18+$0x0], $0xffff;
	v8 =	vor.u32 $0x1C, v7;
	[tilespmem:s25+$0x1000] =	vst v11  }
0x124: {  	v16 =	vor.u32 $0x18, v5;
	v11 =	vld.idx.msk [tilespmem:v12+s18+$0x0], $0xffff;
	[tilespmem:s23+$0x1000] =	vst v1  }
0x125: {  	v12 =	vor.u32 $0x19, v6;
	v18 =	vld.idx.msk [tilespmem:v18+s18+$0x0], $0xffff;
	[tilespmem:s24+$0x1000] =	vst v10  }
0x126: {  	v1 =	vld.idx.msk [tilespmem:v14+s18+$0x0], $0xffff;
	v14 =	vor.u32 $0xA, v63;
	[tilespmem:s1+$0x3180] =	vst v13  }
0x127: {  	v10 =	vor.u32 $0xA, v9;
	v15 =	vld.idx.msk [tilespmem:v15+s18+$0x0], $0xffff;
	[tilespmem:s2+$0x3000] =	vst v17  }
0x128: {  	v13 =	vor.u32 $0xA, v48;
	v8 =	vld.idx.msk [tilespmem:v8+s18+$0x0], $0xffff;
	[tilespmem:s17+$0x3000] =	vst v2  }
0x129: {  	v17 =	vor.u32 $0xA, v0;
	v2 =	vld.idx.msk [tilespmem:v16+s18+$0x0], $0xffff;
	[tilespmem:s22+$0x1080] =	vst v11  }
0x12a: {  	v11 =	vld.idx.msk [tilespmem:v12+s18+$0x0], $0xffff;
	v12 =	vor.u32 $0x1D, v7;
	[tilespmem:s25+$0x1080] =	vst v18  }
0x12b: {  	v16 =	vor.u32 $0x19, v4;
	v14 =	vld.idx.msk [tilespmem:v14+s18+$0x0], $0xffff;
	[tilespmem:s23+$0x1080] =	vst v1  }
0x12c: {  	v18 =	vor.u32 $0x19, v5;
	v10 =	vld.idx.msk [tilespmem:v10+s18+$0x0], $0xffff;
	[tilespmem:s24+$0x1080] =	vst v15  }
0x12d: {  	v1 =	vld.idx.msk [tilespmem:v13+s18+$0x0], $0xffff;
	v13 =	vor.u32 $0xB, v63;
	[tilespmem:s1+$0x3200] =	vst v8  }
0x12e: {  	v15 =	vor.u32 $0xB, v9;
	v17 =	vld.idx.msk [tilespmem:v17+s18+$0x0], $0xffff;
	[tilespmem:s19+$0x3000] =	vst v2  }
0x12f: {  	v8 =	vor.u32 $0xB, v48;
	v12 =	vld.idx.msk [tilespmem:v12+s18+$0x0], $0xffff;
	[tilespmem:s2+$0x3080] =	vst v11  }
0x130: {  	v2 =	vor.u32 $0xB, v0;
	v11 =	vld.idx.msk [tilespmem:v16+s18+$0x0], $0xffff;
	[tilespmem:s22+$0x1100] =	vst v14  }
0x131: {  	v16 =	vld.idx.msk [tilespmem:v18+s18+$0x0], $0xffff;
	v18 =	vor.u32 $0x1A, v6;
	[tilespmem:s25+$0x1100] =	vst v10  }
0x132: {  	v14 =	vor.u32 $0x1E, v7;
	v10 =	vld.idx.msk [tilespmem:v13+s18+$0x0], $0xffff;
	[tilespmem:s23+$0x1100] =	vst v1  }
0x133: {  	v13 =	vor.u32 $0x1A, v4;
	v15 =	vld.idx.msk [tilespmem:v15+s18+$0x0], $0xffff;
	[tilespmem:s24+$0x1100] =	vst v17  }
0x134: {  	v17 =	vor.u32 $0xC, v9;
	v1 =	vld.idx.msk [tilespmem:v8+s18+$0x0], $0xffff;
	[tilespmem:s1+$0x3280] =	vst v12  }
0x135: {  	v8 =	vor.u32 $0xC, v63;
	v2 =	vld.idx.msk [tilespmem:v2+s18+$0x0], $0xffff;
	[tilespmem:s17+$0x3080] =	vst v11  }
0x136: {  	v12 =	vor.u32 $0xC, v48;
	v18 =	vld.idx.msk [tilespmem:v18+s18+$0x0], $0xffff;
	[tilespmem:s19+$0x3080] =	vst v16  }
0x137: {  	v11 =	vld.idx.msk [tilespmem:v14+s18+$0x0], $0xffff;
	v14 =	vor.u32 $0xC, v0;
	[tilespmem:s22+$0x1180] =	vst v10  }
0x138: {  	v7 =	vor.u32 $0x1F, v7;
	v10 =	vld.idx.msk [tilespmem:v13+s18+$0x0], $0xffff;
	[tilespmem:s25+$0x1180] =	vst v15  }
0x139: {  	v13 =	vor.u32 $0x1A, v5;
	v16 =	vld.idx.msk [tilespmem:v17+s18+$0x0], $0xffff;
	[tilespmem:s23+$0x1180] =	vst v1  }
0x13a: {  	v15 =	vor.u32 $0x1B, v6;
	v8 =	vld.idx.msk [tilespmem:v8+s18+$0x0], $0xffff;
	[tilespmem:s24+$0x1180] =	vst v2  }
0x13b: {  	v2 =	vor.u32 $0xD, v9;
	v1 =	vld.idx.msk [tilespmem:v12+s18+$0x0], $0xffff;
	[tilespmem:s2+$0x3100] =	vst v18  }
0x13c: {  	v12 =	vor.u32 $0xD, v63;
	v14 =	vld.idx.msk [tilespmem:v14+s18+$0x0], $0xffff;
	[tilespmem:s1+$0x3300] =	vst v11  }
0x13d: {  	v11 =	vor.u32 $0xD, v48;
	v7 =	vld.idx.msk [tilespmem:v7+s18+$0x0], $0xffff;
	[tilespmem:s17+$0x3100] =	vst v10  }
0x13e: {  	v17 =	vor.u32 $0xD, v0;
	v10 =	vld.idx.msk [tilespmem:v13+s18+$0x0], $0xffff;
	[tilespmem:s25+$0x1200] =	vst v16  }
0x13f: {  	v13 =	vor.u32 $0x1B, v4;
	[tilespmem:s22+$0x1200] =	vst v8;
	v8 =	vld.idx.msk [tilespmem:v15+s18+$0x0], $0xffff  }
0x140: {  	v15 =	vor.u32 $0x1B, v5;
	v2 =	vld.idx.msk [tilespmem:v2+s18+$0x0], $0xffff  }
0x141: {  	v16 =	vor.u32 $0x1C, v6;
	v12 =	vld.idx.msk [tilespmem:v12+s18+$0x0], $0xffff;
	[tilespmem:s23+$0x1200] =	vst v1  }
0x142: {  	v1 =	vld.idx.msk [tilespmem:v11+s18+$0x0], $0xffff;
	v11 =	vor.u32 $0xE, v63;
	[tilespmem:s24+$0x1200] =	vst v14  }
0x143: {  	v14 =	vor.u32 $0xE, v9;
	v17 =	vld.idx.msk [tilespmem:v17+s18+$0x0], $0xffff;
	[tilespmem:s1+$0x3380] =	vst v7  }
0x144: {  	v7 =	vor.u32 $0xE, v48;
	v13 =	vld.idx.msk [tilespmem:v13+s18+$0x0], $0xffff;
	[tilespmem:s19+$0x3100] =	vst v10  }
0x145: {  	v10 =	vor.u32 $0xE, v0;
	[tilespmem:s2+$0x3180] =	vst v8;
	v8 =	vld.idx.msk [tilespmem:v15+s18+$0x0], $0xffff  }
0x146: {  	v15 =	vor.u32 $0x1C, v4;
	[tilespmem:s22+$0x1280] =	vst v12;
	v12 =	vld.idx.msk [tilespmem:v16+s18+$0x0], $0xffff  }
0x147: {  	[tilespmem:s25+$0x1280] =	vst v2;
	v16 =	vor.u32 $0x1C, v5;
	v2 =	vld.idx.msk [tilespmem:v11+s18+$0x0], $0xffff  }
0x148: {  	v11 =	vor.u32 $0x1D, v6;
	v14 =	vld.idx.msk [tilespmem:v14+s18+$0x0], $0xffff;
	[tilespmem:s23+$0x1280] =	vst v1  }
0x149: {  	v21 =	vor.u32 $0x1E, v4;
	v18 =	vor.u32 $0xF, v63;
	v7 =	vld.idx.msk [tilespmem:v7+s18+$0x0], $0xffff;
	[tilespmem:s24+$0x1280] =	vst v17  }
0x14a: {  	v24 =	vor.u32 $0x1F, v4;
	v19 =	vor.u32 $0x1D, v5;
	v20 =	vor.u32 $0xF, v9;
	[tilespmem:s17+$0x3180] =	vst v13;
	v10 =	vld.idx.msk [tilespmem:v10+s18+$0x0], $0xffff  }
0x14b: {  	v1 =	vor.u32 $0x1E, v6;
	v13 =	vor.u32 $0x1F, v6;
	v6 =	vor.u32 $0xF, v48;
	v15 =	vld.idx.msk [tilespmem:v15+s18+$0x0], $0xffff;
	[tilespmem:s19+$0x3180] =	vst v8  }
0x14c: {  	v25 =	vor.u32 $0x1F, v5;
	v17 =	vor.u32 $0x1D, v4;
	v4 =	vor.u32 $0xF, v0;
	[tilespmem:s2+$0x3200] =	vst v12;
	v12 =	vld.idx.msk [tilespmem:v16+s18+$0x0], $0xffff  }
0x14d: {  	v54 =	vor.u32 $0x12, v9;
	v47 =	vor.u32 $0x13, v9;
	v41 =	vor.u32 $0x14, v9;
	[tilespmem:s22+$0x1300] =	vst v2;
	v2 =	vld.idx.msk [tilespmem:v11+s18+$0x0], $0xffff  }
0x14e: {  	v58 =	vor.u32 $0x15, v9;
	v42 =	vor.u32 $0x16, v9;
	v38 =	vor.u32 $0x17, v9;
	[tilespmem:s25+$0x1300] =	vst v14;
	v14 =	vld.idx.msk [tilespmem:v18+s18+$0x0], $0xffff  }
0x14f: {  	v34 =	vor.u32 $0x18, v9;
	v31 =	vor.u32 $0x19, v9;
	v28 =	vor.u32 $0x1A, v9;
	v18 =	vld.idx.msk [tilespmem:v20+s18+$0x0], $0xffff;
	[tilespmem:s23+$0x1300] =	vst v7  }
0x150: {  	v26 =	vor.u32 $0x1B, v9;
	v51 =	vor.u32 $0x11, v48;
	v7 =	vor.u32 $0x10, v63;
	v6 =	vld.idx.msk [tilespmem:v6+s18+$0x0], $0xffff;
	[tilespmem:s24+$0x1300] =	vst v10  }
0x151: {  	v50 =	vor.u32 $0x12, v48;
	v8 =	vor.u32 $0x1E, v5;
	v5 =	vor.u32 $0x10, v9;
	v4 =	vld.idx.msk [tilespmem:v4+s18+$0x0], $0xffff;
	[tilespmem:s17+$0x3200] =	vst v15  }
0x152: {  	v46 =	vor.u32 $0x13, v48;
	v3 =	vor.u32 $0x14, v48;
	v16 =	vor.u32 $0x10, v48;
	v10 =	vld.idx.msk [tilespmem:v17+s18+$0x0], $0xffff;
	[tilespmem:s19+$0x3200] =	vst v12  }
0x153: {  	v57 =	vor.u32 $0x15, v48;
	v44 =	vor.u32 $0x16, v48;
	v22 =	vor.u32 $0x10, v0;
	[tilespmem:s2+$0x3280] =	vst v2;
	v2 =	vld.idx.msk [tilespmem:v19+s18+$0x0], $0xffff  }
0x154: {  	v39 =	vor.u32 $0x17, v48;
	v36 =	vor.u32 $0x18, v48;
	v32 =	vor.u32 $0x19, v48;
	[tilespmem:s22+$0x1380] =	vst v14;
	v1 =	vld.idx.msk [tilespmem:v1+s18+$0x0], $0xffff  }
0x155: {  	v30 =	vor.u32 $0x1A, v48;
	v27 =	vor.u32 $0x1B, v48;
	v49 =	vor.u32 $0x1F, v48;
	[tilespmem:s25+$0x1380] =	vst v18;
	v7 =	vld.idx.msk [tilespmem:v7+s18+$0x0], $0xffff  }
0x156: {  	v56 =	vor.u32 $0x11, v0;
	v52 =	vor.u32 $0x12, v0;
	v45 =	vor.u32 $0x13, v0;
	v12 =	vld.idx.msk [tilespmem:v5+s18+$0x0], $0xffff;
	[tilespmem:s23+$0x1380] =	vst v6  }
0x157: {  	v59 =	vor.u32 $0x14, v0;
	v53 =	vor.u32 $0x15, v0;
	v15 =	vor.u32 $0x11, v63;
	v14 =	vld.idx.msk [tilespmem:v16+s18+$0x0], $0xffff;
	[tilespmem:s24+$0x1380] =	vst v4  }
0x158: {  	v43 =	vor.u32 $0x16, v0;
	v40 =	vor.u32 $0x17, v0;
	v11 =	vor.u32 $0x11, v9;
	v6 =	vld.idx.msk [tilespmem:v22+s18+$0x0], $0xffff;
	[tilespmem:s17+$0x3280] =	vst v10  }
0x159: {  	v35 =	vor.u32 $0x18, v0;
	v37 =	vor.u32 $0x19, v0;
	v33 =	vor.u32 $0x1A, v0;
	v5 =	vld.idx.msk [tilespmem:v21+s18+$0x0], $0xffff;
	[tilespmem:s19+$0x3280] =	vst v2  }
0x15a: {  	v29 =	vor.u32 $0x1B, v0;
	v55 =	vor.u32 $0x1F, v0;
	v20 =	vor.u32 $0x1D, v0;
	[tilespmem:s2+$0x3300] =	vst v1;
	v1 =	vld.idx.msk [tilespmem:v8+s18+$0x0], $0xffff  }
0x15b: {  	v17 =	vor.u32 $0x1D, v9;
	v19 =	vor.u32 $0x1D, v48;
	v18 =	vor.u32 $0x1C, v9;
	[tilespmem:s22+$0x2000] =	vst v7;
	v2 =	vld.idx.msk [tilespmem:v13+s18+$0x0], $0xffff  }
0x15c: {  	v16 =	vor.u32 $0x1E, v9;
	v22 =	vor.u32 $0x1C, v0;
	v10 =	vor.u32 $0x1F, v9;
	[tilespmem:s25+$0x2000] =	vst v12;
	v7 =	vld.idx.msk [tilespmem:v15+s18+$0x0], $0xffff  }
0x15d: {  	s30 =	simm.s32 $0x4;
	s31 =	simm.s32 $0xB0;
	v21 =	vor.u32 $0x1C, v48;
	v13 =	vor.u32 $0x1E, v48;
	[tilespmem:s23+$0x2000] =	vst v14;
	v14 =	vor.u32 $0x1E, v0;
	v8 =	vld.idx.msk [tilespmem:v11+s18+$0x0], $0xffff  }
.LBB2_7:
0x15e: {  	[tilespmem:$0x1FC00] =	vst v44  }
0x15f: {  	[tilespmem:$0x1FD20] =	vst v37  }
0x160: {  	[tilespmem:$0x1FCD0] =	vst v31  }
0x161: {  	[tilespmem:$0x1FD60] =	vst v28  }
0x162: {  	[tilespmem:$0x1FD70] =	vst v30  }
0x163: {  	[tilespmem:$0x1FDC0] =	vst v33  }
0x164: {  	[tilespmem:$0x1FDD0] =	vst v26  }
0x165: {  	[tilespmem:$0x1FE20] =	vst v29  }
0x166: {  	[tilespmem:$0x1FE10] =	vst v27  }
0x167: {  	[tilespmem:$0x1FEE0] =	vst v19  }
0x168: {  	[tilespmem:$0x1FE30] =	vst v18  }
0x169: {  	[tilespmem:$0x1FF20] =	vst v16  }
0x16a: {  	[tilespmem:$0x1FE90] =	vst v22  }
0x16b: {  	[tilespmem:$0x1FF70] =	vst v13  }
0x16c: {  	[tilespmem:$0x1FF00] =	vst v20  }
0x16d: {  	[tilespmem:$0x1FF90] =	vst v14  }
0x16e: {  	[tilespmem:$0x1FFB0] =	vst v10  }
0x16f: {  	[tilespmem:s24+$0x2000] =	vst v6  }
0x170: {  	v14 =	vmov v49;
	[tilespmem:s2+$0x3380] =	vst v2  }
0x171: {  	[tilespmem:$0x1FC40] =	vst v14  }
0x172: {  	s7 =	sadd.s32 $0xFFFFFFE0, s31;
	v9 =	vld.idx.msk [tilespmem:v51+s18+$0x0], $0xffff;
	[tilespmem:s17+$0x3300] =	vst v5  }
0x173: {  	v10 =	vor.u32 $0x12, v63;
	v11 =	vld.idx.msk [tilespmem:v56+s18+$0x0], $0xffff;
	v5 =	vmov s7;
	[tilespmem:s19+$0x3300] =	vst v1  }
0x174: {  	s2 =	smov.u32 s25;
	[tilespmem:s22+$0x2080] =	vst v7;
	v13 =	vshll.u32 v5, $0x5  }
0x175: {  	s1 =	sadd.s32 $0xFFFFFFF0, s31;
	v1 =	vmov v55;
	[tilespmem:s2+$0x2080] =	vst v8;
	v49 =	vor.u32 v23, v13  }
0x176: {  	v6 =	vmov s1;
	v12 =	vld.idx.msk [tilespmem:v24+s18+$0x0], $0xffff;
	[tilespmem:$0x1FC30] =	vst v1;
	v1 =	vor.u32 $0x6, v49  }
0x177: {  	s5 =	sadd.s32 $0xFFFFFFD0, s31;
	v6 =	vshll.u32 v6, $0x5;
	v5 =	vld.idx.msk [tilespmem:v25+s18+$0x0], $0xffff;
	[tilespmem:$0x1FC10] =	vst v1  }
0x178: {  	v4 =	vmov s5;
	v51 =	vor.u32 v23, v6;
	v7 =	vld.idx.msk [tilespmem:v10+s18+$0x0], $0xffff;
	[tilespmem:s23+$0x2080] =	vst v9  }
0x179: {  	v4 =	vshll.u32 v4, $0x5;
	v1 =	vor.u32 $0x7, v49;
	[tilespmem:s24+$0x2080] =	vst v11  }
0x17a: {  	v4 =	vor.u32 v23, v4;
	v8 =	vld.idx.msk [tilespmem:v54+s18+$0x0], $0xffff;
	[tilespmem:$0x1FC20] =	vst v1  }
0x17b: {  	v29 =	vld.idx.msk [tilespmem:v50+s18+$0x0], $0xffff;
	[tilespmem:s17+$0x3380] =	vst v12  }
0x17c: {  	[tilespmem:s19+$0x3380] =	vst v5  }
0x17d: {  	v30 =	vld.idx.msk [tilespmem:v51+s18+$0x0], $0xffff;
	v1 =	vor.u32 $0x8, v4;
	[tilespmem:s22+$0x2100] =	vst v7  }
0x17e: {  	v0 =	vmov s31;
	[tilespmem:$0x1FC50] =	vst v1  }
0x17f: {  	v0 =	vshll.u32 v0, $0x5;
	v14 =	vor.u32 $0x13, v63;
	v12 =	vld.idx.msk [tilespmem:v4+s18+$0x0], $0xffff;
	v1 =	vor.u32 $0x8, v49;
	[tilespmem:s2+$0x2100] =	vst v8  }
0x180: {  	s29 =	sadd.s32 $0x200, s29;
	v0 =	vor.u32 v23, v0;
	[tilespmem:$0x1FC60] =	vst v1;
	v1 =	vor.u32 $0x9, v4  }
0x181: {  	s14 =	sand.u32 $0x40, s5;
	s25 =	sand.u32 $0xC00, s29;
	[tilespmem:$0x1FC90] =	vst v1;
	v1 =	vor.u32 $0x9, v49  }
0x182: {  	s5 =	sand.u32 $0x50, s7;
	s1 =	sand.u32 $0x60, s1;
	s7 =	sadd.s32 $0xE800, s25;
	[tilespmem:$0x1FCA0] =	vst v1;
	v1 =	vor.u32 $0x8, v0  }
0x183: {  	s1 =	sor.u32 s1, s7;
	v31 =	vld.idx.msk [tilespmem:v49+s18+$0x0], $0xffff;
	[tilespmem:$0x1FC70] =	vst v1  }
0x184: {  	s17 =	smov.u32 s23;
	v62 =	vld.idx.msk [tilespmem:v14+s18+$0x0], $0xffff;
	[tilespmem:s1+$0x0] =	vst v30  }
0x185: {  	v61 =	vld.idx.msk [tilespmem:v0+s18+$0x0], $0xffff;
	v1 =	vor.u32 $0xA, v4;
	[tilespmem:s17+$0x2100] =	vst v29  }
0x186: {  	v60 =	vor.u32 $0x1, v51;
	s25 =	sor.u32 s14, s7;
	[tilespmem:$0x1FCE0] =	vst v1  }
0x187: {  	v30 =	vld.idx.msk [tilespmem:v47+s18+$0x0], $0xffff;
	v1 =	vor.u32 $0x9, v0;
	[tilespmem:s25+$0x0] =	vst v12  }
0x188: {  	s16 =	sand.u32 $0x70, s31;
	s23 =	sor.u32 s5, s7;
	[tilespmem:$0x1FCB0] =	vst v1  }
0x189: {  	s19 =	smov.u32 s24;
	s24 =	sor.u32 s16, s7;
	[tilespmem:s23+$0x0] =	vst v31  }
0x18a: {  	v15 =	vor.u32 $0x1, v4;
	v29 =	vld.idx.msk [tilespmem:v52+s18+$0x0], $0xffff;
	[tilespmem:s24+$0x0] =	vst v61  }
0x18b: {  	v20 =	vor.u32 $0x1, v49;
	v12 =	vld.idx.msk [tilespmem:v60+s18+$0x0], $0xffff;
	v1 =	vor.u32 $0xB, v4;
	[tilespmem:s22+$0x2180] =	vst v62  }
0x18c: {  	v22 =	vor.u32 $0x1, v0;
	[tilespmem:$0x1FD30] =	vst v1;
	v1 =	vor.u32 $0xA, v49  }
0x18d: {  	v37 =	vor.u32 $0x14, v63;
	[tilespmem:$0x1FCF0] =	vst v1;
	v1 =	vor.u32 $0xA, v0  }
0x18e: {  	[tilespmem:$0x1FD00] =	vst v1  }
0x18f: {  	v15 =	vld.idx.msk [tilespmem:v15+s18+$0x0], $0xffff;
	v1 =	vor.u32 $0xC, v4;
	[tilespmem:s2+$0x2180] =	vst v30  }
0x190: {  	v20 =	vld.idx.msk [tilespmem:v20+s18+$0x0], $0xffff;
	[tilespmem:$0x1FD90] =	vst v1  }
0x191: {  	v22 =	vld.idx.msk [tilespmem:v22+s18+$0x0], $0xffff;
	[tilespmem:s19+$0x2100] =	vst v29  }
0x192: {  	v47 =	vld.idx.msk [tilespmem:v37+s18+$0x0], $0xffff;
	v1 =	vor.u32 $0xB, v49;
	[tilespmem:s1+$0x80] =	vst v12  }
0x193: {  	v31 =	vor.u32 $0x2, v51;
	[tilespmem:$0x1FD40] =	vst v1  }
0x194: {  	v1 =	vor.u32 $0xB, v0;
	[tilespmem:s25+$0x80] =	vst v15  }
0x195: {  	[tilespmem:$0x1FD50] =	vst v1  }
0x196: {  	v18 =	vor.u32 $0x2, v4;
	v29 =	vld.idx.msk [tilespmem:v46+s18+$0x0], $0xffff;
	[tilespmem:s23+$0x80] =	vst v20  }
0x197: {  	v26 =	vor.u32 $0x2, v49;
	v30 =	vld.idx.msk [tilespmem:v45+s18+$0x0], $0xffff;
	[tilespmem:s24+$0x80] =	vst v22  }
0x198: {  	v15 =	vld.idx.msk [tilespmem:v31+s18+$0x0], $0xffff;
	v1 =	vor.u32 $0xC, v49;
	[tilespmem:s22+$0x2200] =	vst v47  }
0x199: {  	v27 =	vor.u32 $0x2, v0;
	[tilespmem:$0x1FDA0] =	vst v1;
	v1 =	vor.u32 $0xC, v0  }
0x19a: {  	v12 =	vor.u32 $0x15, v63;
	[tilespmem:$0x1FDB0] =	vst v1;
	v1 =	vor.u32 $0xD, v4  }
0x19b: {  	v18 =	vld.idx.msk [tilespmem:v18+s18+$0x0], $0xffff;
	[tilespmem:$0x1FDE0] =	vst v1  }
0x19c: {  	v20 =	vld.idx.msk [tilespmem:v26+s18+$0x0], $0xffff;
	v1 =	vor.u32 $0xD, v49;
	[tilespmem:s17+$0x2180] =	vst v29  }
0x19d: {  	[tilespmem:$0x1FDF0] =	vst v1  }
0x19e: {  	v27 =	vld.idx.msk [tilespmem:v27+s18+$0x0], $0xffff;
	[tilespmem:s19+$0x2180] =	vst v30  }
0x19f: {  	v12 =	vld.idx.msk [tilespmem:v12+s18+$0x0], $0xffff;
	v1 =	vor.u32 $0xD, v0;
	[tilespmem:s1+$0x100] =	vst v15  }
0x1a0: {  	v10 =	vor.u32 $0x3, v4;
	v48 =	vld.idx.msk [tilespmem:v41+s18+$0x0], $0xffff;
	[tilespmem:$0x1FE00] =	vst v1  }
0x1a1: {  	v1 =	vor.u32 $0xE, v4;
	[tilespmem:s25+$0x100] =	vst v18  }
0x1a2: {  	[tilespmem:$0x1FE40] =	vst v1  }
0x1a3: {  	v26 =	vor.u32 $0x3, v51;
	v60 =	vld.idx.msk [tilespmem:v3+s18+$0x0], $0xffff;
	[tilespmem:s23+$0x100] =	vst v20  }
0x1a4: {  	[tilespmem:s24+$0x100] =	vst v27  }
0x1a5: {  	v9 =	vor.u32 $0x3, v49;
	v1 =	vor.u32 $0xE, v49;
	v52 =	vld.idx.msk [tilespmem:v10+s18+$0x0], $0xffff;
	[tilespmem:s2+$0x2200] =	vst v48  }
0x1a6: {  	[tilespmem:$0x1FE50] =	vst v1;
	v1 =	vor.u32 $0xE, v0  }
0x1a7: {  	[tilespmem:$0x1FE60] =	vst v1  }
0x1a8: {  	v61 =	vor.u32 $0x16, v63;
	v62 =	vld.idx.msk [tilespmem:v26+s18+$0x0], $0xffff;
	v1 =	vor.u32 $0xF, v4;
	[tilespmem:s22+$0x2280] =	vst v12  }
0x1a9: {  	[tilespmem:$0x1FEB0] =	vst v1  }
0x1aa: {  	v54 =	vld.idx.msk [tilespmem:v9+s18+$0x0], $0xffff;
	v1 =	vor.u32 $0xF, v49;
	[tilespmem:s17+$0x2200] =	vst v60  }
0x1ab: {  	[tilespmem:$0x1FEC0] =	vst v1;
	v1 =	vor.u32 $0xF, v0  }
0x1ac: {  	[tilespmem:$0x1FED0] =	vst v1  }
0x1ad: {  	v2 =	vmov v57;
	v57 =	vld.idx.msk [tilespmem:v61+s18+$0x0], $0xffff;
	[tilespmem:s1+$0x180] =	vst v62  }
0x1ae: {  	v13 =	vmov v42;
	v42 =	vld.idx.msk [tilespmem:v58+s18+$0x0], $0xffff;
	v1 =	vor.u32 $0x10, v4;
	[tilespmem:s25+$0x180] =	vst v52  }
0x1af: {  	[tilespmem:$0x1FF40] =	vst v1;
	v1 =	vor.u32 $0x10, v49  }
0x1b0: {  	[tilespmem:$0x1FF50] =	vst v1;
	v1 =	vor.u32 $0x11, v4  }
0x1b1: {  	v50 =	vor.u32 $0x4, v4;
	[tilespmem:$0x1FFC0] =	vst v1;
	v1 =	vor.u32 $0x11, v49  }
0x1b2: {  	v6 =	vor.u32 $0x3, v0;
	[tilespmem:$0x1FD80] =	vst v1;
	v1 =	vor.u32 $0x10, v0  }
0x1b3: {  	[tilespmem:$0x1FF60] =	vst v1;
	v1 =	vor.u32 $0x12, v4  }
0x1b4: {  	[tilespmem:$0x1FF80] =	vst v1;
	v1 =	vor.u32 $0x12, v49  }
0x1b5: {  	[tilespmem:$0x1FFA0] =	vst v1;
	v1 =	vor.u32 $0x11, v0  }
0x1b6: {  	v44 =	vor.u32 $0x4, v49;
	v58 =	vld.idx.msk [tilespmem:v50+s18+$0x0], $0xffff;
	[tilespmem:$0x1FF30] =	vst v1;
	v1 =	vor.u32 $0x12, v0  }
0x1b7: {  	v28 =	vor.u32 $0x4, v0;
	v25 =	vor.u32 $0x5, v4;
	v24 =	vor.u32 $0x5, v0;
	v55 =	vld.idx.msk [tilespmem:v6+s18+$0x0], $0xffff;
	[tilespmem:s23+$0x180] =	vst v54  }
0x1b8: {  	v16 =	vor.u32 $0x6, v0;
	v22 =	vor.u32 $0x14, v4;
	v41 =	vor.u32 $0x4, v51;
	[tilespmem:s2+$0x2280] =	vst v42  }
0x1b9: {  	v19 =	vor.u32 $0x7, v0;
	v56 =	vor.u32 $0x14, v0;
	v33 =	vor.u32 $0x17, v0;
	[tilespmem:$0x1FEF0] =	vst v1;
	v1 =	vmovc v22  }
0x1ba: {  	v8 =	vor.u32 $0x13, v0;
	v7 =	vmovc v53;
	v53 =	vor.u32 $0x15, v4;
	v6 =	vld.idx.msk [tilespmem:v59+s18+$0x0], $0xffff;
	[tilespmem:$0x1FF10] =	vst v1;
	v1 =	vor.u32 $0x1C, v49  }
0x1bb: {  	v37 =	vor.u32 $0x15, v0;
	v46 =	vmovc v39;
	v39 =	vor.u32 $0x16, v0;
	v31 =	vor.u32 $0x14, v49;
	v59 =	vld.idx.msk [tilespmem:v44+s18+$0x0], $0xffff;
	[tilespmem:s25+$0x200] =	vst v58  }
0x1bc: {  	v30 =	vor.u32 $0x18, v0;
	v18 =	vor.u32 $0x1A, v0;
	v48 =	vmovc v43;
	v43 =	vor.u32 $0x17, v63;
	[tilespmem:s24+$0x180] =	vst v55;
	v25 =	vld.idx.msk [tilespmem:v25+s18+$0x0], $0xffff  }
0x1bd: {  	v3 =	vmovc v56;
	v27 =	vor.u32 $0x19, v0;
	v12 =	vor.u32 $0x1B, v0;
	v62 =	vor.u32 $0x1C, v0;
	[tilespmem:$0x1FE80] =	vst v1;
	v1 =	vmovc v53;
	v53 =	vld.idx.msk [tilespmem:v41+s18+$0x0], $0xffff  }
0x1be: {  	v50 =	vor.u32 $0x1E, v0;
	v55 =	vor.u32 $0x1F, v0;
	v41 =	vor.u32 $0x1D, v0;
	v0 =	vld.idx.msk [tilespmem:v28+s18+$0x0], $0xffff;
	[tilespmem:s22+$0x2300] =	vst v57  }
0x1bf: {  	v23 =	vor.u32 $0x5, v49;
	v5 =	vmov v31;
	[tilespmem:s19+$0x2200] =	vst v6;
	v6 =	vld.idx.msk [tilespmem:v2+s18+$0x0], $0xffff  }
0x1c0: {  	v44 =	vor.u32 $0x5, v51;
	[tilespmem:s23+$0x200] =	vst v59;
	v59 =	vmov v3;
	v3 =	vmov v5;
	v5 =	vld [tilespmem:$0x1FC50]  }
0x1c1: {  	v28 =	vld.idx.msk [tilespmem:v43+s18+$0x0], $0xffff  }
0x1c2: {  	v29 =	vmov v36;
	v36 =	vor.u32 $0x15, v49;
	v58 =	vmov v1;
	v1 =	vld [tilespmem:$0x1FC00]  }
0x1c3: {  	[tilespmem:$0x1FE70] =	vst v21;
	v57 =	vmov v36;
	v36 =	vor.u32 $0x18, v63;
	v42 =	vld.idx.msk [tilespmem:v7+s18+$0x0], $0xffff  }
0x1c4: {  	v21 =	vor.u32 $0x6, v4;
	v2 =	vld.idx.msk [tilespmem:v23+s18+$0x0], $0xffff;
	[tilespmem:s1+$0x200] =	vst v53  }
0x1c5: {  	v53 =	vmov v37;
	[tilespmem:s24+$0x200] =	vst v0;
	v37 =	vld.idx.msk [tilespmem:v44+s18+$0x0], $0xffff  }
0x1c6: {  	[tilespmem:s17+$0x2280] =	vst v6;
	v0 =	vld.idx.msk [tilespmem:v24+s18+$0x0], $0xffff  }
0x1c7: {  	v43 =	vor.u32 $0x6, v51;
	[tilespmem:s22+$0x2380] =	vst v28;
	v24 =	vld.idx.msk [tilespmem:v13+s18+$0x0], $0xffff  }
0x1c8: {  	[tilespmem:s25+$0x280] =	vst v25;
	v6 =	vld.idx.msk [tilespmem:v36+s18+$0x0], $0xffff  }
0x1c9: {  	[tilespmem:$0x1FEA0] =	vst v17;
	v45 =	vmov v38;
	v21 =	vld.idx.msk [tilespmem:v21+s18+$0x0], $0xffff  }
0x1ca: {  	v17 =	vor.u32 $0x7, v4;
	[tilespmem:s19+$0x2280] =	vst v42;
	v28 =	vld.idx.msk [tilespmem:v1+s18+$0x0], $0xffff  }
0x1cb: {  	v1 =	vld [tilespmem:$0x1FC10];
	[tilespmem:s1+$0x280] =	vst v37  }
0x1cc: {  	v37 =	vor.u32 $0x19, v63;
	[tilespmem:s24+$0x280] =	vst v0;
	v25 =	vld.idx.msk [tilespmem:v43+s18+$0x0], $0xffff  }
0x1cd: {  	[tilespmem:s2+$0x2300] =	vst v24;
	v0 =	vld.idx.msk [tilespmem:v16+s18+$0x0], $0xffff  }
0x1ce: {  	v24 =	vld.idx.msk [tilespmem:v45+s18+$0x0], $0xffff;
	[tilespmem:s25+$0x300] =	vst v21  }
0x1cf: {  	[tilespmem:s23+$0x280] =	vst v2;
	v17 =	vld.idx.msk [tilespmem:v17+s18+$0x0], $0xffff  }
0x1d0: {  	[tilespmem:s22+$0x3000] =	vst v6  }
0x1d1: {  	v6 =	vld.idx.msk [tilespmem:v37+s18+$0x0], $0xffff;
	[tilespmem:s1+$0x300] =	vst v25  }
0x1d2: {  	v2 =	vor.u32 $0x7, v51;
	v23 =	vld.idx.msk [tilespmem:v48+s18+$0x0], $0xffff;
	[tilespmem:s24+$0x300] =	vst v0  }
0x1d3: {  	v1 =	vld.idx.msk [tilespmem:v1+s18+$0x0], $0xffff;
	[tilespmem:s2+$0x2380] =	vst v24  }
0x1d4: {  	v25 =	vor.u32 $0x1A, v63;
	v0 =	vld.idx.msk [tilespmem:v19+s18+$0x0], $0xffff;
	[tilespmem:s25+$0x380] =	vst v17  }
0x1d5: {  	[tilespmem:$0x1FC80] =	vst v34;
	v47 =	vmov v40;
	v13 =	vld.idx.msk [tilespmem:v5+s18+$0x0], $0xffff  }
0x1d6: {  	v5 =	vld [tilespmem:$0x1FC80]  }
0x1d7: {  	v2 =	vld.idx.msk [tilespmem:v2+s18+$0x0], $0xffff;
	[tilespmem:s22+$0x3080] =	vst v6  }
0x1d8: {  	v16 =	vor.u32 $0x8, v51;
	[tilespmem:s23+$0x300] =	vst v1;
	v1 =	vld [tilespmem:$0x1FC20]  }
0x1d9: {  	[tilespmem:s19+$0x2300] =	vst v23;
	v6 =	vld.idx.msk [tilespmem:v25+s18+$0x0], $0xffff  }
0x1da: {  	v21 =	vld.idx.msk [tilespmem:v47+s18+$0x0], $0xffff  }
0x1db: {  	[tilespmem:s24+$0x380] =	vst v0;
	v0 =	vld [tilespmem:$0x1FC70]  }
0x1dc: {  	[tilespmem:s1+$0x380] =	vst v2  }
0x1dd: {  	v16 =	vld.idx.msk [tilespmem:v16+s18+$0x0], $0xffff  }
0x1de: {  	[tilespmem:s22+$0x3100] =	vst v6;
	v6 =	vld.idx.msk [tilespmem:v5+s18+$0x0], $0xffff  }
0x1df: {  	v11 =	vor.u32 $0x13, v49;
	[tilespmem:s17+$0x2300] =	vst v28;
	v2 =	vor.u32 $0x1B, v63;
	v5 =	vld [tilespmem:$0x1FC90]  }
0x1e0: {  	v19 =	vld.idx.msk [tilespmem:v46+s18+$0x0], $0xffff;
	v46 =	vmov v11;
	v11 =	vor.u32 $0x9, v51  }
0x1e1: {  	v1 =	vld.idx.msk [tilespmem:v1+s18+$0x0], $0xffff  }
0x1e2: {  	v45 =	vmov v8;
	v8 =	vld [tilespmem:$0x1FCD0]  }
0x1e3: {  	v0 =	vld.idx.msk [tilespmem:v0+s18+$0x0], $0xffff  }
0x1e4: {  	v2 =	vld.idx.msk [tilespmem:v2+s18+$0x0], $0xffff;
	[tilespmem:s1+$0x1000] =	vst v16  }
0x1e5: {  	[tilespmem:s25+$0x1000] =	vst v13;
	v16 =	vor.u32 $0x1C, v63;
	v11 =	vld.idx.msk [tilespmem:v11+s18+$0x0], $0xffff  }
0x1e6: {  	[tilespmem:s23+$0x380] =	vst v1;
	v1 =	vld [tilespmem:$0x1FC60]  }
0x1e7: {  	v5 =	vld.idx.msk [tilespmem:v5+s18+$0x0], $0xffff  }
0x1e8: {  	v7 =	vor.u32 $0xA, v51;
	[tilespmem:s24+$0x1000] =	vst v0;
	v0 =	vld [tilespmem:$0x1FCB0]  }
0x1e9: {  	[tilespmem:s22+$0x3180] =	vst v2  }
0x1ea: {  	[tilespmem:$0x1FCC0] =	vst v35;
	v2 =	vld.idx.msk [tilespmem:v16+s18+$0x0], $0xffff  }
0x1eb: {  	[tilespmem:s2+$0x3000] =	vst v6;
	v6 =	vld [tilespmem:$0x1FCC0]  }
0x1ec: {  	[tilespmem:s1+$0x1080] =	vst v11;
	v8 =	vld.idx.msk [tilespmem:v8+s18+$0x0], $0xffff  }
0x1ed: {  	[tilespmem:s25+$0x1080] =	vst v5;
	v5 =	vld.idx.msk [tilespmem:v7+s18+$0x0], $0xffff  }
0x1ee: {  	v1 =	vld.idx.msk [tilespmem:v1+s18+$0x0], $0xffff  }
0x1ef: {  	[tilespmem:s19+$0x2380] =	vst v21;
	v7 =	vld [tilespmem:$0x1FCE0]  }
0x1f0: {  	v0 =	vld.idx.msk [tilespmem:v0+s18+$0x0], $0xffff  }
0x1f1: {  	v14 =	vor.u32 $0x13, v4;
	[tilespmem:s17+$0x2380] =	vst v19  }
0x1f2: {  	v47 =	vmov v14;
	v14 =	vld.idx.msk [tilespmem:v29+s18+$0x0], $0xffff  }
0x1f3: {  	[tilespmem:s23+$0x1000] =	vst v1;
	v1 =	vld [tilespmem:$0x1FCA0]  }
0x1f4: {  	v6 =	vld.idx.msk [tilespmem:v6+s18+$0x0], $0xffff  }
0x1f5: {  	[tilespmem:s24+$0x1080] =	vst v0;
	v0 =	vld [tilespmem:$0x1FD00];
	_ =	sdelay $0x2  }
0x1f6: {  	v7 =	vld.idx.msk [tilespmem:v7+s18+$0x0], $0xffff  }
0x1f7: {  	v11 =	vor.u32 $0x1D, v63;
	[tilespmem:s2+$0x3080] =	vst v8;
	v8 =	vld [tilespmem:$0x1FD20];
	_ =	sdelay $0x1  }
0x1f8: {  	v1 =	vld.idx.msk [tilespmem:v1+s18+$0x0], $0xffff  }
0x1f9: {  	v31 =	vor.u32 $0x18, v49  }
0x1fa: {  	[tilespmem:s22+$0x3200] =	vst v2;
	v0 =	vld.idx.msk [tilespmem:v0+s18+$0x0], $0xffff  }
0x1fb: {  	v10 =	vor.u32 $0x19, v4;
	v13 =	vor.u32 $0xB, v51;
	v2 =	vld.idx.msk [tilespmem:v11+s18+$0x0], $0xffff;
	[tilespmem:s1+$0x1100] =	vst v5  }
0x1fc: {  	v36 =	vmov v31;
	v31 =	vmov v10;
	v10 =	vld [tilespmem:$0x1FD30];
	[tilespmem:s19+$0x3000] =	vst v6  }
0x1fd: {  	v5 =	vor.u32 $0x1E, v63;
	[tilespmem:s23+$0x1080] =	vst v1;
	v1 =	vld [tilespmem:$0x1FCF0]  }
0x1fe: {  	[tilespmem:$0x1FD10] =	vst v32;
	v8 =	vld.idx.msk [tilespmem:v8+s18+$0x0], $0xffff  }
0x1ff: {  	[tilespmem:s24+$0x1100] =	vst v0;
	v0 =	vld [tilespmem:$0x1FD50]  }
0x200: {  	[tilespmem:s25+$0x1100] =	vst v7;
	v7 =	vld.idx.msk [tilespmem:v13+s18+$0x0], $0xffff  }
0x201: {  	[tilespmem:s22+$0x3280] =	vst v2;
	v6 =	vld [tilespmem:$0x1FD10]  }
0x202: {  	v2 =	vld.idx.msk [tilespmem:v5+s18+$0x0], $0xffff  }
0x203: {  	v5 =	vld [tilespmem:$0x1FD60]  }
0x204: {  	v11 =	vld.idx.msk [tilespmem:v10+s18+$0x0], $0xffff;
	[tilespmem:s17+$0x3000] =	vst v14  }
0x205: {  	v1 =	vld.idx.msk [tilespmem:v1+s18+$0x0], $0xffff  }
0x206: {  	v10 =	vld [tilespmem:$0x1FD90]  }
0x207: {  	v0 =	vld.idx.msk [tilespmem:v0+s18+$0x0], $0xffff;
	_ =	sdelay $0x1  }
0x208: {  	v6 =	vld.idx.msk [tilespmem:v6+s18+$0x0], $0xffff  }
0x209: {  	[tilespmem:s23+$0x1100] =	vst v1;
	v1 =	vld [tilespmem:$0x1FD40]  }
0x20a: {  	v5 =	vld.idx.msk [tilespmem:v5+s18+$0x0], $0xffff  }
0x20b: {  	[tilespmem:s24+$0x1180] =	vst v0;
	v0 =	vld [tilespmem:$0x1FDB0];
	_ =	sdelay $0x1  }
0x20c: {  	[tilespmem:s25+$0x1180] =	vst v11  }
0x20d: {  	v11 =	vld.idx.msk [tilespmem:v10+s18+$0x0], $0xffff  }
0x20e: {  	[tilespmem:s2+$0x3100] =	vst v5;
	v5 =	vld [tilespmem:$0x1FDC0];
	_ =	sdelay $0x1  }
0x20f: {  	[tilespmem:s19+$0x3080] =	vst v8;
	v1 =	vld.idx.msk [tilespmem:v1+s18+$0x0], $0xffff  }
0x210: {  	[tilespmem:s17+$0x3080] =	vst v6;
	v6 =	vld [tilespmem:$0x1FD70]  }
0x211: {  	v0 =	vld.idx.msk [tilespmem:v0+s18+$0x0], $0xffff;
	_ =	sdelay $0x3  }
0x212: {  	v5 =	vld.idx.msk [tilespmem:v5+s18+$0x0], $0xffff  }
0x213: {  	[tilespmem:s24+$0x1200] =	vst v0;
	v0 =	vld [tilespmem:$0x1FE00];
	_ =	sdelay $0x1  }
0x214: {  	v13 =	vor.u32 $0xC, v51;
	v6 =	vld.idx.msk [tilespmem:v6+s18+$0x0], $0xffff  }
0x215: {  	[tilespmem:s23+$0x1180] =	vst v1;
	v1 =	vld [tilespmem:$0x1FDA0];
	_ =	sdelay $0x2  }
0x216: {  	[tilespmem:s1+$0x1180] =	vst v7  }
0x217: {  	v8 =	vld.idx.msk [tilespmem:v13+s18+$0x0], $0xffff  }
0x218: {  	v7 =	vor.u32 $0x1F, v63;
	v0 =	vld.idx.msk [tilespmem:v0+s18+$0x0], $0xffff  }
0x219: {  	[tilespmem:s19+$0x3100] =	vst v5;
	v5 =	vld [tilespmem:$0x1FE20];
	_ =	sdelay $0x1  }
0x21a: {  	v1 =	vld.idx.msk [tilespmem:v1+s18+$0x0], $0xffff  }
0x21b: {  	[tilespmem:s22+$0x3300] =	vst v2  }
0x21c: {  	v2 =	vld.idx.msk [tilespmem:v7+s18+$0x0], $0xffff  }
0x21d: {  	v63 =	vmov v51;
	[tilespmem:s1+$0x1200] =	vst v8;
	v8 =	vld [tilespmem:$0x1FDE0]  }
0x21e: {  	v13 =	vor.u32 $0xD, v63;
	[tilespmem:s17+$0x3100] =	vst v6;
	v6 =	vld [tilespmem:$0x1FDD0]  }
0x21f: {  	[tilespmem:s23+$0x1200] =	vst v1;
	v1 =	vld [tilespmem:$0x1FDF0]  }
0x220: {  	v5 =	vld.idx.msk [tilespmem:v5+s18+$0x0], $0xffff  }
0x221: {  	[tilespmem:s24+$0x1280] =	vst v0;
	v0 =	vld [tilespmem:$0x1FE60];
	_ =	sdelay $0x1  }
0x222: {  	v7 =	vld.idx.msk [tilespmem:v13+s18+$0x0], $0xffff  }
0x223: {  	[tilespmem:s22+$0x3380] =	vst v2;
	v2 =	vld [tilespmem:$0x1FE10];
	_ =	sdelay $0x1  }
0x224: {  	v6 =	vld.idx.msk [tilespmem:v6+s18+$0x0], $0xffff;
	[tilespmem:s25+$0x1200] =	vst v11  }
0x225: {  	v8 =	vld.idx.msk [tilespmem:v8+s18+$0x0], $0xffff  }
0x226: {  	v1 =	vld.idx.msk [tilespmem:v1+s18+$0x0], $0xffff  }
0x227: {  	v0 =	vld.idx.msk [tilespmem:v0+s18+$0x0], $0xffff  }
0x228: {  	[tilespmem:s19+$0x3180] =	vst v5;
	v5 =	vld [tilespmem:$0x1FE80]  }
0x229: {  	[tilespmem:s2+$0x3180] =	vst v6;
	v6 =	vld [tilespmem:$0x1FE30]  }
0x22a: {  	v2 =	vld.idx.msk [tilespmem:v2+s18+$0x0], $0xffff  }
0x22b: {  	[tilespmem:s23+$0x1280] =	vst v1;
	v1 =	vld [tilespmem:$0x1FE50];
	_ =	sdelay $0x1  }
0x22c: {  	v21 =	vmov v5;
	v5 =	vld [tilespmem:$0x1FE90];
	_ =	sdelay $0x3  }
0x22d: {  	v6 =	vld.idx.msk [tilespmem:v6+s18+$0x0], $0xffff  }
0x22e: {  	[tilespmem:s25+$0x1280] =	vst v8;
	v8 =	vld [tilespmem:$0x1FE40]  }
0x22f: {  	v1 =	vld.idx.msk [tilespmem:v1+s18+$0x0], $0xffff  }
0x230: {  	[tilespmem:s17+$0x3180] =	vst v2;
	v2 =	vld [tilespmem:$0x1FE70]  }
0x231: {  	v5 =	vld.idx.msk [tilespmem:v5+s18+$0x0], $0xffff  }
0x232: {  	[tilespmem:s24+$0x1300] =	vst v0;
	v0 =	vld [tilespmem:$0x1FED0];
	_ =	sdelay $0x3  }
0x233: {  	v8 =	vld.idx.msk [tilespmem:v8+s18+$0x0], $0xffff  }
0x234: {  	[tilespmem:s2+$0x3200] =	vst v6;
	v6 =	vld [tilespmem:$0x1FEA0]  }
0x235: {  	v2 =	vld.idx.msk [tilespmem:v2+s18+$0x0], $0xffff  }
0x236: {  	v11 =	vor.u32 $0xE, v63;
	[tilespmem:s23+$0x1300] =	vst v1;
	v1 =	vld [tilespmem:$0x1FEC0]  }
0x237: {  	v0 =	vld.idx.msk [tilespmem:v0+s18+$0x0], $0xffff  }
0x238: {  	[tilespmem:s19+$0x3200] =	vst v5;
	v5 =	vld [tilespmem:$0x1FF00]  }
0x239: {  	s22 =	smov.u32 s1  }
0x23a: {  	[tilespmem:s22+$0x1280] =	vst v7  }
0x23b: {  	v7 =	vld.idx.msk [tilespmem:v11+s18+$0x0], $0xffff  }
0x23c: {  	v6 =	vld.idx.msk [tilespmem:v6+s18+$0x0], $0xffff  }
0x23d: {  	[tilespmem:s25+$0x1300] =	vst v8;
	v8 =	vld [tilespmem:$0x1FEB0]  }
0x23e: {  	v9 =	vor.u32 $0x1B, v49;
	v1 =	vld.idx.msk [tilespmem:v1+s18+$0x0], $0xffff  }
0x23f: {  	v37 =	vmov v27;
	v27 =	vmov v9;
	v9 =	vor.u32 $0xF, v63;
	[tilespmem:s17+$0x3200] =	vst v2;
	v2 =	vld [tilespmem:$0x1FEE0]  }
0x240: {  	v10 =	vld.idx.msk [tilespmem:v5+s18+$0x0], $0xffff  }
0x241: {  	v5 =	vld [tilespmem:$0x1FF20]  }
0x242: {  	[tilespmem:s22+$0x1300] =	vst v7  }
0x243: {  	[tilespmem:s24+$0x1380] =	vst v0;
	v0 =	vld [tilespmem:$0x1FF60]  }
0x244: {  	v7 =	vld.idx.msk [tilespmem:v9+s18+$0x0], $0xffff;
	_ =	sdelay $0x1  }
0x245: {  	v8 =	vld.idx.msk [tilespmem:v8+s18+$0x0], $0xffff  }
0x246: {  	[tilespmem:s2+$0x3280] =	vst v6;
	v2 =	vld.idx.msk [tilespmem:v2+s18+$0x0], $0xffff  }
0x247: {  	[tilespmem:s23+$0x1380] =	vst v1;
	v1 =	vld [tilespmem:$0x1FF50]  }
0x248: {  	[tilespmem:s22+$0x1380] =	vst v7;
	v7 =	vld.idx.msk [tilespmem:v5+s18+$0x0], $0xffff  }
0x249: {  	v5 =	vld [tilespmem:$0x1FF40]  }
0x24a: {  	v6 =	vld.idx.msk [tilespmem:v0+s18+$0x0], $0xffff  }
0x24b: {  	v9 =	vor.u32 $0x10, v63;
	v0 =	vld [tilespmem:$0x1FF70];
	_ =	sdelay $0x4  }
0x24c: {  	[tilespmem:s25+$0x1380] =	vst v8;
	v8 =	vld.idx.msk [tilespmem:v9+s18+$0x0], $0xffff  }
0x24d: {  	v11 =	vld.idx.msk [tilespmem:v1+s18+$0x0], $0xffff  }
0x24e: {  	[tilespmem:s17+$0x3280] =	vst v2;
	v9 =	vld.idx.msk [tilespmem:v5+s18+$0x0], $0xffff  }
0x24f: {  	v5 =	vld.idx.msk [tilespmem:v0+s18+$0x0], $0xffff  }
0x250: {  	v0 =	vld [tilespmem:$0x1FF90];
	_ =	sdelay $0x6  }
0x251: {  	[tilespmem:s19+$0x3280] =	vst v10  }
0x252: {  	v1 =	vld.idx.msk [tilespmem:v0+s18+$0x0], $0xffff  }
0x253: {  	v0 =	vld [tilespmem:$0x1FFB0];
	_ =	sdelay $0x1  }
0x254: {  	v35 =	vor.u32 $0x16, v4;
	v20 =	vor.u32 $0x1A, v49;
	_ =	sdelay $0x2  }
0x255: {  	v42 =	vmovc v35;
	v35 =	vmov v30;
	v30 =	vmov v20;
	v20 =	vmov v41;
	v41 =	vld [tilespmem:$0x1FF10]  }
0x256: {  	v24 =	vld [tilespmem:$0x1FC40]  }
0x257: {  	v23 =	vld [tilespmem:$0x1FFF0];
	[tilespmem:s2+$0x3300] =	vst v7  }
0x258: {  	v2 =	vld.idx.msk [tilespmem:v0+s18+$0x0], $0xffff  }
0x259: {  	v0 =	vld [tilespmem:$0x1FFC0]  }
0x25a: {  	v32 =	vor.u32 $0x18, v4;
	v34 =	vor.u32 $0x17, v49;
	v56 =	vor.u32 $0x1E, v4;
	v25 =	vld [tilespmem:$0x1FC30]  }
0x25b: {  	s30 =	sadd.s32 $0x4, s30;
	v38 =	vor.u32 $0x16, v49;
	v52 =	vor.u32 $0x1D, v49;
	v16 =	vmovc v56;
	v56 =	vld [tilespmem:$0x1FF30];
	v29 =	vmovc v12;
	v12 =	vor.u32 $0x11, v63  }
0x25c: {  	p1 =	slt.u32 s30, $0x1C;
	v40 =	vor.u32 $0x17, v4;
	v15 =	vor.u32 $0x1B, v4;
	v26 =	vor.u32 $0x19, v49;
	v19 =	vmovc v52;
	v52 =	vld [tilespmem:$0x1FEF0]  }
.Ltmp4:
0x25d: {  	v61 =	vor.u32 $0x1C, v4;
	v60 =	vor.u32 $0x1D, v4;
	v54 =	vor.u32 $0x1E, v49;
	v14 =	vmovc v50;
	v50 =	vld [tilespmem:$0x1FFA0];
	(pc) =	sbr.rel @p1 .LBB2_7-.Ltmp4, $4  }
0x25e: {  	v22 =	vor.u32 $0x1A, v4;
	v4 =	vor.u32 $0x1F, v4;
	v49 =	vor.u32 $0x1F, v49;
	v51 =	vld [tilespmem:$0x1FD80]  }
0x25f: {  	v44 =	vmovc v38;
	v38 =	vmovc v40;
	v40 =	vmov v33;
	v33 =	vmov v18;
	v13 =	vmov v54;
	v54 =	vld [tilespmem:$0x1FF80];
	[tilespmem:s22+$0x2000] =	vst v8  }
0x260: {  	v18 =	vmovc v61;
	v43 =	vmovc v39;
	v39 =	vmov v34;
	v34 =	vmov v32;
	v32 =	vmov v26;
	v7 =	vld.idx.msk [tilespmem:v12+s18+$0x0], $0xffff;
	[tilespmem:s25+$0x2000] =	vst v9  }
0x261: {  	s31 =	sadd.s32 $0x40, s31;
	v26 =	vmovc v15;
	v28 =	vmovc v22;
	v22 =	vmov v62;
	v17 =	vmov v60;
	v10 =	vmov v4;
	[tilespmem:s23+$0x2000] =	vst v11;
	v8 =	vld.idx.msk [tilespmem:v0+s18+$0x0], $0xffff  }
0x262: {  	_ =	sdelay $0x3  }
0x263: {  	v0 =	vor.u32 $0x12, v63  }
0x264: {  	v4 =	vld.idx.msk [tilespmem:v51+s18+$0x0], $0xffff  }
0x265: {  	[tilespmem:s24+$0x2000] =	vst v6  }
0x266: {  	v6 =	vld.idx.msk [tilespmem:v56+s18+$0x0], $0xffff  }
0x267: {  	[tilespmem:s22+$0x2080] =	vst v7  }
0x268: {  	[tilespmem:s25+$0x2080] =	vst v8;
	v0 =	vld.idx.msk [tilespmem:v0+s18+$0x0], $0xffff  }
0x269: {  	v51 =	vor.u32 $0x13, v63;
	v48 =	vld.idx.msk [tilespmem:v54+s18+$0x0], $0xffff;
	[tilespmem:s23+$0x2080] =	vst v4  }
0x26a: {  	v54 =	vld.idx.msk [tilespmem:v50+s18+$0x0], $0xffff  }
0x26b: {  	[tilespmem:s24+$0x2080] =	vst v6  }
0x26c: {  	v6 =	vld.idx.msk [tilespmem:v52+s18+$0x0], $0xffff  }
0x26d: {  	[tilespmem:s22+$0x2100] =	vst v0  }
0x26e: {  	[tilespmem:s25+$0x2100] =	vst v48;
	v0 =	vld.idx.msk [tilespmem:v51+s18+$0x0], $0xffff  }
0x26f: {  	v60 =	vor.u32 $0x14, v63;
	v56 =	vld.idx.msk [tilespmem:v47+s18+$0x0], $0xffff;
	[tilespmem:s23+$0x2100] =	vst v54  }
0x270: {  	v61 =	vld.idx.msk [tilespmem:v46+s18+$0x0], $0xffff  }
0x271: {  	[tilespmem:s24+$0x2100] =	vst v6  }
0x272: {  	v62 =	vld.idx.msk [tilespmem:v45+s18+$0x0], $0xffff  }
0x273: {  	[tilespmem:s22+$0x2180] =	vst v0  }
0x274: {  	[tilespmem:s25+$0x2180] =	vst v56;
	v0 =	vld.idx.msk [tilespmem:v60+s18+$0x0], $0xffff  }
0x275: {  	v12 =	vor.u32 $0x15, v63;
	v15 =	vld.idx.msk [tilespmem:v41+s18+$0x0], $0xffff;
	[tilespmem:s23+$0x2180] =	vst v61  }
0x276: {  	v41 =	vld.idx.msk [tilespmem:v3+s18+$0x0], $0xffff  }
0x277: {  	[tilespmem:s24+$0x2180] =	vst v62  }
0x278: {  	v8 =	vld.idx.msk [tilespmem:v59+s18+$0x0], $0xffff  }
0x279: {  	[tilespmem:s22+$0x2200] =	vst v0  }
0x27a: {  	[tilespmem:s25+$0x2200] =	vst v15;
	v0 =	vld.idx.msk [tilespmem:v12+s18+$0x0], $0xffff  }
0x27b: {  	v45 =	vor.u32 $0x16, v63;
	v6 =	vld.idx.msk [tilespmem:v58+s18+$0x0], $0xffff;
	[tilespmem:s23+$0x2200] =	vst v41  }
0x27c: {  	v7 =	vld.idx.msk [tilespmem:v57+s18+$0x0], $0xffff  }
0x27d: {  	[tilespmem:s24+$0x2200] =	vst v8  }
0x27e: {  	v8 =	vld.idx.msk [tilespmem:v53+s18+$0x0], $0xffff  }
0x27f: {  	[tilespmem:s22+$0x2280] =	vst v0  }
0x280: {  	[tilespmem:s25+$0x2280] =	vst v6;
	v0 =	vld.idx.msk [tilespmem:v45+s18+$0x0], $0xffff  }
0x281: {  	v46 =	vor.u32 $0x17, v63;
	v6 =	vld.idx.msk [tilespmem:v42+s18+$0x0], $0xffff;
	[tilespmem:s23+$0x2280] =	vst v7  }
0x282: {  	v7 =	vld.idx.msk [tilespmem:v44+s18+$0x0], $0xffff  }
0x283: {  	[tilespmem:s24+$0x2280] =	vst v8  }
0x284: {  	v8 =	vld.idx.msk [tilespmem:v43+s18+$0x0], $0xffff  }
0x285: {  	[tilespmem:s22+$0x2300] =	vst v0  }
0x286: {  	[tilespmem:s25+$0x2300] =	vst v6;
	v0 =	vld.idx.msk [tilespmem:v46+s18+$0x0], $0xffff  }
0x287: {  	v47 =	vor.u32 $0x18, v63;
	v6 =	vld.idx.msk [tilespmem:v38+s18+$0x0], $0xffff;
	[tilespmem:s23+$0x2300] =	vst v7  }
0x288: {  	v7 =	vld.idx.msk [tilespmem:v39+s18+$0x0], $0xffff  }
0x289: {  	[tilespmem:s24+$0x2300] =	vst v8  }
0x28a: {  	v8 =	vld.idx.msk [tilespmem:v40+s18+$0x0], $0xffff  }
0x28b: {  	[tilespmem:s22+$0x2380] =	vst v0  }
0x28c: {  	[tilespmem:s25+$0x2380] =	vst v6;
	v0 =	vld.idx.msk [tilespmem:v47+s18+$0x0], $0xffff  }
0x28d: {  	v48 =	vor.u32 $0x19, v63;
	v6 =	vld.idx.msk [tilespmem:v34+s18+$0x0], $0xffff;
	[tilespmem:s23+$0x2380] =	vst v7  }
0x28e: {  	v7 =	vld.idx.msk [tilespmem:v36+s18+$0x0], $0xffff  }
0x28f: {  	[tilespmem:s24+$0x2380] =	vst v8  }
0x290: {  	v8 =	vld.idx.msk [tilespmem:v35+s18+$0x0], $0xffff  }
0x291: {  	[tilespmem:s22+$0x3000] =	vst v0  }
0x292: {  	[tilespmem:s25+$0x3000] =	vst v6;
	v0 =	vld.idx.msk [tilespmem:v48+s18+$0x0], $0xffff  }
0x293: {  	v50 =	vor.u32 $0x1A, v63;
	v6 =	vld.idx.msk [tilespmem:v31+s18+$0x0], $0xffff;
	[tilespmem:s23+$0x3000] =	vst v7  }
0x294: {  	v7 =	vld.idx.msk [tilespmem:v32+s18+$0x0], $0xffff  }
0x295: {  	[tilespmem:s24+$0x3000] =	vst v8  }
0x296: {  	v8 =	vld.idx.msk [tilespmem:v37+s18+$0x0], $0xffff  }
0x297: {  	[tilespmem:s22+$0x3080] =	vst v0  }
0x298: {  	[tilespmem:s25+$0x3080] =	vst v6;
	v0 =	vld.idx.msk [tilespmem:v50+s18+$0x0], $0xffff  }
0x299: {  	v51 =	vor.u32 $0x1B, v63;
	v6 =	vld.idx.msk [tilespmem:v28+s18+$0x0], $0xffff;
	[tilespmem:s23+$0x3080] =	vst v7  }
0x29a: {  	v7 =	vld.idx.msk [tilespmem:v30+s18+$0x0], $0xffff  }
0x29b: {  	[tilespmem:s24+$0x3080] =	vst v8  }
0x29c: {  	v8 =	vld.idx.msk [tilespmem:v33+s18+$0x0], $0xffff  }
0x29d: {  	[tilespmem:s22+$0x3100] =	vst v0  }
0x29e: {  	[tilespmem:s25+$0x3100] =	vst v6;
	v0 =	vld.idx.msk [tilespmem:v51+s18+$0x0], $0xffff  }
0x29f: {  	v52 =	vor.u32 $0x1C, v63;
	v6 =	vld.idx.msk [tilespmem:v26+s18+$0x0], $0xffff;
	[tilespmem:s23+$0x3100] =	vst v7  }
0x2a0: {  	v7 =	vld.idx.msk [tilespmem:v27+s18+$0x0], $0xffff  }
0x2a1: {  	[tilespmem:s24+$0x3100] =	vst v8  }
0x2a2: {  	v8 =	vld.idx.msk [tilespmem:v29+s18+$0x0], $0xffff  }
0x2a3: {  	[tilespmem:s22+$0x3180] =	vst v0  }
0x2a4: {  	[tilespmem:s25+$0x3180] =	vst v6;
	v0 =	vld.idx.msk [tilespmem:v52+s18+$0x0], $0xffff  }
0x2a5: {  	v53 =	vor.u32 $0x1D, v63;
	v6 =	vld.idx.msk [tilespmem:v18+s18+$0x0], $0xffff;
	[tilespmem:s23+$0x3180] =	vst v7  }
0x2a6: {  	v7 =	vld.idx.msk [tilespmem:v21+s18+$0x0], $0xffff  }
0x2a7: {  	[tilespmem:s24+$0x3180] =	vst v8  }
0x2a8: {  	v8 =	vld.idx.msk [tilespmem:v22+s18+$0x0], $0xffff  }
0x2a9: {  	[tilespmem:s22+$0x3200] =	vst v0  }
0x2aa: {  	[tilespmem:s25+$0x3200] =	vst v6;
	v0 =	vld.idx.msk [tilespmem:v53+s18+$0x0], $0xffff  }
0x2ab: {  	v54 =	vor.u32 $0x1E, v63;
	v6 =	vld.idx.msk [tilespmem:v17+s18+$0x0], $0xffff;
	[tilespmem:s23+$0x3200] =	vst v7  }
0x2ac: {  	v7 =	vld.idx.msk [tilespmem:v19+s18+$0x0], $0xffff  }
0x2ad: {  	[tilespmem:s24+$0x3200] =	vst v8  }
0x2ae: {  	[tilespmem:s17+$0x3300] =	vst v5;
	v8 =	vld.idx.msk [tilespmem:v20+s18+$0x0], $0xffff  }
0x2af: {  	[tilespmem:s22+$0x3280] =	vst v0  }
0x2b0: {  	[tilespmem:s25+$0x3280] =	vst v6;
	v0 =	vld.idx.msk [tilespmem:v54+s18+$0x0], $0xffff  }
0x2b1: {  	v56 =	vor.u32 $0x1F, v63;
	v57 =	vld.idx.msk [tilespmem:v16+s18+$0x0], $0xffff;
	[tilespmem:s23+$0x3280] =	vst v7  }
0x2b2: {  	[tilespmem:s19+$0x3300] =	vst v1;
	v58 =	vld.idx.msk [tilespmem:v13+s18+$0x0], $0xffff  }
0x2b3: {  	v60 =	vld.idx.msk [tilespmem:v24+s18+$0x0], $0xffff;
	[tilespmem:s24+$0x3280] =	vst v8  }
0x2b4: {  	[tilespmem:s2+$0x3380] =	vst v2;
	v59 =	vld.idx.msk [tilespmem:v14+s18+$0x0], $0xffff  }
0x2b5: {  	v61 =	vld.idx.msk [tilespmem:v25+s18+$0x0], $0xffff;
	[tilespmem:s22+$0x3300] =	vst v0  }
0x2b6: {  	[tilespmem:s25+$0x3300] =	vst v57;
	v0 =	vld.idx.msk [tilespmem:v56+s18+$0x0], $0xffff  }
0x2b7: {  	v62 =	vld.idx.msk [tilespmem:v10+s18+$0x0], $0xffff;
	[tilespmem:s23+$0x3300] =	vst v58  }
0x2b8: {  	[tilespmem:s17+$0x3380] =	vst v60;
	v63 =	vld.idx.msk [tilespmem:v49+s18+$0x0], $0xffff  }
0x2b9: {  	[tilespmem:s24+$0x3300] =	vst v59  }
0x2ba: {  	[tilespmem:s19+$0x3380] =	vst v61;
	v1 =	vld.idx.msk [tilespmem:v55+s18+$0x0], $0xffff  }
0x2bb: {  	[tilespmem:s22+$0x3380] =	vst v0  }
0x2bc: {  	[tilespmem:s25+$0x3380] =	vst v62  }
0x2bd: {  	[tilespmem:s23+$0x3380] =	vst v63  }
0x2be: {  	s1 =	sshll.u32 s6, $0x11;
	s2 =	rddreg [dreg:$0x3]  }
0x2bf: {  	s19 =	rddreg [dreg:$0x1];
	[tilespmem:s24+$0x3380] =	vst v1;
	s17 =	sor.u32 s2, s1  }
0x2c0: {  	s22 =	simm.s32 $0xE800;
	s23 =	rddreg [dreg:$0x5];
	s1 =	sadd.s32 s19, s17  }
0x2c1: {  	[hbm4b:s1+s3] =	stream.linear.scatter [tilespmem:s22], [sflag:$0x3], $0x1000, $0x38;
	[tilespmem:$0x16800] =	vst v63  }
0x2c2: {  	p1 =	sne.s32 s6, $0x18;
	s24 =	simm.s32 $0xF800;
	s1 =	sadd.s32 s17, s23  }
0x2c3: {  	[hbm4b:s1+s3] =	stream.linear.scatter [tilespmem:s24], [sflag:$0x3], $0x1000, $0x38;
	[tilespmem:$0x16800] =	vst v63  }
.Ltmp5:
0x2c4: {  	_ = 	snop;
	(pc) =	sbr.rel @p1 .LBB2_9-.Ltmp5, $4  }
0x2c5: {  	s29 =	simm.s32 $0x10800;
	s25 =	sadd.s32 s17, s8  }
0x2c6: {  	[hbm4b:s25+s3] =	stream.linear.scatter [tilespmem:s29], [sflag:$0x3], $0x1000, $0x38;
	[tilespmem:$0x16800] =	vst v63  }
0x2c7: {  	s31 =	simm.s32 $0x11800;
	s30 =	sadd.s32 s17, s9  }
0x2c8: {  	[hbm4b:s30+s3] =	stream.linear.scatter [tilespmem:s31], [sflag:$0x3], $0x1000, $0x38;
	[tilespmem:$0x16800] =	vst v63  }
.Ltmp6:
0x2c9: {  	(pc) =	sbr.rel .LBB2_12-.Ltmp6, $4  }
0x2ca: {  	_ = 	snop  }
0x2cb: {  	_ =	swait.ge [sflag:s26], $0x4000  }
0x2cc: {  	[sflag:s26] =	ssyncset.done $0x0  }
0x2cd: {  	[sflag:s26] =	ssyncadd.s32 $0xFFFFC000  }
.LBB2_9:
0x2ce: {  	v10 =	vld [tilespmem:$0x1FFD0];
	_ =	sdelay $0x4  }
0x2cf: {  	v0 =	vadd.s32 s15, v10  }
0x2d0: {  	s2 =	sadd.s32 $0xFFFFFCE0, s15  }
0x2d1: {  	s5 =	sadd.s32 $0xFFFFF9C0, s15;
	v1 =	vadd.s32 s2, v10  }
0x2d2: {  	s29 =	sadd.s32 $0xFFFFF6A0, s15;
	v2 =	vadd.s32 s5, v10  }
0x2d3: {  	s30 =	sadd.s32 $0xC80, s15;
	v4 =	vadd.s32 s29, v10  }
0x2d4: {  	v8 =	vadd.s32 s30, v10;
	v7 =	vld.idx.msk [tilespmem:v0+s3+$0x0], $0xffff  }
0x2d5: {  	s16 =	sadd.s32 $0xFFFFFCE0, s30  }
0x2d6: {  	s14 =	sadd.s32 $0xFFFFF9C0, s30;
	v6 =	vadd.s32 s16, v10;
	v1 =	vld.idx.msk [tilespmem:v1+s3+$0x0], $0xffff  }
0x2d7: {  	s31 =	sadd.s32 $0xFFFFF6A0, s30;
	v5 =	vadd.s32 s14, v10;
	v0 =	vld.idx.msk [tilespmem:v2+s3+$0x0], $0xffff  }
0x2d8: {  	s1 =	simm.s32 $0x6420;
	v3 =	vadd.s32 s31, v10;
	v2 =	vld.idx.msk [tilespmem:v4+s3+$0x0], $0xffff  }
0x2d9: {  	s7 =	simm.s32 $0x8;
	s5 =	sadd.s32 $0xC80, s30;
	s2 =	simm.s32 $0x6460;
	v4 =	vld.idx.msk [tilespmem:v8+s3+$0x0], $0xffff;
	[tilespmem:s1+$0x10] =	vst v7  }
.LBB2_10:
0x2da: {  	s14 =	sadd.s32 $0xFFFFF6A0, s5;
	s7 =	sadd.s32 $0x4, s7  }
0x2db: {  	s16 =	sadd.s32 $0xFFFFF9C0, s5;
	s19 =	sadd.s32 $0xFFFFFCE0, s5;
	v7 =	vadd.s32 s5, v10;
	[tilespmem:s1+$0x0] =	vst v1;
	v1 =	vld.idx.msk [tilespmem:v6+s3+$0x0], $0xffff;
	p1 =	slt.u32 s7, $0x1C  }
.Ltmp7:
0x2dc: {  	v9 =	vmovc v0;
	v8 =	vadd.s32 s14, v10;
	v6 =	vadd.s32 s19, v10;
	v0 =	vld.idx.msk [tilespmem:v5+s3+$0x0], $0xffff;
	v5 =	vadd.s32 s16, v10;
	(pc) =	sbr.rel @p1 .LBB2_10-.Ltmp7, $3  }
0x2dd: {  	[tilespmem:s1+$0xFFFFFFE0] =	vst v2;
	v2 =	vld.idx.msk [tilespmem:v3+s3+$0x0], $0xffff;
	v3 =	vmov v8  }
0x2de: {  	[tilespmem:s1+$0xFFFFFFF0] =	vst v9;
	s1 =	smov.u32 s2;
	_ =	sdelay $0x1  }
0x2df: {  	s5 =	sadd.s32 $0xC80, s5;
	s2 =	sadd.s32 $0x40, s2;
	[tilespmem:s1+$0x10] =	vst v4;
	v4 =	vld.idx.msk [tilespmem:v7+s3+$0x0], $0xffff  }
0x2e0: {  	_ =	sdelay $0x1  }
0x2e1: {  	s7 =	sadd.s32 $0xFFFFFCE0, s5;
	v7 =	vadd.s32 s5, v10  }
0x2e2: {  	s14 =	sadd.s32 $0xFFFFF6A0, s5;
	v8 =	vadd.s32 s7, v10  }
0x2e3: {  	s25 =	sadd.s32 $0xFFFFF9C0, s5;
	v6 =	vld.idx.msk [tilespmem:v6+s3+$0x0], $0xffff;
	v9 =	vadd.s32 s14, v10  }
0x2e4: {  	[tilespmem:s1+$0x0] =	vst v1;
	v3 =	vld.idx.msk [tilespmem:v3+s3+$0x0], $0xffff;
	v60 =	vadd.s32 s25, v10  }
0x2e5: {  	v5 =	vld.idx.msk [tilespmem:v5+s3+$0x0], $0xffff;
	[tilespmem:s1+$0xFFFFFFF0] =	vst v0  }
0x2e6: {  	[tilespmem:s1+$0xFFFFFFE0] =	vst v2;
	v61 =	vld.idx.msk [tilespmem:v7+s3+$0x0], $0xffff  }
0x2e7: {  	[tilespmem:s2+$0x10] =	vst v4;
	v62 =	vld.idx.msk [tilespmem:v8+s3+$0x0], $0xffff  }
0x2e8: {  	[tilespmem:s2+$0x0] =	vst v6;
	v63 =	vld.idx.msk [tilespmem:v9+s3+$0x0], $0xffff  }
0x2e9: {  	[tilespmem:s2+$0xFFFFFFE0] =	vst v3;
	v1 =	vld.idx.msk [tilespmem:v60+s3+$0x0], $0xffff  }
0x2ea: {  	s29 =	sadd.s32 $0x40, s2;
	[tilespmem:s2+$0xFFFFFFF0] =	vst v5  }
0x2eb: {  	[tilespmem:s29+$0x10] =	vst v61  }
0x2ec: {  	[tilespmem:s29+$0x0] =	vst v62  }
0x2ed: {  	[tilespmem:s29+$0xFFFFFFE0] =	vst v63  }
.Ltmp8:
0x2ee: {  	s30 =	simm.s32 $0x200;
	s31 =	simm.s32 $0x6400;
	[tilespmem:s29+$0xFFFFFFF0] =	vst v1;
	(pc) =	sbr.rel @p0 .LBB2_13-.Ltmp8, $4  }
0x2ef: {  	[tilespmem:s18], [sflag:$0x1] =	stream.indirect.gather [hbm4b:s4+s30], $0x20, s31, s30, $0xb8;
	[tilespmem:$0x16800] =	vst v63  }
0x2f0: {  	_ =	swait.ge [sflag:s26], $0x4000  }
0x2f1: {  	[sflag:s26] =	ssyncset.done $0x0  }
0x2f2: {  	[sflag:s26] =	ssyncadd.s32 $0xFFFFC000  }
.LBB2_12:
0x2f3: {  	_ =	swait.ge [sflag:s28], $0x1000  }
0x2f4: {  	[sflag:s28] =	ssyncset.done $0x0  }
0x2f5: {  	[sflag:s28] =	ssyncadd.s32 $0xFFFFF000  }
0x2f6: {  	_ =	swait.ge [sflag:s28], $0x1000  }
0x2f7: {  	[sflag:s28] =	ssyncset.done $0x0  }
0x2f8: {  	[sflag:s28] =	ssyncadd.s32 $0xFFFFF000  }
0x2f9: {  	_ =	swait.ge [sflag:s28], $0x1000  }
0x2fa: {  	[sflag:s28] =	ssyncset.done $0x0  }
0x2fb: {  	[sflag:s28] =	ssyncadd.s32 $0xFFFFF000  }
0x2fc: {  	_ =	swait.ge [sflag:s28], $0x1000  }
0x2fd: {  	[sflag:s28] =	ssyncset.done $0x0  }
0x2fe: {  	[sflag:s28] =	ssyncadd.s32 $0xFFFFF000  }
.LBB2_13:
0x2ff: {  	s1 =	simm.s32 $0x20  }
0x300: {  	s2 =	simm.s32 $0x0;
	v0 =	vmov s1  }
0x301: {  	s5 =	simm.s32 $0x10;
	v1 =	vmov s2;
	v0 =	vshll.u32 v0, $0x5  }
0x302: {  	v2 =	vmov s5;
	v1 =	vshll.u32 v1, $0x5;
	v7 =	vor.u32 v23, v0  }
0x303: {  	v6 =	vor.u32 v23, v1;
	v0 =	vshll.u32 v2, $0x5  }
0x304: {  	s7 =	simm.s32 $0x30;
	v4 =	vor.u32 v23, v0  }
0x305: {  	v0 =	vmov s7  }
0x306: {  	v0 =	vshll.u32 v0, $0x5  }
0x307: {  	v5 =	vor.u32 v23, v0;
	v0 =	vld.idx.msk [tilespmem:v7+s20+$0x0], $0xffff  }
0x308: {  	s14 =	simm.s32 $0x0;
	v2 =	vor.u32 $0x1, v7;
	v1 =	vld.idx.msk [tilespmem:v6+s20+$0x0], $0xffff  }
0x309: {  	s14 =	sand.u32 $0xC00, s14;
	v3 =	vor.u32 $0x1, v6;
	v8 =	vld.idx.msk [tilespmem:v4+s20+$0x0], $0xffff  }
0x30a: {  	s1 =	sand.u32 $0x60, s1;
	s14 =	sadd.s32 $0x12800, s14;
	v9 =	vor.u32 $0x1, v4  }
0x30b: {  	s2 =	sand.u32 $0x40, s2;
	s1 =	sor.u32 s1, s14  }
0x30c: {  	s5 =	sand.u32 $0x50, s5;
	s19 =	sor.u32 s2, s14;
	v10 =	vld.idx.msk [tilespmem:v5+s20+$0x0], $0xffff;
	[tilespmem:s1+$0x0] =	vst v0  }
0x30d: {  	s2 =	sor.u32 s5, s14;
	v0 =	vor.u32 $0x1, v5;
	[tilespmem:s19+$0x0] =	vst v1;
	v1 =	vld.idx.msk [tilespmem:v2+s20+$0x0], $0xffff  }
0x30e: {  	v2 =	vld.idx.msk [tilespmem:v3+s20+$0x0], $0xffff;
	[tilespmem:s2+$0x0] =	vst v8;
	v3 =	vor.u32 $0x2, v7  }
0x30f: {  	s25 =	sand.u32 $0x70, s7;
	v8 =	vor.u32 $0x2, v6;
	v9 =	vld.idx.msk [tilespmem:v9+s20+$0x0], $0xffff  }
0x310: {  	s22 =	sor.u32 s25, s14;
	v11 =	vor.u32 $0x2, v4  }
0x311: {  	[tilespmem:s22+$0x0] =	vst v10  }
0x312: {  	v0 =	vld.idx.msk [tilespmem:v0+s20+$0x0], $0xffff;
	[tilespmem:s1+$0x80] =	vst v1  }
0x313: {  	v1 =	vor.u32 $0x2, v5;
	[tilespmem:s19+$0x80] =	vst v2;
	v2 =	vld.idx.msk [tilespmem:v3+s20+$0x0], $0xffff  }
0x314: {  	v3 =	vld.idx.msk [tilespmem:v8+s20+$0x0], $0xffff;
	[tilespmem:s2+$0x80] =	vst v9;
	v8 =	vor.u32 $0x3, v7  }
0x315: {  	v9 =	vor.u32 $0x3, v6;
	v10 =	vld.idx.msk [tilespmem:v11+s20+$0x0], $0xffff  }
0x316: {  	v11 =	vor.u32 $0x3, v4  }
0x317: {  	[tilespmem:s22+$0x80] =	vst v0  }
0x318: {  	v0 =	vld.idx.msk [tilespmem:v1+s20+$0x0], $0xffff;
	[tilespmem:s1+$0x100] =	vst v2  }
0x319: {  	v1 =	vor.u32 $0x3, v5;
	[tilespmem:s19+$0x100] =	vst v3;
	v2 =	vld.idx.msk [tilespmem:v8+s20+$0x0], $0xffff  }
0x31a: {  	v3 =	vld.idx.msk [tilespmem:v9+s20+$0x0], $0xffff;
	[tilespmem:s2+$0x100] =	vst v10;
	v8 =	vor.u32 $0x4, v7  }
0x31b: {  	v9 =	vor.u32 $0x4, v6;
	v10 =	vld.idx.msk [tilespmem:v11+s20+$0x0], $0xffff  }
0x31c: {  	v11 =	vor.u32 $0x4, v4  }
0x31d: {  	[tilespmem:s22+$0x100] =	vst v0  }
0x31e: {  	v0 =	vld.idx.msk [tilespmem:v1+s20+$0x0], $0xffff;
	[tilespmem:s1+$0x180] =	vst v2  }
0x31f: {  	v1 =	vor.u32 $0x4, v5;
	[tilespmem:s19+$0x180] =	vst v3;
	v2 =	vld.idx.msk [tilespmem:v8+s20+$0x0], $0xffff  }
0x320: {  	v3 =	vld.idx.msk [tilespmem:v9+s20+$0x0], $0xffff;
	[tilespmem:s2+$0x180] =	vst v10;
	v8 =	vor.u32 $0x5, v7  }
0x321: {  	v9 =	vor.u32 $0x5, v6;
	v10 =	vld.idx.msk [tilespmem:v11+s20+$0x0], $0xffff  }
0x322: {  	v11 =	vor.u32 $0x5, v4  }
0x323: {  	[tilespmem:s22+$0x180] =	vst v0  }
0x324: {  	v0 =	vld.idx.msk [tilespmem:v1+s20+$0x0], $0xffff;
	[tilespmem:s1+$0x200] =	vst v2  }
0x325: {  	v1 =	vor.u32 $0x5, v5;
	[tilespmem:s19+$0x200] =	vst v3;
	v2 =	vld.idx.msk [tilespmem:v8+s20+$0x0], $0xffff  }
0x326: {  	v3 =	vld.idx.msk [tilespmem:v9+s20+$0x0], $0xffff;
	[tilespmem:s2+$0x200] =	vst v10;
	v8 =	vor.u32 $0x6, v7  }
0x327: {  	v9 =	vor.u32 $0x6, v6;
	v10 =	vld.idx.msk [tilespmem:v11+s20+$0x0], $0xffff  }
0x328: {  	v11 =	vor.u32 $0x6, v4  }
0x329: {  	[tilespmem:s22+$0x200] =	vst v0  }
0x32a: {  	v0 =	vld.idx.msk [tilespmem:v1+s20+$0x0], $0xffff;
	[tilespmem:s1+$0x280] =	vst v2  }
0x32b: {  	v1 =	vor.u32 $0x6, v5;
	[tilespmem:s19+$0x280] =	vst v3;
	v2 =	vld.idx.msk [tilespmem:v8+s20+$0x0], $0xffff  }
0x32c: {  	v3 =	vld.idx.msk [tilespmem:v9+s20+$0x0], $0xffff;
	[tilespmem:s2+$0x280] =	vst v10;
	v8 =	vor.u32 $0x7, v7  }
0x32d: {  	v9 =	vor.u32 $0x7, v6;
	v10 =	vld.idx.msk [tilespmem:v11+s20+$0x0], $0xffff  }
0x32e: {  	v11 =	vor.u32 $0x7, v4  }
0x32f: {  	[tilespmem:s22+$0x280] =	vst v0  }
0x330: {  	v0 =	vld.idx.msk [tilespmem:v1+s20+$0x0], $0xffff;
	[tilespmem:s1+$0x300] =	vst v2  }
0x331: {  	v1 =	vor.u32 $0x7, v5;
	[tilespmem:s19+$0x300] =	vst v3;
	v2 =	vld.idx.msk [tilespmem:v8+s20+$0x0], $0xffff  }
0x332: {  	v3 =	vld.idx.msk [tilespmem:v9+s20+$0x0], $0xffff;
	[tilespmem:s2+$0x300] =	vst v10;
	v8 =	vor.u32 $0x8, v7  }
0x333: {  	v9 =	vor.u32 $0x8, v6;
	v10 =	vld.idx.msk [tilespmem:v11+s20+$0x0], $0xffff  }
0x334: {  	v11 =	vor.u32 $0x8, v4  }
0x335: {  	[tilespmem:s22+$0x300] =	vst v0  }
0x336: {  	v0 =	vld.idx.msk [tilespmem:v1+s20+$0x0], $0xffff;
	[tilespmem:s1+$0x380] =	vst v2  }
0x337: {  	v1 =	vor.u32 $0x8, v5;
	[tilespmem:s19+$0x380] =	vst v3;
	v2 =	vld.idx.msk [tilespmem:v8+s20+$0x0], $0xffff  }
0x338: {  	v3 =	vld.idx.msk [tilespmem:v9+s20+$0x0], $0xffff;
	[tilespmem:s2+$0x380] =	vst v10;
	v8 =	vor.u32 $0x9, v7  }
0x339: {  	v9 =	vor.u32 $0x9, v6;
	v10 =	vld.idx.msk [tilespmem:v11+s20+$0x0], $0xffff  }
0x33a: {  	v11 =	vor.u32 $0x9, v4  }
0x33b: {  	[tilespmem:s22+$0x380] =	vst v0  }
0x33c: {  	v0 =	vld.idx.msk [tilespmem:v1+s20+$0x0], $0xffff;
	[tilespmem:s1+$0x1000] =	vst v2  }
0x33d: {  	v1 =	vor.u32 $0x9, v5;
	[tilespmem:s19+$0x1000] =	vst v3;
	v2 =	vld.idx.msk [tilespmem:v8+s20+$0x0], $0xffff  }
0x33e: {  	v3 =	vld.idx.msk [tilespmem:v9+s20+$0x0], $0xffff;
	[tilespmem:s2+$0x1000] =	vst v10;
	v8 =	vor.u32 $0xA, v7  }
0x33f: {  	v9 =	vor.u32 $0xA, v6;
	v10 =	vld.idx.msk [tilespmem:v11+s20+$0x0], $0xffff  }
0x340: {  	v11 =	vor.u32 $0xA, v4  }
0x341: {  	[tilespmem:s22+$0x1000] =	vst v0  }
0x342: {  	v0 =	vld.idx.msk [tilespmem:v1+s20+$0x0], $0xffff;
	[tilespmem:s1+$0x1080] =	vst v2  }
0x343: {  	v1 =	vor.u32 $0xA, v5;
	[tilespmem:s19+$0x1080] =	vst v3;
	v2 =	vld.idx.msk [tilespmem:v8+s20+$0x0], $0xffff  }
0x344: {  	v3 =	vld.idx.msk [tilespmem:v9+s20+$0x0], $0xffff;
	[tilespmem:s2+$0x1080] =	vst v10;
	v8 =	vor.u32 $0xB, v7  }
0x345: {  	v9 =	vor.u32 $0xB, v6;
	v10 =	vld.idx.msk [tilespmem:v11+s20+$0x0], $0xffff  }
0x346: {  	v11 =	vor.u32 $0xB, v4  }
0x347: {  	[tilespmem:s22+$0x1080] =	vst v0  }
0x348: {  	v0 =	vld.idx.msk [tilespmem:v1+s20+$0x0], $0xffff;
	[tilespmem:s1+$0x1100] =	vst v2  }
0x349: {  	v1 =	vor.u32 $0xB, v5;
	[tilespmem:s19+$0x1100] =	vst v3;
	v2 =	vld.idx.msk [tilespmem:v8+s20+$0x0], $0xffff  }
0x34a: {  	v3 =	vld.idx.msk [tilespmem:v9+s20+$0x0], $0xffff;
	[tilespmem:s2+$0x1100] =	vst v10;
	v8 =	vor.u32 $0xC, v7  }
0x34b: {  	v9 =	vor.u32 $0xC, v6;
	v10 =	vld.idx.msk [tilespmem:v11+s20+$0x0], $0xffff  }
0x34c: {  	v11 =	vor.u32 $0xC, v4  }
0x34d: {  	[tilespmem:s22+$0x1100] =	vst v0  }
0x34e: {  	v0 =	vld.idx.msk [tilespmem:v1+s20+$0x0], $0xffff;
	[tilespmem:s1+$0x1180] =	vst v2  }
0x34f: {  	v1 =	vor.u32 $0xC, v5;
	[tilespmem:s19+$0x1180] =	vst v3;
	v2 =	vld.idx.msk [tilespmem:v8+s20+$0x0], $0xffff  }
0x350: {  	v3 =	vld.idx.msk [tilespmem:v9+s20+$0x0], $0xffff;
	[tilespmem:s2+$0x1180] =	vst v10;
	v8 =	vor.u32 $0xD, v7  }
0x351: {  	v9 =	vor.u32 $0xD, v6;
	v10 =	vld.idx.msk [tilespmem:v11+s20+$0x0], $0xffff  }
0x352: {  	v11 =	vor.u32 $0xD, v4  }
0x353: {  	[tilespmem:s22+$0x1180] =	vst v0  }
0x354: {  	v0 =	vld.idx.msk [tilespmem:v1+s20+$0x0], $0xffff;
	[tilespmem:s1+$0x1200] =	vst v2  }
0x355: {  	v1 =	vor.u32 $0xD, v5;
	[tilespmem:s19+$0x1200] =	vst v3;
	v2 =	vld.idx.msk [tilespmem:v8+s20+$0x0], $0xffff  }
0x356: {  	v3 =	vld.idx.msk [tilespmem:v9+s20+$0x0], $0xffff;
	[tilespmem:s2+$0x1200] =	vst v10;
	v8 =	vor.u32 $0xE, v7  }
0x357: {  	v9 =	vor.u32 $0xE, v6;
	v10 =	vld.idx.msk [tilespmem:v11+s20+$0x0], $0xffff  }
0x358: {  	v11 =	vor.u32 $0xE, v4  }
0x359: {  	[tilespmem:s22+$0x1200] =	vst v0  }
0x35a: {  	v0 =	vld.idx.msk [tilespmem:v1+s20+$0x0], $0xffff;
	[tilespmem:s1+$0x1280] =	vst v2  }
0x35b: {  	v1 =	vor.u32 $0xE, v5;
	[tilespmem:s19+$0x1280] =	vst v3;
	v2 =	vld.idx.msk [tilespmem:v8+s20+$0x0], $0xffff  }
0x35c: {  	v3 =	vld.idx.msk [tilespmem:v9+s20+$0x0], $0xffff;
	[tilespmem:s2+$0x1280] =	vst v10;
	v8 =	vor.u32 $0xF, v7  }
0x35d: {  	v9 =	vor.u32 $0xF, v6;
	v10 =	vld.idx.msk [tilespmem:v11+s20+$0x0], $0xffff  }
0x35e: {  	v11 =	vor.u32 $0xF, v4  }
0x35f: {  	[tilespmem:s22+$0x1280] =	vst v0  }
0x360: {  	v0 =	vld.idx.msk [tilespmem:v1+s20+$0x0], $0xffff;
	[tilespmem:s1+$0x1300] =	vst v2  }
0x361: {  	v1 =	vor.u32 $0xF, v5;
	[tilespmem:s19+$0x1300] =	vst v3;
	v2 =	vld.idx.msk [tilespmem:v8+s20+$0x0], $0xffff  }
0x362: {  	v3 =	vld.idx.msk [tilespmem:v9+s20+$0x0], $0xffff;
	[tilespmem:s2+$0x1300] =	vst v10;
	v8 =	vor.u32 $0x10, v7  }
0x363: {  	v9 =	vor.u32 $0x10, v6;
	v10 =	vld.idx.msk [tilespmem:v11+s20+$0x0], $0xffff  }
0x364: {  	v11 =	vor.u32 $0x10, v4  }
0x365: {  	[tilespmem:s22+$0x1300] =	vst v0  }
0x366: {  	v0 =	vld.idx.msk [tilespmem:v1+s20+$0x0], $0xffff;
	[tilespmem:s1+$0x1380] =	vst v2  }
0x367: {  	v1 =	vor.u32 $0x10, v5;
	[tilespmem:s19+$0x1380] =	vst v3;
	v2 =	vld.idx.msk [tilespmem:v8+s20+$0x0], $0xffff  }
0x368: {  	v3 =	vld.idx.msk [tilespmem:v9+s20+$0x0], $0xffff;
	[tilespmem:s2+$0x1380] =	vst v10;
	v8 =	vor.u32 $0x11, v7  }
0x369: {  	v9 =	vor.u32 $0x11, v6;
	v10 =	vld.idx.msk [tilespmem:v11+s20+$0x0], $0xffff  }
0x36a: {  	v11 =	vor.u32 $0x11, v4  }
0x36b: {  	[tilespmem:s22+$0x1380] =	vst v0  }
0x36c: {  	v0 =	vld.idx.msk [tilespmem:v1+s20+$0x0], $0xffff;
	[tilespmem:s1+$0x2000] =	vst v2  }
0x36d: {  	v1 =	vor.u32 $0x11, v5;
	[tilespmem:s19+$0x2000] =	vst v3;
	v2 =	vld.idx.msk [tilespmem:v8+s20+$0x0], $0xffff  }
0x36e: {  	s7 =	simm.s32 $0x60;
	v8 =	vld.idx.msk [tilespmem:v9+s20+$0x0], $0xffff;
	[tilespmem:s2+$0x2000] =	vst v10;
	v10 =	vor.u32 $0x12, v7  }
0x36f: {  	s14 =	simm.s32 $0x40;
	v12 =	vor.u32 $0x12, v6;
	v3 =	vmov s7;
	v11 =	vld.idx.msk [tilespmem:v11+s20+$0x0], $0xffff  }
0x370: {  	s24 =	simm.s32 $0x50;
	v13 =	vor.u32 $0x12, v4;
	v9 =	vmov s14;
	v3 =	vshll.u32 v3, $0x5  }
0x371: {  	s16 =	simm.s32 $0x70;
	v14 =	vmov s24;
	v63 =	vor.u32 v23, v3;
	[tilespmem:s22+$0x2000] =	vst v0;
	v0 =	vshll.u32 v9, $0x5  }
0x372: {  	v15 =	vmov s16;
	v1 =	vld.idx.msk [tilespmem:v1+s20+$0x0], $0xffff;
	v9 =	vor.u32 v23, v0;
	v0 =	vshll.u32 v14, $0x5;
	[tilespmem:s1+$0x2080] =	vst v2  }
0x373: {  	v2 =	vshll.u32 v15, $0x5;
	v48 =	vor.u32 v23, v0;
	[tilespmem:s19+$0x2080] =	vst v8;
	v8 =	vld.idx.msk [tilespmem:v10+s20+$0x0], $0xffff  }
0x374: {  	v0 =	vor.u32 v23, v2;
	v2 =	vld.idx.msk [tilespmem:v12+s20+$0x0], $0xffff;
	[tilespmem:s2+$0x2080] =	vst v11  }
0x375: {  	v11 =	vor.u32 $0x13, v7;
	v10 =	vld.idx.msk [tilespmem:v13+s20+$0x0], $0xffff  }
0x376: {  	v12 =	vor.u32 $0x12, v5;
	v13 =	vld.idx.msk [tilespmem:v63+s20+$0x0], $0xffff  }
0x377: {  	s30 =	simm.s32 $0x200;
	v14 =	vor.u32 $0x13, v6;
	v15 =	vld.idx.msk [tilespmem:v9+s20+$0x0], $0xffff;
	[tilespmem:s22+$0x2080] =	vst v1  }
0x378: {  	s23 =	sand.u32 $0xC00, s30;
	v16 =	vor.u32 $0x1, v63;
	v1 =	vld.idx.msk [tilespmem:v48+s20+$0x0], $0xffff;
	[tilespmem:s1+$0x2100] =	vst v8  }
0x379: {  	s25 =	sadd.s32 $0x12800, s23;
	s5 =	sand.u32 $0x60, s7;
	v17 =	vor.u32 $0x1, v9;
	v18 =	vld.idx.msk [tilespmem:v0+s20+$0x0], $0xffff;
	[tilespmem:s19+$0x2100] =	vst v2  }
0x37a: {  	s23 =	sor.u32 s5, s25;
	s7 =	sand.u32 $0x40, s14;
	v8 =	vor.u32 $0x1, v48;
	v2 =	vld.idx.msk [tilespmem:v11+s20+$0x0], $0xffff;
	[tilespmem:s2+$0x2100] =	vst v10  }
0x37b: {  	s14 =	sand.u32 $0x50, s24;
	s29 =	sor.u32 s7, s25;
	v11 =	vor.u32 $0x1, v0;
	v10 =	vld.idx.msk [tilespmem:v12+s20+$0x0], $0xffff;
	[tilespmem:s23+$0x0] =	vst v13  }
0x37c: {  	s16 =	sand.u32 $0x70, s16;
	s24 =	sor.u32 s14, s25;
	v12 =	vld.idx.msk [tilespmem:v14+s20+$0x0], $0xffff;
	v14 =	vor.u32 $0x13, v4;
	[tilespmem:s29+$0x0] =	vst v15  }
0x37d: {  	s25 =	sor.u32 s16, s25;
	v13 =	vor.u32 $0x14, v7;
	v15 =	vld.idx.msk [tilespmem:v16+s20+$0x0], $0xffff;
	[tilespmem:s24+$0x0] =	vst v1  }
0x37e: {  	v16 =	vor.u32 $0x13, v5;
	v17 =	vld.idx.msk [tilespmem:v17+s20+$0x0], $0xffff;
	[tilespmem:s25+$0x0] =	vst v18  }
0x37f: {  	v1 =	vld.idx.msk [tilespmem:v8+s20+$0x0], $0xffff;
	v8 =	vor.u32 $0x2, v63;
	[tilespmem:s1+$0x2180] =	vst v2  }
0x380: {  	v18 =	vor.u32 $0x2, v9;
	v11 =	vld.idx.msk [tilespmem:v11+s20+$0x0], $0xffff;
	[tilespmem:s22+$0x2100] =	vst v10  }
0x381: {  	v2 =	vor.u32 $0x2, v48;
	[tilespmem:s19+$0x2180] =	vst v12;
	v12 =	vld.idx.msk [tilespmem:v14+s20+$0x0], $0xffff  }
0x382: {  	v10 =	vor.u32 $0x2, v0;
	v13 =	vld.idx.msk [tilespmem:v13+s20+$0x0], $0xffff;
	[tilespmem:s23+$0x80] =	vst v15  }
0x383: {  	v14 =	vor.u32 $0x15, v7;
	v15 =	vld.idx.msk [tilespmem:v16+s20+$0x0], $0xffff;
	[tilespmem:s29+$0x80] =	vst v17  }
0x384: {  	v16 =	vor.u32 $0x14, v6;
	v8 =	vld.idx.msk [tilespmem:v8+s20+$0x0], $0xffff;
	[tilespmem:s24+$0x80] =	vst v1  }
0x385: {  	v17 =	vor.u32 $0x14, v4;
	v18 =	vld.idx.msk [tilespmem:v18+s20+$0x0], $0xffff;
	[tilespmem:s25+$0x80] =	vst v11  }
0x386: {  	v1 =	vld.idx.msk [tilespmem:v2+s20+$0x0], $0xffff;
	v2 =	vor.u32 $0x3, v63;
	[tilespmem:s2+$0x2180] =	vst v12  }
0x387: {  	v11 =	vor.u32 $0x3, v9;
	v10 =	vld.idx.msk [tilespmem:v10+s20+$0x0], $0xffff;
	[tilespmem:s1+$0x2200] =	vst v13  }
0x388: {  	v13 =	vor.u32 $0x3, v48;
	v12 =	vld.idx.msk [tilespmem:v14+s20+$0x0], $0xffff;
	[tilespmem:s22+$0x2180] =	vst v15  }
0x389: {  	v14 =	vor.u32 $0x3, v0;
	v16 =	vld.idx.msk [tilespmem:v16+s20+$0x0], $0xffff;
	[tilespmem:s23+$0x100] =	vst v8  }
0x38a: {  	v15 =	vor.u32 $0x16, v7;
	v8 =	vld.idx.msk [tilespmem:v17+s20+$0x0], $0xffff;
	[tilespmem:s29+$0x100] =	vst v18  }
0x38b: {  	v17 =	vor.u32 $0x14, v5;
	v2 =	vld.idx.msk [tilespmem:v2+s20+$0x0], $0xffff;
	[tilespmem:s24+$0x100] =	vst v1  }
0x38c: {  	v18 =	vor.u32 $0x15, v6;
	v11 =	vld.idx.msk [tilespmem:v11+s20+$0x0], $0xffff;
	[tilespmem:s25+$0x100] =	vst v10  }
0x38d: {  	v1 =	vld.idx.msk [tilespmem:v13+s20+$0x0], $0xffff;
	v13 =	vor.u32 $0x4, v63;
	[tilespmem:s1+$0x2280] =	vst v12  }
0x38e: {  	v10 =	vor.u32 $0x4, v9;
	v14 =	vld.idx.msk [tilespmem:v14+s20+$0x0], $0xffff;
	[tilespmem:s19+$0x2200] =	vst v16  }
0x38f: {  	v12 =	vor.u32 $0x4, v48;
	v15 =	vld.idx.msk [tilespmem:v15+s20+$0x0], $0xffff;
	[tilespmem:s2+$0x2200] =	vst v8  }
0x390: {  	v16 =	vor.u32 $0x4, v0;
	v8 =	vld.idx.msk [tilespmem:v17+s20+$0x0], $0xffff;
	[tilespmem:s23+$0x180] =	vst v2  }
0x391: {  	v17 =	vor.u32 $0x17, v7;
	v2 =	vld.idx.msk [tilespmem:v18+s20+$0x0], $0xffff;
	[tilespmem:s29+$0x180] =	vst v11  }
0x392: {  	v18 =	vor.u32 $0x15, v4;
	v11 =	vld.idx.msk [tilespmem:v13+s20+$0x0], $0xffff;
	[tilespmem:s24+$0x180] =	vst v1  }
0x393: {  	v13 =	vor.u32 $0x15, v5;
	v10 =	vld.idx.msk [tilespmem:v10+s20+$0x0], $0xffff;
	[tilespmem:s25+$0x180] =	vst v14  }
0x394: {  	v1 =	vld.idx.msk [tilespmem:v12+s20+$0x0], $0xffff;
	v12 =	vor.u32 $0x5, v63;
	[tilespmem:s1+$0x2300] =	vst v15  }
0x395: {  	v14 =	vor.u32 $0x5, v9;
	v16 =	vld.idx.msk [tilespmem:v16+s20+$0x0], $0xffff;
	[tilespmem:s22+$0x2200] =	vst v8  }
0x396: {  	v15 =	vor.u32 $0x5, v48;
	v17 =	vld.idx.msk [tilespmem:v17+s20+$0x0], $0xffff;
	[tilespmem:s19+$0x2280] =	vst v2  }
0x397: {  	v8 =	vor.u32 $0x5, v0;
	v2 =	vld.idx.msk [tilespmem:v18+s20+$0x0], $0xffff;
	[tilespmem:s23+$0x200] =	vst v11  }
0x398: {  	v18 =	vor.u32 $0x16, v6;
	v13 =	vld.idx.msk [tilespmem:v13+s20+$0x0], $0xffff;
	[tilespmem:s29+$0x200] =	vst v10  }
0x399: {  	v11 =	vor.u32 $0x18, v7;
	v10 =	vld.idx.msk [tilespmem:v12+s20+$0x0], $0xffff;
	[tilespmem:s24+$0x200] =	vst v1  }
0x39a: {  	v12 =	vor.u32 $0x16, v4;
	v14 =	vld.idx.msk [tilespmem:v14+s20+$0x0], $0xffff;
	[tilespmem:s25+$0x200] =	vst v16  }
0x39b: {  	v1 =	vld.idx.msk [tilespmem:v15+s20+$0x0], $0xffff;
	v15 =	vor.u32 $0x6, v63;
	[tilespmem:s1+$0x2380] =	vst v17  }
0x39c: {  	v16 =	vor.u32 $0x6, v9;
	v8 =	vld.idx.msk [tilespmem:v8+s20+$0x0], $0xffff;
	[tilespmem:s2+$0x2280] =	vst v2  }
0x39d: {  	v17 =	vor.u32 $0x6, v48;
	v18 =	vld.idx.msk [tilespmem:v18+s20+$0x0], $0xffff;
	[tilespmem:s22+$0x2280] =	vst v13  }
0x39e: {  	v2 =	vld.idx.msk [tilespmem:v11+s20+$0x0], $0xffff;
	v11 =	vor.u32 $0x6, v0;
	[tilespmem:s23+$0x280] =	vst v10  }
0x39f: {  	v10 =	vld.idx.msk [tilespmem:v12+s20+$0x0], $0xffff;
	v12 =	vor.u32 $0x19, v7;
	[tilespmem:s29+$0x280] =	vst v14  }
0x3a0: {  	v13 =	vor.u32 $0x16, v5;
	v14 =	vld.idx.msk [tilespmem:v15+s20+$0x0], $0xffff;
	[tilespmem:s24+$0x280] =	vst v1  }
0x3a1: {  	v15 =	vor.u32 $0x17, v6;
	v16 =	vld.idx.msk [tilespmem:v16+s20+$0x0], $0xffff;
	[tilespmem:s25+$0x280] =	vst v8  }
0x3a2: {  	v1 =	vld.idx.msk [tilespmem:v17+s20+$0x0], $0xffff;
	v17 =	vor.u32 $0x7, v63;
	[tilespmem:s19+$0x2300] =	vst v18  }
0x3a3: {  	v8 =	vor.u32 $0x7, v9;
	v11 =	vld.idx.msk [tilespmem:v11+s20+$0x0], $0xffff;
	[tilespmem:s1+$0x3000] =	vst v2  }
0x3a4: {  	v2 =	vor.u32 $0x7, v48;
	v12 =	vld.idx.msk [tilespmem:v12+s20+$0x0], $0xffff;
	[tilespmem:s2+$0x2300] =	vst v10  }
0x3a5: {  	v18 =	vor.u32 $0x7, v0;
	v10 =	vld.idx.msk [tilespmem:v13+s20+$0x0], $0xffff;
	[tilespmem:s23+$0x300] =	vst v14  }
0x3a6: {  	v13 =	vld.idx.msk [tilespmem:v15+s20+$0x0], $0xffff;
	v14 =	vor.u32 $0x1A, v7;
	[tilespmem:s29+$0x300] =	vst v16  }
0x3a7: {  	v15 =	vor.u32 $0x17, v4;
	v16 =	vld.idx.msk [tilespmem:v17+s20+$0x0], $0xffff;
	[tilespmem:s24+$0x300] =	vst v1  }
0x3a8: {  	v17 =	vor.u32 $0x17, v5;
	v8 =	vld.idx.msk [tilespmem:v8+s20+$0x0], $0xffff;
	[tilespmem:s25+$0x300] =	vst v11  }
0x3a9: {  	v1 =	vld.idx.msk [tilespmem:v2+s20+$0x0], $0xffff;
	v2 =	vor.u32 $0x8, v63;
	[tilespmem:s1+$0x3080] =	vst v12  }
0x3aa: {  	v11 =	vor.u32 $0x8, v9;
	v18 =	vld.idx.msk [tilespmem:v18+s20+$0x0], $0xffff;
	[tilespmem:s22+$0x2300] =	vst v10  }
0x3ab: {  	v12 =	vor.u32 $0x8, v48;
	v14 =	vld.idx.msk [tilespmem:v14+s20+$0x0], $0xffff;
	[tilespmem:s19+$0x2380] =	vst v13  }
0x3ac: {  	v10 =	vor.u32 $0x8, v0;
	v13 =	vld.idx.msk [tilespmem:v15+s20+$0x0], $0xffff;
	[tilespmem:s23+$0x380] =	vst v16  }
0x3ad: {  	v15 =	vor.u32 $0x1B, v7;
	v16 =	vld.idx.msk [tilespmem:v17+s20+$0x0], $0xffff;
	[tilespmem:s29+$0x380] =	vst v8  }
0x3ae: {  	v17 =	vor.u32 $0x18, v6;
	v2 =	vld.idx.msk [tilespmem:v2+s20+$0x0], $0xffff;
	[tilespmem:s24+$0x380] =	vst v1  }
0x3af: {  	v8 =	vor.u32 $0x18, v4;
	v11 =	vld.idx.msk [tilespmem:v11+s20+$0x0], $0xffff;
	[tilespmem:s25+$0x380] =	vst v18  }
0x3b0: {  	v1 =	vld.idx.msk [tilespmem:v12+s20+$0x0], $0xffff;
	v12 =	vor.u32 $0x9, v63;
	[tilespmem:s1+$0x3100] =	vst v14  }
0x3b1: {  	v18 =	vor.u32 $0x9, v9;
	v10 =	vld.idx.msk [tilespmem:v10+s20+$0x0], $0xffff;
	[tilespmem:s2+$0x2380] =	vst v13  }
0x3b2: {  	v14 =	vor.u32 $0x9, v48;
	v13 =	vld.idx.msk [tilespmem:v15+s20+$0x0], $0xffff;
	[tilespmem:s22+$0x2380] =	vst v16  }
0x3b3: {  	v15 =	vor.u32 $0x9, v0;
	v17 =	vld.idx.msk [tilespmem:v17+s20+$0x0], $0xffff;
	[tilespmem:s23+$0x1000] =	vst v2  }
0x3b4: {  	v2 =	vld.idx.msk [tilespmem:v8+s20+$0x0], $0xffff;
	v8 =	vor.u32 $0x1C, v7;
	[tilespmem:s29+$0x1000] =	vst v11  }
0x3b5: {  	v16 =	vor.u32 $0x18, v5;
	v11 =	vld.idx.msk [tilespmem:v12+s20+$0x0], $0xffff;
	[tilespmem:s24+$0x1000] =	vst v1  }
0x3b6: {  	v12 =	vor.u32 $0x19, v6;
	v18 =	vld.idx.msk [tilespmem:v18+s20+$0x0], $0xffff;
	[tilespmem:s25+$0x1000] =	vst v10  }
0x3b7: {  	v1 =	vld.idx.msk [tilespmem:v14+s20+$0x0], $0xffff;
	v14 =	vor.u32 $0xA, v63;
	[tilespmem:s1+$0x3180] =	vst v13  }
0x3b8: {  	v10 =	vor.u32 $0xA, v9;
	v15 =	vld.idx.msk [tilespmem:v15+s20+$0x0], $0xffff;
	[tilespmem:s19+$0x3000] =	vst v17  }
0x3b9: {  	v13 =	vor.u32 $0xA, v48;
	v8 =	vld.idx.msk [tilespmem:v8+s20+$0x0], $0xffff;
	[tilespmem:s2+$0x3000] =	vst v2  }
0x3ba: {  	v17 =	vor.u32 $0xA, v0;
	v2 =	vld.idx.msk [tilespmem:v16+s20+$0x0], $0xffff;
	[tilespmem:s23+$0x1080] =	vst v11  }
0x3bb: {  	v11 =	vld.idx.msk [tilespmem:v12+s20+$0x0], $0xffff;
	v12 =	vor.u32 $0x1D, v7;
	[tilespmem:s29+$0x1080] =	vst v18  }
0x3bc: {  	v16 =	vor.u32 $0x19, v4;
	v14 =	vld.idx.msk [tilespmem:v14+s20+$0x0], $0xffff;
	[tilespmem:s24+$0x1080] =	vst v1  }
0x3bd: {  	v18 =	vor.u32 $0x19, v5;
	v10 =	vld.idx.msk [tilespmem:v10+s20+$0x0], $0xffff;
	[tilespmem:s25+$0x1080] =	vst v15  }
0x3be: {  	v1 =	vld.idx.msk [tilespmem:v13+s20+$0x0], $0xffff;
	v13 =	vor.u32 $0xB, v63;
	[tilespmem:s1+$0x3200] =	vst v8  }
0x3bf: {  	v15 =	vor.u32 $0xB, v9;
	v17 =	vld.idx.msk [tilespmem:v17+s20+$0x0], $0xffff;
	[tilespmem:s22+$0x3000] =	vst v2  }
0x3c0: {  	v8 =	vor.u32 $0xB, v48;
	v12 =	vld.idx.msk [tilespmem:v12+s20+$0x0], $0xffff;
	[tilespmem:s19+$0x3080] =	vst v11  }
0x3c1: {  	v2 =	vor.u32 $0xB, v0;
	v11 =	vld.idx.msk [tilespmem:v16+s20+$0x0], $0xffff;
	[tilespmem:s23+$0x1100] =	vst v14  }
0x3c2: {  	v16 =	vld.idx.msk [tilespmem:v18+s20+$0x0], $0xffff;
	v18 =	vor.u32 $0x1A, v6;
	[tilespmem:s29+$0x1100] =	vst v10  }
0x3c3: {  	v14 =	vor.u32 $0x1E, v7;
	v10 =	vld.idx.msk [tilespmem:v13+s20+$0x0], $0xffff;
	[tilespmem:s24+$0x1100] =	vst v1  }
0x3c4: {  	v13 =	vor.u32 $0x1A, v4;
	v15 =	vld.idx.msk [tilespmem:v15+s20+$0x0], $0xffff;
	[tilespmem:s25+$0x1100] =	vst v17  }
0x3c5: {  	v17 =	vor.u32 $0xC, v9;
	v1 =	vld.idx.msk [tilespmem:v8+s20+$0x0], $0xffff;
	[tilespmem:s1+$0x3280] =	vst v12  }
0x3c6: {  	v8 =	vor.u32 $0xC, v63;
	v2 =	vld.idx.msk [tilespmem:v2+s20+$0x0], $0xffff;
	[tilespmem:s2+$0x3080] =	vst v11  }
0x3c7: {  	v12 =	vor.u32 $0xC, v48;
	v18 =	vld.idx.msk [tilespmem:v18+s20+$0x0], $0xffff;
	[tilespmem:s22+$0x3080] =	vst v16  }
0x3c8: {  	v11 =	vld.idx.msk [tilespmem:v14+s20+$0x0], $0xffff;
	v14 =	vor.u32 $0xC, v0;
	[tilespmem:s23+$0x1180] =	vst v10  }
0x3c9: {  	v7 =	vor.u32 $0x1F, v7;
	v10 =	vld.idx.msk [tilespmem:v13+s20+$0x0], $0xffff;
	[tilespmem:s29+$0x1180] =	vst v15  }
0x3ca: {  	v13 =	vor.u32 $0x1A, v5;
	v16 =	vld.idx.msk [tilespmem:v17+s20+$0x0], $0xffff;
	[tilespmem:s24+$0x1180] =	vst v1  }
0x3cb: {  	v15 =	vor.u32 $0x1B, v6;
	v8 =	vld.idx.msk [tilespmem:v8+s20+$0x0], $0xffff;
	[tilespmem:s25+$0x1180] =	vst v2  }
0x3cc: {  	v2 =	vor.u32 $0xD, v9;
	v1 =	vld.idx.msk [tilespmem:v12+s20+$0x0], $0xffff;
	[tilespmem:s19+$0x3100] =	vst v18  }
0x3cd: {  	v12 =	vor.u32 $0xD, v63;
	v14 =	vld.idx.msk [tilespmem:v14+s20+$0x0], $0xffff;
	[tilespmem:s1+$0x3300] =	vst v11  }
0x3ce: {  	v11 =	vor.u32 $0xD, v48;
	v7 =	vld.idx.msk [tilespmem:v7+s20+$0x0], $0xffff;
	[tilespmem:s2+$0x3100] =	vst v10  }
0x3cf: {  	v17 =	vor.u32 $0xD, v0;
	v10 =	vld.idx.msk [tilespmem:v13+s20+$0x0], $0xffff;
	[tilespmem:s29+$0x1200] =	vst v16  }
0x3d0: {  	v13 =	vor.u32 $0x1B, v4;
	[tilespmem:s23+$0x1200] =	vst v8;
	v8 =	vld.idx.msk [tilespmem:v15+s20+$0x0], $0xffff  }
0x3d1: {  	v15 =	vor.u32 $0x1B, v5;
	v2 =	vld.idx.msk [tilespmem:v2+s20+$0x0], $0xffff  }
0x3d2: {  	v16 =	vor.u32 $0x1C, v6;
	v12 =	vld.idx.msk [tilespmem:v12+s20+$0x0], $0xffff;
	[tilespmem:s24+$0x1200] =	vst v1  }
0x3d3: {  	v1 =	vld.idx.msk [tilespmem:v11+s20+$0x0], $0xffff;
	v11 =	vor.u32 $0xE, v63;
	[tilespmem:s25+$0x1200] =	vst v14  }
0x3d4: {  	v14 =	vor.u32 $0xE, v9;
	v17 =	vld.idx.msk [tilespmem:v17+s20+$0x0], $0xffff;
	[tilespmem:s1+$0x3380] =	vst v7  }
0x3d5: {  	v7 =	vor.u32 $0xE, v48;
	v13 =	vld.idx.msk [tilespmem:v13+s20+$0x0], $0xffff;
	[tilespmem:s22+$0x3100] =	vst v10  }
0x3d6: {  	v10 =	vor.u32 $0xE, v0;
	[tilespmem:s19+$0x3180] =	vst v8;
	v8 =	vld.idx.msk [tilespmem:v15+s20+$0x0], $0xffff  }
0x3d7: {  	v15 =	vor.u32 $0x1C, v4;
	[tilespmem:s23+$0x1280] =	vst v12;
	v12 =	vld.idx.msk [tilespmem:v16+s20+$0x0], $0xffff  }
0x3d8: {  	[tilespmem:s29+$0x1280] =	vst v2;
	v16 =	vor.u32 $0x1C, v5;
	v2 =	vld.idx.msk [tilespmem:v11+s20+$0x0], $0xffff  }
0x3d9: {  	v11 =	vor.u32 $0x1D, v6;
	v14 =	vld.idx.msk [tilespmem:v14+s20+$0x0], $0xffff;
	[tilespmem:s24+$0x1280] =	vst v1  }
0x3da: {  	v21 =	vor.u32 $0x1E, v4;
	v18 =	vor.u32 $0xF, v63;
	v7 =	vld.idx.msk [tilespmem:v7+s20+$0x0], $0xffff;
	[tilespmem:s25+$0x1280] =	vst v17  }
0x3db: {  	v24 =	vor.u32 $0x1F, v4;
	v19 =	vor.u32 $0x1D, v5;
	v20 =	vor.u32 $0xF, v9;
	[tilespmem:s2+$0x3180] =	vst v13;
	v10 =	vld.idx.msk [tilespmem:v10+s20+$0x0], $0xffff  }
0x3dc: {  	v1 =	vor.u32 $0x1E, v6;
	v13 =	vor.u32 $0x1F, v6;
	v6 =	vor.u32 $0xF, v48;
	v15 =	vld.idx.msk [tilespmem:v15+s20+$0x0], $0xffff;
	[tilespmem:s22+$0x3180] =	vst v8  }
0x3dd: {  	v25 =	vor.u32 $0x1F, v5;
	v17 =	vor.u32 $0x1D, v4;
	v4 =	vor.u32 $0xF, v0;
	[tilespmem:s19+$0x3200] =	vst v12;
	v12 =	vld.idx.msk [tilespmem:v16+s20+$0x0], $0xffff  }
0x3de: {  	v54 =	vor.u32 $0x12, v9;
	v47 =	vor.u32 $0x13, v9;
	v41 =	vor.u32 $0x14, v9;
	[tilespmem:s23+$0x1300] =	vst v2;
	v2 =	vld.idx.msk [tilespmem:v11+s20+$0x0], $0xffff  }
0x3df: {  	v58 =	vor.u32 $0x15, v9;
	v42 =	vor.u32 $0x16, v9;
	v38 =	vor.u32 $0x17, v9;
	[tilespmem:s29+$0x1300] =	vst v14;
	v14 =	vld.idx.msk [tilespmem:v18+s20+$0x0], $0xffff  }
0x3e0: {  	v34 =	vor.u32 $0x18, v9;
	v31 =	vor.u32 $0x19, v9;
	v28 =	vor.u32 $0x1A, v9;
	v18 =	vld.idx.msk [tilespmem:v20+s20+$0x0], $0xffff;
	[tilespmem:s24+$0x1300] =	vst v7  }
0x3e1: {  	v26 =	vor.u32 $0x1B, v9;
	v51 =	vor.u32 $0x11, v48;
	v7 =	vor.u32 $0x10, v63;
	v6 =	vld.idx.msk [tilespmem:v6+s20+$0x0], $0xffff;
	[tilespmem:s25+$0x1300] =	vst v10  }
0x3e2: {  	v50 =	vor.u32 $0x12, v48;
	v8 =	vor.u32 $0x1E, v5;
	v5 =	vor.u32 $0x10, v9;
	v4 =	vld.idx.msk [tilespmem:v4+s20+$0x0], $0xffff;
	[tilespmem:s2+$0x3200] =	vst v15  }
0x3e3: {  	v46 =	vor.u32 $0x13, v48;
	v3 =	vor.u32 $0x14, v48;
	v16 =	vor.u32 $0x10, v48;
	v10 =	vld.idx.msk [tilespmem:v17+s20+$0x0], $0xffff;
	[tilespmem:s22+$0x3200] =	vst v12  }
0x3e4: {  	v57 =	vor.u32 $0x15, v48;
	v44 =	vor.u32 $0x16, v48;
	v22 =	vor.u32 $0x10, v0;
	[tilespmem:s19+$0x3280] =	vst v2;
	v2 =	vld.idx.msk [tilespmem:v19+s20+$0x0], $0xffff  }
0x3e5: {  	v39 =	vor.u32 $0x17, v48;
	v36 =	vor.u32 $0x18, v48;
	v32 =	vor.u32 $0x19, v48;
	[tilespmem:s23+$0x1380] =	vst v14;
	v1 =	vld.idx.msk [tilespmem:v1+s20+$0x0], $0xffff  }
0x3e6: {  	v30 =	vor.u32 $0x1A, v48;
	v27 =	vor.u32 $0x1B, v48;
	v49 =	vor.u32 $0x1F, v48;
	[tilespmem:s29+$0x1380] =	vst v18;
	v7 =	vld.idx.msk [tilespmem:v7+s20+$0x0], $0xffff  }
0x3e7: {  	v56 =	vor.u32 $0x11, v0;
	v52 =	vor.u32 $0x12, v0;
	v45 =	vor.u32 $0x13, v0;
	v12 =	vld.idx.msk [tilespmem:v5+s20+$0x0], $0xffff;
	[tilespmem:s24+$0x1380] =	vst v6  }
0x3e8: {  	v59 =	vor.u32 $0x14, v0;
	v53 =	vor.u32 $0x15, v0;
	v15 =	vor.u32 $0x11, v63;
	v14 =	vld.idx.msk [tilespmem:v16+s20+$0x0], $0xffff;
	[tilespmem:s25+$0x1380] =	vst v4  }
0x3e9: {  	v43 =	vor.u32 $0x16, v0;
	v40 =	vor.u32 $0x17, v0;
	v11 =	vor.u32 $0x11, v9;
	v6 =	vld.idx.msk [tilespmem:v22+s20+$0x0], $0xffff;
	[tilespmem:s2+$0x3280] =	vst v10  }
0x3ea: {  	v35 =	vor.u32 $0x18, v0;
	v37 =	vor.u32 $0x19, v0;
	v33 =	vor.u32 $0x1A, v0;
	v5 =	vld.idx.msk [tilespmem:v21+s20+$0x0], $0xffff;
	[tilespmem:s22+$0x3280] =	vst v2  }
0x3eb: {  	v29 =	vor.u32 $0x1B, v0;
	v55 =	vor.u32 $0x1F, v0;
	v20 =	vor.u32 $0x1D, v0;
	[tilespmem:s19+$0x3300] =	vst v1;
	v1 =	vld.idx.msk [tilespmem:v8+s20+$0x0], $0xffff  }
0x3ec: {  	v17 =	vor.u32 $0x1D, v9;
	v19 =	vor.u32 $0x1D, v48;
	v18 =	vor.u32 $0x1C, v9;
	[tilespmem:s23+$0x2000] =	vst v7;
	v2 =	vld.idx.msk [tilespmem:v13+s20+$0x0], $0xffff  }
0x3ed: {  	v16 =	vor.u32 $0x1E, v9;
	v22 =	vor.u32 $0x1C, v0;
	v10 =	vor.u32 $0x1F, v9;
	[tilespmem:s29+$0x2000] =	vst v12;
	v7 =	vld.idx.msk [tilespmem:v15+s20+$0x0], $0xffff  }
0x3ee: {  	s31 =	simm.s32 $0x4;
	s1 =	simm.s32 $0xB0;
	v21 =	vor.u32 $0x1C, v48;
	v13 =	vor.u32 $0x1E, v48;
	[tilespmem:s24+$0x2000] =	vst v14;
	v14 =	vor.u32 $0x1E, v0;
	v8 =	vld.idx.msk [tilespmem:v11+s20+$0x0], $0xffff  }
.LBB2_14:
0x3ef: {  	[tilespmem:$0x1F830] =	vst v44  }
0x3f0: {  	[tilespmem:$0x1F950] =	vst v37  }
0x3f1: {  	[tilespmem:$0x1F900] =	vst v31  }
0x3f2: {  	[tilespmem:$0x1F990] =	vst v28  }
0x3f3: {  	[tilespmem:$0x1F9A0] =	vst v30  }
0x3f4: {  	[tilespmem:$0x1F9F0] =	vst v33  }
0x3f5: {  	[tilespmem:$0x1FA00] =	vst v26  }
0x3f6: {  	[tilespmem:$0x1FA50] =	vst v29  }
0x3f7: {  	[tilespmem:$0x1FA40] =	vst v27  }
0x3f8: {  	[tilespmem:$0x1FB10] =	vst v19  }
0x3f9: {  	[tilespmem:$0x1FA60] =	vst v18  }
0x3fa: {  	[tilespmem:$0x1FB50] =	vst v16  }
0x3fb: {  	[tilespmem:$0x1FAC0] =	vst v22  }
0x3fc: {  	[tilespmem:$0x1FBA0] =	vst v13  }
0x3fd: {  	[tilespmem:$0x1FB30] =	vst v20  }
0x3fe: {  	[tilespmem:$0x1FBC0] =	vst v14  }
0x3ff: {  	[tilespmem:$0x1FBE0] =	vst v10  }
0x400: {  	[tilespmem:s25+$0x2000] =	vst v6  }
0x401: {  	v14 =	vmov v49;
	[tilespmem:s19+$0x3380] =	vst v2  }
0x402: {  	s5 =	sadd.s32 $0xFFFFFFD0, s1;
	[tilespmem:$0x1F870] =	vst v14  }
0x403: {  	s16 =	sand.u32 $0x40, s5;
	v4 =	vmov s5;
	s5 =	sadd.s32 $0xFFFFFFE0, s1;
	v9 =	vld.idx.msk [tilespmem:v51+s20+$0x0], $0xffff;
	[tilespmem:s2+$0x3300] =	vst v5  }
0x404: {  	v10 =	vor.u32 $0x12, v63;
	v11 =	vld.idx.msk [tilespmem:v56+s20+$0x0], $0xffff;
	v5 =	vmov s5;
	[tilespmem:s22+$0x3300] =	vst v1  }
0x405: {  	s19 =	smov.u32 s29;
	[tilespmem:s23+$0x2080] =	vst v7;
	v13 =	vshll.u32 v5, $0x5  }
0x406: {  	s14 =	sadd.s32 $0xFFFFFFF0, s1;
	v1 =	vmov v55;
	[tilespmem:s19+$0x2080] =	vst v8;
	v49 =	vor.u32 v23, v13  }
0x407: {  	v6 =	vmov s14;
	v12 =	vld.idx.msk [tilespmem:v24+s20+$0x0], $0xffff;
	[tilespmem:$0x1F860] =	vst v1;
	v1 =	vor.u32 $0x6, v49  }
0x408: {  	v6 =	vshll.u32 v6, $0x5;
	v5 =	vld.idx.msk [tilespmem:v25+s20+$0x0], $0xffff;
	[tilespmem:$0x1F840] =	vst v1  }
0x409: {  	v51 =	vor.u32 v23, v6;
	v7 =	vld.idx.msk [tilespmem:v10+s20+$0x0], $0xffff;
	[tilespmem:s24+$0x2080] =	vst v9  }
0x40a: {  	v4 =	vshll.u32 v4, $0x5;
	v1 =	vor.u32 $0x7, v49;
	[tilespmem:s25+$0x2080] =	vst v11  }
0x40b: {  	v4 =	vor.u32 v23, v4;
	v8 =	vld.idx.msk [tilespmem:v54+s20+$0x0], $0xffff;
	[tilespmem:$0x1F850] =	vst v1  }
0x40c: {  	v29 =	vld.idx.msk [tilespmem:v50+s20+$0x0], $0xffff;
	[tilespmem:s2+$0x3380] =	vst v12  }
0x40d: {  	[tilespmem:s22+$0x3380] =	vst v5  }
0x40e: {  	v30 =	vld.idx.msk [tilespmem:v51+s20+$0x0], $0xffff;
	v1 =	vor.u32 $0x8, v4;
	[tilespmem:s23+$0x2100] =	vst v7  }
0x40f: {  	v0 =	vmov s1;
	[tilespmem:$0x1F880] =	vst v1  }
0x410: {  	v0 =	vshll.u32 v0, $0x5;
	v14 =	vor.u32 $0x13, v63;
	v12 =	vld.idx.msk [tilespmem:v4+s20+$0x0], $0xffff;
	v1 =	vor.u32 $0x8, v49;
	[tilespmem:s19+$0x2100] =	vst v8  }
0x411: {  	s30 =	sadd.s32 $0x200, s30;
	v0 =	vor.u32 v23, v0;
	[tilespmem:$0x1F890] =	vst v1;
	v1 =	vor.u32 $0x9, v4  }
0x412: {  	s22 =	smov.u32 s25;
	s25 =	sand.u32 $0xC00, s30;
	[tilespmem:$0x1F8C0] =	vst v1;
	v1 =	vor.u32 $0x9, v49  }
0x413: {  	s14 =	sand.u32 $0x60, s14;
	s25 =	sadd.s32 $0x12800, s25;
	[tilespmem:$0x1F8D0] =	vst v1;
	v1 =	vor.u32 $0x8, v0  }
0x414: {  	v31 =	vld.idx.msk [tilespmem:v49+s20+$0x0], $0xffff;
	s14 =	sor.u32 s14, s25;
	[tilespmem:$0x1F8A0] =	vst v1  }
0x415: {  	s2 =	smov.u32 s24;
	v62 =	vld.idx.msk [tilespmem:v14+s20+$0x0], $0xffff;
	[tilespmem:s14+$0x0] =	vst v30  }
0x416: {  	v61 =	vld.idx.msk [tilespmem:v0+s20+$0x0], $0xffff;
	v1 =	vor.u32 $0xA, v4;
	[tilespmem:s2+$0x2100] =	vst v29  }
0x417: {  	v60 =	vor.u32 $0x1, v51;
	s29 =	sor.u32 s16, s25;
	[tilespmem:$0x1F910] =	vst v1  }
0x418: {  	s7 =	sand.u32 $0x50, s5;
	v30 =	vld.idx.msk [tilespmem:v47+s20+$0x0], $0xffff;
	v1 =	vor.u32 $0x9, v0;
	[tilespmem:s29+$0x0] =	vst v12  }
0x419: {  	s5 =	sand.u32 $0x70, s1;
	s24 =	sor.u32 s7, s25;
	[tilespmem:$0x1F8E0] =	vst v1  }
0x41a: {  	s25 =	sor.u32 s5, s25;
	[tilespmem:s24+$0x0] =	vst v31  }
0x41b: {  	v15 =	vor.u32 $0x1, v4;
	v29 =	vld.idx.msk [tilespmem:v52+s20+$0x0], $0xffff;
	[tilespmem:s25+$0x0] =	vst v61  }
0x41c: {  	v20 =	vor.u32 $0x1, v49;
	v12 =	vld.idx.msk [tilespmem:v60+s20+$0x0], $0xffff;
	v1 =	vor.u32 $0xB, v4;
	[tilespmem:s23+$0x2180] =	vst v62  }
0x41d: {  	v22 =	vor.u32 $0x1, v0;
	[tilespmem:$0x1F960] =	vst v1;
	v1 =	vor.u32 $0xA, v49  }
0x41e: {  	v37 =	vor.u32 $0x14, v63;
	[tilespmem:$0x1F920] =	vst v1;
	v1 =	vor.u32 $0xA, v0  }
0x41f: {  	[tilespmem:$0x1F930] =	vst v1  }
0x420: {  	v15 =	vld.idx.msk [tilespmem:v15+s20+$0x0], $0xffff;
	v1 =	vor.u32 $0xC, v4;
	[tilespmem:s19+$0x2180] =	vst v30  }
0x421: {  	v20 =	vld.idx.msk [tilespmem:v20+s20+$0x0], $0xffff;
	[tilespmem:$0x1F9C0] =	vst v1  }
0x422: {  	v22 =	vld.idx.msk [tilespmem:v22+s20+$0x0], $0xffff;
	[tilespmem:s22+$0x2100] =	vst v29  }
0x423: {  	v47 =	vld.idx.msk [tilespmem:v37+s20+$0x0], $0xffff;
	v1 =	vor.u32 $0xB, v49;
	[tilespmem:s14+$0x80] =	vst v12  }
0x424: {  	v31 =	vor.u32 $0x2, v51;
	[tilespmem:$0x1F970] =	vst v1  }
0x425: {  	v1 =	vor.u32 $0xB, v0;
	[tilespmem:s29+$0x80] =	vst v15  }
0x426: {  	[tilespmem:$0x1F980] =	vst v1  }
0x427: {  	v18 =	vor.u32 $0x2, v4;
	v29 =	vld.idx.msk [tilespmem:v46+s20+$0x0], $0xffff;
	[tilespmem:s24+$0x80] =	vst v20  }
0x428: {  	v26 =	vor.u32 $0x2, v49;
	v30 =	vld.idx.msk [tilespmem:v45+s20+$0x0], $0xffff;
	[tilespmem:s25+$0x80] =	vst v22  }
0x429: {  	v15 =	vld.idx.msk [tilespmem:v31+s20+$0x0], $0xffff;
	v1 =	vor.u32 $0xC, v49;
	[tilespmem:s23+$0x2200] =	vst v47  }
0x42a: {  	v27 =	vor.u32 $0x2, v0;
	[tilespmem:$0x1F9D0] =	vst v1;
	v1 =	vor.u32 $0xC, v0  }
0x42b: {  	v12 =	vor.u32 $0x15, v63;
	[tilespmem:$0x1F9E0] =	vst v1;
	v1 =	vor.u32 $0xD, v4  }
0x42c: {  	v18 =	vld.idx.msk [tilespmem:v18+s20+$0x0], $0xffff;
	[tilespmem:$0x1FA10] =	vst v1  }
0x42d: {  	v20 =	vld.idx.msk [tilespmem:v26+s20+$0x0], $0xffff;
	v1 =	vor.u32 $0xD, v49;
	[tilespmem:s2+$0x2180] =	vst v29  }
0x42e: {  	[tilespmem:$0x1FA20] =	vst v1  }
0x42f: {  	v27 =	vld.idx.msk [tilespmem:v27+s20+$0x0], $0xffff;
	[tilespmem:s22+$0x2180] =	vst v30  }
0x430: {  	v12 =	vld.idx.msk [tilespmem:v12+s20+$0x0], $0xffff;
	v1 =	vor.u32 $0xD, v0;
	[tilespmem:s14+$0x100] =	vst v15  }
0x431: {  	v10 =	vor.u32 $0x3, v4;
	v48 =	vld.idx.msk [tilespmem:v41+s20+$0x0], $0xffff;
	[tilespmem:$0x1FA30] =	vst v1  }
0x432: {  	v1 =	vor.u32 $0xE, v4;
	[tilespmem:s29+$0x100] =	vst v18  }
0x433: {  	[tilespmem:$0x1FA70] =	vst v1  }
0x434: {  	v26 =	vor.u32 $0x3, v51;
	v60 =	vld.idx.msk [tilespmem:v3+s20+$0x0], $0xffff;
	[tilespmem:s24+$0x100] =	vst v20  }
0x435: {  	[tilespmem:s25+$0x100] =	vst v27  }
0x436: {  	v9 =	vor.u32 $0x3, v49;
	v1 =	vor.u32 $0xE, v49;
	v52 =	vld.idx.msk [tilespmem:v10+s20+$0x0], $0xffff;
	[tilespmem:s19+$0x2200] =	vst v48  }
0x437: {  	[tilespmem:$0x1FA80] =	vst v1;
	v1 =	vor.u32 $0xE, v0  }
0x438: {  	[tilespmem:$0x1FA90] =	vst v1  }
0x439: {  	v61 =	vor.u32 $0x16, v63;
	v62 =	vld.idx.msk [tilespmem:v26+s20+$0x0], $0xffff;
	v1 =	vor.u32 $0xF, v4;
	[tilespmem:s23+$0x2280] =	vst v12  }
0x43a: {  	[tilespmem:$0x1FAE0] =	vst v1  }
0x43b: {  	v54 =	vld.idx.msk [tilespmem:v9+s20+$0x0], $0xffff;
	v1 =	vor.u32 $0xF, v49;
	[tilespmem:s2+$0x2200] =	vst v60  }
0x43c: {  	[tilespmem:$0x1FAF0] =	vst v1;
	v1 =	vor.u32 $0xF, v0  }
0x43d: {  	[tilespmem:$0x1FB00] =	vst v1  }
0x43e: {  	v2 =	vmov v57;
	v57 =	vld.idx.msk [tilespmem:v61+s20+$0x0], $0xffff;
	[tilespmem:s14+$0x180] =	vst v62  }
0x43f: {  	v13 =	vmov v42;
	v42 =	vld.idx.msk [tilespmem:v58+s20+$0x0], $0xffff;
	v1 =	vor.u32 $0x10, v4;
	[tilespmem:s29+$0x180] =	vst v52  }
0x440: {  	[tilespmem:$0x1FB70] =	vst v1;
	v1 =	vor.u32 $0x10, v49  }
0x441: {  	[tilespmem:$0x1FB80] =	vst v1;
	v1 =	vor.u32 $0x11, v4  }
0x442: {  	v50 =	vor.u32 $0x4, v4;
	[tilespmem:$0x1FBF0] =	vst v1;
	v1 =	vor.u32 $0x11, v49  }
0x443: {  	v6 =	vor.u32 $0x3, v0;
	[tilespmem:$0x1F9B0] =	vst v1;
	v1 =	vor.u32 $0x10, v0  }
0x444: {  	[tilespmem:$0x1FB90] =	vst v1;
	v1 =	vor.u32 $0x12, v4  }
0x445: {  	[tilespmem:$0x1FBB0] =	vst v1;
	v1 =	vor.u32 $0x12, v49  }
0x446: {  	[tilespmem:$0x1FBD0] =	vst v1;
	v1 =	vor.u32 $0x11, v0  }
0x447: {  	v44 =	vor.u32 $0x4, v49;
	v58 =	vld.idx.msk [tilespmem:v50+s20+$0x0], $0xffff;
	[tilespmem:$0x1FB60] =	vst v1;
	v1 =	vor.u32 $0x12, v0  }
0x448: {  	v28 =	vor.u32 $0x4, v0;
	v25 =	vor.u32 $0x5, v4;
	v24 =	vor.u32 $0x5, v0;
	v55 =	vld.idx.msk [tilespmem:v6+s20+$0x0], $0xffff;
	[tilespmem:s24+$0x180] =	vst v54  }
0x449: {  	v16 =	vor.u32 $0x6, v0;
	v22 =	vor.u32 $0x14, v4;
	v41 =	vor.u32 $0x4, v51;
	[tilespmem:s19+$0x2280] =	vst v42  }
0x44a: {  	v19 =	vor.u32 $0x7, v0;
	v56 =	vor.u32 $0x14, v0;
	v33 =	vor.u32 $0x17, v0;
	[tilespmem:$0x1FB20] =	vst v1;
	v1 =	vmovc v22  }
0x44b: {  	v8 =	vor.u32 $0x13, v0;
	v7 =	vmovc v53;
	v53 =	vor.u32 $0x15, v4;
	v6 =	vld.idx.msk [tilespmem:v59+s20+$0x0], $0xffff;
	[tilespmem:$0x1FB40] =	vst v1;
	v1 =	vor.u32 $0x1C, v49  }
0x44c: {  	v37 =	vor.u32 $0x15, v0;
	v46 =	vmovc v39;
	v39 =	vor.u32 $0x16, v0;
	v31 =	vor.u32 $0x14, v49;
	v59 =	vld.idx.msk [tilespmem:v44+s20+$0x0], $0xffff;
	[tilespmem:s29+$0x200] =	vst v58  }
0x44d: {  	v30 =	vor.u32 $0x18, v0;
	v18 =	vor.u32 $0x1A, v0;
	v48 =	vmovc v43;
	v43 =	vor.u32 $0x17, v63;
	[tilespmem:s25+$0x180] =	vst v55;
	v25 =	vld.idx.msk [tilespmem:v25+s20+$0x0], $0xffff  }
0x44e: {  	v3 =	vmovc v56;
	v27 =	vor.u32 $0x19, v0;
	v12 =	vor.u32 $0x1B, v0;
	v62 =	vor.u32 $0x1C, v0;
	[tilespmem:$0x1FAB0] =	vst v1;
	v1 =	vmovc v53;
	v53 =	vld.idx.msk [tilespmem:v41+s20+$0x0], $0xffff  }
0x44f: {  	v50 =	vor.u32 $0x1E, v0;
	v55 =	vor.u32 $0x1F, v0;
	v41 =	vor.u32 $0x1D, v0;
	v0 =	vld.idx.msk [tilespmem:v28+s20+$0x0], $0xffff;
	[tilespmem:s23+$0x2300] =	vst v57  }
0x450: {  	v23 =	vor.u32 $0x5, v49;
	v5 =	vmov v31;
	[tilespmem:s22+$0x2200] =	vst v6;
	v6 =	vld.idx.msk [tilespmem:v2+s20+$0x0], $0xffff  }
0x451: {  	v44 =	vor.u32 $0x5, v51;
	[tilespmem:s24+$0x200] =	vst v59;
	v59 =	vmov v3;
	v3 =	vmov v5;
	v5 =	vld [tilespmem:$0x1F880]  }
0x452: {  	v28 =	vld.idx.msk [tilespmem:v43+s20+$0x0], $0xffff  }
0x453: {  	v29 =	vmov v36;
	v36 =	vor.u32 $0x15, v49;
	v58 =	vmov v1;
	v1 =	vld [tilespmem:$0x1F830]  }
0x454: {  	[tilespmem:$0x1FAA0] =	vst v21;
	v57 =	vmov v36;
	v36 =	vor.u32 $0x18, v63;
	v42 =	vld.idx.msk [tilespmem:v7+s20+$0x0], $0xffff  }
0x455: {  	v21 =	vor.u32 $0x6, v4;
	v2 =	vld.idx.msk [tilespmem:v23+s20+$0x0], $0xffff;
	[tilespmem:s14+$0x200] =	vst v53  }
0x456: {  	v53 =	vmov v37;
	[tilespmem:s25+$0x200] =	vst v0;
	v37 =	vld.idx.msk [tilespmem:v44+s20+$0x0], $0xffff  }
0x457: {  	[tilespmem:s2+$0x2280] =	vst v6;
	v0 =	vld.idx.msk [tilespmem:v24+s20+$0x0], $0xffff  }
0x458: {  	v43 =	vor.u32 $0x6, v51;
	[tilespmem:s23+$0x2380] =	vst v28;
	v24 =	vld.idx.msk [tilespmem:v13+s20+$0x0], $0xffff  }
0x459: {  	[tilespmem:s29+$0x280] =	vst v25;
	v6 =	vld.idx.msk [tilespmem:v36+s20+$0x0], $0xffff  }
0x45a: {  	[tilespmem:$0x1FAD0] =	vst v17;
	v45 =	vmov v38;
	v21 =	vld.idx.msk [tilespmem:v21+s20+$0x0], $0xffff  }
0x45b: {  	v17 =	vor.u32 $0x7, v4;
	[tilespmem:s22+$0x2280] =	vst v42;
	v28 =	vld.idx.msk [tilespmem:v1+s20+$0x0], $0xffff  }
0x45c: {  	v1 =	vld [tilespmem:$0x1F840];
	[tilespmem:s14+$0x280] =	vst v37  }
0x45d: {  	v37 =	vor.u32 $0x19, v63;
	[tilespmem:s25+$0x280] =	vst v0;
	v25 =	vld.idx.msk [tilespmem:v43+s20+$0x0], $0xffff  }
0x45e: {  	[tilespmem:s19+$0x2300] =	vst v24;
	v0 =	vld.idx.msk [tilespmem:v16+s20+$0x0], $0xffff  }
0x45f: {  	v24 =	vld.idx.msk [tilespmem:v45+s20+$0x0], $0xffff;
	[tilespmem:s29+$0x300] =	vst v21  }
0x460: {  	[tilespmem:s24+$0x280] =	vst v2;
	v17 =	vld.idx.msk [tilespmem:v17+s20+$0x0], $0xffff  }
0x461: {  	[tilespmem:s23+$0x3000] =	vst v6  }
0x462: {  	v6 =	vld.idx.msk [tilespmem:v37+s20+$0x0], $0xffff;
	[tilespmem:s14+$0x300] =	vst v25  }
0x463: {  	v2 =	vor.u32 $0x7, v51;
	v23 =	vld.idx.msk [tilespmem:v48+s20+$0x0], $0xffff;
	[tilespmem:s25+$0x300] =	vst v0  }
0x464: {  	v1 =	vld.idx.msk [tilespmem:v1+s20+$0x0], $0xffff;
	[tilespmem:s19+$0x2380] =	vst v24  }
0x465: {  	v25 =	vor.u32 $0x1A, v63;
	v0 =	vld.idx.msk [tilespmem:v19+s20+$0x0], $0xffff;
	[tilespmem:s29+$0x380] =	vst v17  }
0x466: {  	[tilespmem:$0x1F8B0] =	vst v34;
	v47 =	vmov v40;
	v13 =	vld.idx.msk [tilespmem:v5+s20+$0x0], $0xffff  }
0x467: {  	v5 =	vld [tilespmem:$0x1F8B0]  }
0x468: {  	v2 =	vld.idx.msk [tilespmem:v2+s20+$0x0], $0xffff;
	[tilespmem:s23+$0x3080] =	vst v6  }
0x469: {  	v16 =	vor.u32 $0x8, v51;
	[tilespmem:s24+$0x300] =	vst v1;
	v1 =	vld [tilespmem:$0x1F850]  }
0x46a: {  	[tilespmem:s22+$0x2300] =	vst v23;
	v6 =	vld.idx.msk [tilespmem:v25+s20+$0x0], $0xffff  }
0x46b: {  	v21 =	vld.idx.msk [tilespmem:v47+s20+$0x0], $0xffff  }
0x46c: {  	[tilespmem:s25+$0x380] =	vst v0;
	v0 =	vld [tilespmem:$0x1F8A0]  }
0x46d: {  	[tilespmem:s14+$0x380] =	vst v2  }
0x46e: {  	v16 =	vld.idx.msk [tilespmem:v16+s20+$0x0], $0xffff  }
0x46f: {  	[tilespmem:s23+$0x3100] =	vst v6;
	v6 =	vld.idx.msk [tilespmem:v5+s20+$0x0], $0xffff  }
0x470: {  	v11 =	vor.u32 $0x13, v49;
	[tilespmem:s2+$0x2300] =	vst v28;
	v2 =	vor.u32 $0x1B, v63;
	v5 =	vld [tilespmem:$0x1F8C0]  }
0x471: {  	v19 =	vld.idx.msk [tilespmem:v46+s20+$0x0], $0xffff;
	v46 =	vmov v11;
	v11 =	vor.u32 $0x9, v51  }
0x472: {  	v1 =	vld.idx.msk [tilespmem:v1+s20+$0x0], $0xffff  }
0x473: {  	v45 =	vmov v8;
	v8 =	vld [tilespmem:$0x1F900]  }
0x474: {  	v0 =	vld.idx.msk [tilespmem:v0+s20+$0x0], $0xffff  }
0x475: {  	v2 =	vld.idx.msk [tilespmem:v2+s20+$0x0], $0xffff;
	[tilespmem:s14+$0x1000] =	vst v16  }
0x476: {  	[tilespmem:s29+$0x1000] =	vst v13;
	v16 =	vor.u32 $0x1C, v63;
	v11 =	vld.idx.msk [tilespmem:v11+s20+$0x0], $0xffff  }
0x477: {  	[tilespmem:s24+$0x380] =	vst v1;
	v1 =	vld [tilespmem:$0x1F890]  }
0x478: {  	v5 =	vld.idx.msk [tilespmem:v5+s20+$0x0], $0xffff  }
0x479: {  	v7 =	vor.u32 $0xA, v51;
	[tilespmem:s25+$0x1000] =	vst v0;
	v0 =	vld [tilespmem:$0x1F8E0]  }
0x47a: {  	[tilespmem:s23+$0x3180] =	vst v2  }
0x47b: {  	[tilespmem:$0x1F8F0] =	vst v35;
	v2 =	vld.idx.msk [tilespmem:v16+s20+$0x0], $0xffff  }
0x47c: {  	[tilespmem:s19+$0x3000] =	vst v6;
	v6 =	vld [tilespmem:$0x1F8F0]  }
0x47d: {  	[tilespmem:s14+$0x1080] =	vst v11;
	v8 =	vld.idx.msk [tilespmem:v8+s20+$0x0], $0xffff  }
0x47e: {  	[tilespmem:s29+$0x1080] =	vst v5;
	v5 =	vld.idx.msk [tilespmem:v7+s20+$0x0], $0xffff  }
0x47f: {  	v1 =	vld.idx.msk [tilespmem:v1+s20+$0x0], $0xffff  }
0x480: {  	[tilespmem:s22+$0x2380] =	vst v21;
	v7 =	vld [tilespmem:$0x1F910]  }
0x481: {  	v0 =	vld.idx.msk [tilespmem:v0+s20+$0x0], $0xffff  }
0x482: {  	v14 =	vor.u32 $0x13, v4;
	[tilespmem:s2+$0x2380] =	vst v19  }
0x483: {  	v47 =	vmov v14;
	v14 =	vld.idx.msk [tilespmem:v29+s20+$0x0], $0xffff  }
0x484: {  	[tilespmem:s24+$0x1000] =	vst v1;
	v1 =	vld [tilespmem:$0x1F8D0]  }
0x485: {  	v6 =	vld.idx.msk [tilespmem:v6+s20+$0x0], $0xffff  }
0x486: {  	[tilespmem:s25+$0x1080] =	vst v0;
	v0 =	vld [tilespmem:$0x1F930];
	_ =	sdelay $0x2  }
0x487: {  	v7 =	vld.idx.msk [tilespmem:v7+s20+$0x0], $0xffff  }
0x488: {  	v11 =	vor.u32 $0x1D, v63;
	[tilespmem:s19+$0x3080] =	vst v8;
	v8 =	vld [tilespmem:$0x1F950];
	_ =	sdelay $0x1  }
0x489: {  	v1 =	vld.idx.msk [tilespmem:v1+s20+$0x0], $0xffff  }
0x48a: {  	v31 =	vor.u32 $0x18, v49  }
0x48b: {  	[tilespmem:s23+$0x3200] =	vst v2;
	v0 =	vld.idx.msk [tilespmem:v0+s20+$0x0], $0xffff  }
0x48c: {  	v10 =	vor.u32 $0x19, v4;
	v13 =	vor.u32 $0xB, v51;
	v2 =	vld.idx.msk [tilespmem:v11+s20+$0x0], $0xffff;
	[tilespmem:s14+$0x1100] =	vst v5  }
0x48d: {  	v36 =	vmov v31;
	v31 =	vmov v10;
	v10 =	vld [tilespmem:$0x1F960];
	[tilespmem:s22+$0x3000] =	vst v6  }
0x48e: {  	v5 =	vor.u32 $0x1E, v63;
	[tilespmem:s24+$0x1080] =	vst v1;
	v1 =	vld [tilespmem:$0x1F920]  }
0x48f: {  	[tilespmem:$0x1F940] =	vst v32;
	v8 =	vld.idx.msk [tilespmem:v8+s20+$0x0], $0xffff  }
0x490: {  	[tilespmem:s25+$0x1100] =	vst v0;
	v0 =	vld [tilespmem:$0x1F980]  }
0x491: {  	[tilespmem:s29+$0x1100] =	vst v7;
	v7 =	vld.idx.msk [tilespmem:v13+s20+$0x0], $0xffff  }
0x492: {  	[tilespmem:s23+$0x3280] =	vst v2;
	v6 =	vld [tilespmem:$0x1F940]  }
0x493: {  	v2 =	vld.idx.msk [tilespmem:v5+s20+$0x0], $0xffff  }
0x494: {  	v5 =	vld [tilespmem:$0x1F990]  }
0x495: {  	v11 =	vld.idx.msk [tilespmem:v10+s20+$0x0], $0xffff;
	[tilespmem:s2+$0x3000] =	vst v14  }
0x496: {  	v1 =	vld.idx.msk [tilespmem:v1+s20+$0x0], $0xffff  }
0x497: {  	v10 =	vld [tilespmem:$0x1F9C0]  }
0x498: {  	v0 =	vld.idx.msk [tilespmem:v0+s20+$0x0], $0xffff;
	_ =	sdelay $0x1  }
0x499: {  	v6 =	vld.idx.msk [tilespmem:v6+s20+$0x0], $0xffff  }
0x49a: {  	[tilespmem:s24+$0x1100] =	vst v1;
	v1 =	vld [tilespmem:$0x1F970]  }
0x49b: {  	v5 =	vld.idx.msk [tilespmem:v5+s20+$0x0], $0xffff  }
0x49c: {  	[tilespmem:s25+$0x1180] =	vst v0;
	v0 =	vld [tilespmem:$0x1F9E0];
	_ =	sdelay $0x1  }
0x49d: {  	[tilespmem:s29+$0x1180] =	vst v11  }
0x49e: {  	v11 =	vld.idx.msk [tilespmem:v10+s20+$0x0], $0xffff  }
0x49f: {  	[tilespmem:s19+$0x3100] =	vst v5;
	v5 =	vld [tilespmem:$0x1F9F0];
	_ =	sdelay $0x1  }
0x4a0: {  	[tilespmem:s22+$0x3080] =	vst v8;
	v1 =	vld.idx.msk [tilespmem:v1+s20+$0x0], $0xffff  }
0x4a1: {  	[tilespmem:s2+$0x3080] =	vst v6;
	v6 =	vld [tilespmem:$0x1F9A0]  }
0x4a2: {  	v0 =	vld.idx.msk [tilespmem:v0+s20+$0x0], $0xffff;
	_ =	sdelay $0x3  }
0x4a3: {  	v5 =	vld.idx.msk [tilespmem:v5+s20+$0x0], $0xffff  }
0x4a4: {  	[tilespmem:s25+$0x1200] =	vst v0;
	v0 =	vld [tilespmem:$0x1FA30];
	_ =	sdelay $0x1  }
0x4a5: {  	v13 =	vor.u32 $0xC, v51;
	v6 =	vld.idx.msk [tilespmem:v6+s20+$0x0], $0xffff  }
0x4a6: {  	[tilespmem:s24+$0x1180] =	vst v1;
	v1 =	vld [tilespmem:$0x1F9D0];
	_ =	sdelay $0x2  }
0x4a7: {  	[tilespmem:s14+$0x1180] =	vst v7  }
0x4a8: {  	v8 =	vld.idx.msk [tilespmem:v13+s20+$0x0], $0xffff  }
0x4a9: {  	v7 =	vor.u32 $0x1F, v63;
	v0 =	vld.idx.msk [tilespmem:v0+s20+$0x0], $0xffff  }
0x4aa: {  	[tilespmem:s22+$0x3100] =	vst v5;
	v5 =	vld [tilespmem:$0x1FA50];
	_ =	sdelay $0x1  }
0x4ab: {  	v1 =	vld.idx.msk [tilespmem:v1+s20+$0x0], $0xffff  }
0x4ac: {  	[tilespmem:s23+$0x3300] =	vst v2  }
0x4ad: {  	v2 =	vld.idx.msk [tilespmem:v7+s20+$0x0], $0xffff  }
0x4ae: {  	v63 =	vmov v51;
	[tilespmem:s14+$0x1200] =	vst v8;
	v8 =	vld [tilespmem:$0x1FA10]  }
0x4af: {  	v13 =	vor.u32 $0xD, v63;
	[tilespmem:s2+$0x3100] =	vst v6;
	v6 =	vld [tilespmem:$0x1FA00]  }
0x4b0: {  	[tilespmem:s24+$0x1200] =	vst v1;
	v1 =	vld [tilespmem:$0x1FA20]  }
0x4b1: {  	v5 =	vld.idx.msk [tilespmem:v5+s20+$0x0], $0xffff  }
0x4b2: {  	[tilespmem:s25+$0x1280] =	vst v0;
	v0 =	vld [tilespmem:$0x1FA90];
	_ =	sdelay $0x1  }
0x4b3: {  	v7 =	vld.idx.msk [tilespmem:v13+s20+$0x0], $0xffff  }
0x4b4: {  	[tilespmem:s23+$0x3380] =	vst v2;
	v2 =	vld [tilespmem:$0x1FA40];
	_ =	sdelay $0x1  }
0x4b5: {  	v6 =	vld.idx.msk [tilespmem:v6+s20+$0x0], $0xffff;
	[tilespmem:s29+$0x1200] =	vst v11  }
0x4b6: {  	v8 =	vld.idx.msk [tilespmem:v8+s20+$0x0], $0xffff  }
0x4b7: {  	v1 =	vld.idx.msk [tilespmem:v1+s20+$0x0], $0xffff  }
0x4b8: {  	v0 =	vld.idx.msk [tilespmem:v0+s20+$0x0], $0xffff  }
0x4b9: {  	[tilespmem:s22+$0x3180] =	vst v5;
	v5 =	vld [tilespmem:$0x1FAB0]  }
0x4ba: {  	[tilespmem:s19+$0x3180] =	vst v6;
	v6 =	vld [tilespmem:$0x1FA60]  }
0x4bb: {  	v2 =	vld.idx.msk [tilespmem:v2+s20+$0x0], $0xffff  }
0x4bc: {  	[tilespmem:s24+$0x1280] =	vst v1;
	v1 =	vld [tilespmem:$0x1FA80];
	_ =	sdelay $0x1  }
0x4bd: {  	v21 =	vmov v5;
	v5 =	vld [tilespmem:$0x1FAC0];
	_ =	sdelay $0x3  }
0x4be: {  	v6 =	vld.idx.msk [tilespmem:v6+s20+$0x0], $0xffff  }
0x4bf: {  	[tilespmem:s29+$0x1280] =	vst v8;
	v8 =	vld [tilespmem:$0x1FA70]  }
0x4c0: {  	v1 =	vld.idx.msk [tilespmem:v1+s20+$0x0], $0xffff  }
0x4c1: {  	[tilespmem:s2+$0x3180] =	vst v2;
	v2 =	vld [tilespmem:$0x1FAA0]  }
0x4c2: {  	v5 =	vld.idx.msk [tilespmem:v5+s20+$0x0], $0xffff  }
0x4c3: {  	[tilespmem:s25+$0x1300] =	vst v0;
	v0 =	vld [tilespmem:$0x1FB00];
	_ =	sdelay $0x3  }
0x4c4: {  	v8 =	vld.idx.msk [tilespmem:v8+s20+$0x0], $0xffff  }
0x4c5: {  	[tilespmem:s19+$0x3200] =	vst v6;
	v6 =	vld [tilespmem:$0x1FAD0]  }
0x4c6: {  	v2 =	vld.idx.msk [tilespmem:v2+s20+$0x0], $0xffff  }
0x4c7: {  	v11 =	vor.u32 $0xE, v63;
	[tilespmem:s24+$0x1300] =	vst v1;
	v1 =	vld [tilespmem:$0x1FAF0]  }
0x4c8: {  	v0 =	vld.idx.msk [tilespmem:v0+s20+$0x0], $0xffff  }
0x4c9: {  	[tilespmem:s22+$0x3200] =	vst v5;
	v5 =	vld [tilespmem:$0x1FB30]  }
0x4ca: {  	s23 =	smov.u32 s14  }
0x4cb: {  	[tilespmem:s23+$0x1280] =	vst v7  }
0x4cc: {  	v7 =	vld.idx.msk [tilespmem:v11+s20+$0x0], $0xffff  }
0x4cd: {  	v6 =	vld.idx.msk [tilespmem:v6+s20+$0x0], $0xffff  }
0x4ce: {  	[tilespmem:s29+$0x1300] =	vst v8;
	v8 =	vld [tilespmem:$0x1FAE0]  }
0x4cf: {  	v9 =	vor.u32 $0x1B, v49;
	v1 =	vld.idx.msk [tilespmem:v1+s20+$0x0], $0xffff  }
0x4d0: {  	v37 =	vmov v27;
	v27 =	vmov v9;
	v9 =	vor.u32 $0xF, v63;
	[tilespmem:s2+$0x3200] =	vst v2;
	v2 =	vld [tilespmem:$0x1FB10]  }
0x4d1: {  	v10 =	vld.idx.msk [tilespmem:v5+s20+$0x0], $0xffff  }
0x4d2: {  	v5 =	vld [tilespmem:$0x1FB50]  }
0x4d3: {  	[tilespmem:s23+$0x1300] =	vst v7  }
0x4d4: {  	[tilespmem:s25+$0x1380] =	vst v0;
	v0 =	vld [tilespmem:$0x1FB90]  }
0x4d5: {  	v7 =	vld.idx.msk [tilespmem:v9+s20+$0x0], $0xffff;
	_ =	sdelay $0x1  }
0x4d6: {  	v8 =	vld.idx.msk [tilespmem:v8+s20+$0x0], $0xffff  }
0x4d7: {  	[tilespmem:s19+$0x3280] =	vst v6;
	v2 =	vld.idx.msk [tilespmem:v2+s20+$0x0], $0xffff  }
0x4d8: {  	[tilespmem:s24+$0x1380] =	vst v1;
	v1 =	vld [tilespmem:$0x1FB80]  }
0x4d9: {  	[tilespmem:s23+$0x1380] =	vst v7;
	v7 =	vld.idx.msk [tilespmem:v5+s20+$0x0], $0xffff  }
0x4da: {  	v5 =	vld [tilespmem:$0x1FB70]  }
0x4db: {  	v6 =	vld.idx.msk [tilespmem:v0+s20+$0x0], $0xffff  }
0x4dc: {  	v9 =	vor.u32 $0x10, v63;
	v0 =	vld [tilespmem:$0x1FBA0];
	_ =	sdelay $0x4  }
0x4dd: {  	[tilespmem:s29+$0x1380] =	vst v8;
	v8 =	vld.idx.msk [tilespmem:v9+s20+$0x0], $0xffff  }
0x4de: {  	v11 =	vld.idx.msk [tilespmem:v1+s20+$0x0], $0xffff  }
0x4df: {  	[tilespmem:s2+$0x3280] =	vst v2;
	v9 =	vld.idx.msk [tilespmem:v5+s20+$0x0], $0xffff  }
0x4e0: {  	v5 =	vld.idx.msk [tilespmem:v0+s20+$0x0], $0xffff  }
0x4e1: {  	v0 =	vld [tilespmem:$0x1FBC0];
	_ =	sdelay $0x6  }
0x4e2: {  	[tilespmem:s22+$0x3280] =	vst v10  }
0x4e3: {  	v1 =	vld.idx.msk [tilespmem:v0+s20+$0x0], $0xffff  }
0x4e4: {  	v0 =	vld [tilespmem:$0x1FBE0];
	_ =	sdelay $0x1  }
0x4e5: {  	v35 =	vor.u32 $0x16, v4;
	v20 =	vor.u32 $0x1A, v49;
	_ =	sdelay $0x2  }
0x4e6: {  	v42 =	vmovc v35;
	v35 =	vmov v30;
	v30 =	vmov v20;
	v20 =	vmov v41;
	v41 =	vld [tilespmem:$0x1FB40]  }
0x4e7: {  	v24 =	vld [tilespmem:$0x1F870]  }
0x4e8: {  	v23 =	vld [tilespmem:$0x1FFF0];
	[tilespmem:s19+$0x3300] =	vst v7  }
0x4e9: {  	v2 =	vld.idx.msk [tilespmem:v0+s20+$0x0], $0xffff  }
0x4ea: {  	v0 =	vld [tilespmem:$0x1FBF0]  }
0x4eb: {  	v32 =	vor.u32 $0x18, v4;
	v34 =	vor.u32 $0x17, v49;
	v56 =	vor.u32 $0x1E, v4;
	v25 =	vld [tilespmem:$0x1F860]  }
0x4ec: {  	s31 =	sadd.s32 $0x4, s31;
	v38 =	vor.u32 $0x16, v49;
	v52 =	vor.u32 $0x1D, v49;
	v16 =	vmovc v56;
	v56 =	vld [tilespmem:$0x1FB60];
	v29 =	vmovc v12;
	v12 =	vor.u32 $0x11, v63  }
0x4ed: {  	p0 =	slt.u32 s31, $0x1C;
	v40 =	vor.u32 $0x17, v4;
	v15 =	vor.u32 $0x1B, v4;
	v26 =	vor.u32 $0x19, v49;
	v19 =	vmovc v52;
	v52 =	vld [tilespmem:$0x1FB20]  }
.Ltmp9:
0x4ee: {  	v61 =	vor.u32 $0x1C, v4;
	v60 =	vor.u32 $0x1D, v4;
	v54 =	vor.u32 $0x1E, v49;
	v14 =	vmovc v50;
	v50 =	vld [tilespmem:$0x1FBD0];
	(pc) =	sbr.rel @p0 .LBB2_14-.Ltmp9, $4  }
0x4ef: {  	v22 =	vor.u32 $0x1A, v4;
	v4 =	vor.u32 $0x1F, v4;
	v49 =	vor.u32 $0x1F, v49;
	v51 =	vld [tilespmem:$0x1F9B0]  }
0x4f0: {  	v44 =	vmovc v38;
	v38 =	vmovc v40;
	v40 =	vmov v33;
	v33 =	vmov v18;
	v13 =	vmov v54;
	v54 =	vld [tilespmem:$0x1FBB0];
	[tilespmem:s23+$0x2000] =	vst v8  }
0x4f1: {  	v18 =	vmovc v61;
	v43 =	vmovc v39;
	v39 =	vmov v34;
	v34 =	vmov v32;
	v32 =	vmov v26;
	v7 =	vld.idx.msk [tilespmem:v12+s20+$0x0], $0xffff;
	[tilespmem:s29+$0x2000] =	vst v9  }
0x4f2: {  	s1 =	sadd.s32 $0x40, s1;
	v26 =	vmovc v15;
	v28 =	vmovc v22;
	v22 =	vmov v62;
	v17 =	vmov v60;
	v10 =	vmov v4;
	[tilespmem:s24+$0x2000] =	vst v11;
	v8 =	vld.idx.msk [tilespmem:v0+s20+$0x0], $0xffff  }
0x4f3: {  	_ =	sdelay $0x3  }
0x4f4: {  	v0 =	vor.u32 $0x12, v63  }
0x4f5: {  	[tilespmem:s25+$0x2000] =	vst v6;
	v4 =	vld.idx.msk [tilespmem:v51+s20+$0x0], $0xffff  }
0x4f6: {  	v6 =	vld.idx.msk [tilespmem:v56+s20+$0x0], $0xffff;
	_ =	sdelay $0x1  }
0x4f7: {  	[tilespmem:s23+$0x2080] =	vst v7  }
0x4f8: {  	[tilespmem:s29+$0x2080] =	vst v8;
	v0 =	vld.idx.msk [tilespmem:v0+s20+$0x0], $0xffff  }
0x4f9: {  	v56 =	vor.u32 $0x13, v63;
	v54 =	vld.idx.msk [tilespmem:v54+s20+$0x0], $0xffff;
	[tilespmem:s24+$0x2080] =	vst v4  }
0x4fa: {  	[tilespmem:s25+$0x2080] =	vst v6;
	v8 =	vld.idx.msk [tilespmem:v50+s20+$0x0], $0xffff  }
0x4fb: {  	v6 =	vld.idx.msk [tilespmem:v52+s20+$0x0], $0xffff;
	_ =	sdelay $0x1  }
0x4fc: {  	[tilespmem:s23+$0x2100] =	vst v0  }
0x4fd: {  	[tilespmem:s29+$0x2100] =	vst v54;
	v0 =	vld.idx.msk [tilespmem:v56+s20+$0x0], $0xffff  }
0x4fe: {  	v61 =	vor.u32 $0x14, v63;
	v60 =	vld.idx.msk [tilespmem:v47+s20+$0x0], $0xffff;
	[tilespmem:s24+$0x2100] =	vst v8  }
0x4ff: {  	[tilespmem:s25+$0x2100] =	vst v6;
	v62 =	vld.idx.msk [tilespmem:v46+s20+$0x0], $0xffff  }
0x500: {  	v8 =	vld.idx.msk [tilespmem:v45+s20+$0x0], $0xffff;
	_ =	sdelay $0x1  }
0x501: {  	[tilespmem:s23+$0x2180] =	vst v0  }
0x502: {  	[tilespmem:s29+$0x2180] =	vst v60;
	v0 =	vld.idx.msk [tilespmem:v61+s20+$0x0], $0xffff  }
0x503: {  	v12 =	vor.u32 $0x15, v63;
	v15 =	vld.idx.msk [tilespmem:v41+s20+$0x0], $0xffff;
	[tilespmem:s24+$0x2180] =	vst v62  }
0x504: {  	[tilespmem:s25+$0x2180] =	vst v8;
	v41 =	vld.idx.msk [tilespmem:v3+s20+$0x0], $0xffff  }
0x505: {  	v8 =	vld.idx.msk [tilespmem:v59+s20+$0x0], $0xffff;
	_ =	sdelay $0x1  }
0x506: {  	[tilespmem:s23+$0x2200] =	vst v0  }
0x507: {  	[tilespmem:s29+$0x2200] =	vst v15;
	v0 =	vld.idx.msk [tilespmem:v12+s20+$0x0], $0xffff  }
0x508: {  	v45 =	vor.u32 $0x16, v63;
	v6 =	vld.idx.msk [tilespmem:v58+s20+$0x0], $0xffff;
	[tilespmem:s24+$0x2200] =	vst v41  }
0x509: {  	[tilespmem:s25+$0x2200] =	vst v8;
	v7 =	vld.idx.msk [tilespmem:v57+s20+$0x0], $0xffff  }
0x50a: {  	v8 =	vld.idx.msk [tilespmem:v53+s20+$0x0], $0xffff;
	_ =	sdelay $0x1  }
0x50b: {  	[tilespmem:s23+$0x2280] =	vst v0  }
0x50c: {  	[tilespmem:s29+$0x2280] =	vst v6;
	v0 =	vld.idx.msk [tilespmem:v45+s20+$0x0], $0xffff  }
0x50d: {  	v46 =	vor.u32 $0x17, v63;
	v6 =	vld.idx.msk [tilespmem:v42+s20+$0x0], $0xffff;
	[tilespmem:s24+$0x2280] =	vst v7  }
0x50e: {  	[tilespmem:s25+$0x2280] =	vst v8;
	v7 =	vld.idx.msk [tilespmem:v44+s20+$0x0], $0xffff  }
0x50f: {  	v8 =	vld.idx.msk [tilespmem:v43+s20+$0x0], $0xffff;
	_ =	sdelay $0x1  }
0x510: {  	[tilespmem:s23+$0x2300] =	vst v0  }
0x511: {  	[tilespmem:s29+$0x2300] =	vst v6;
	v0 =	vld.idx.msk [tilespmem:v46+s20+$0x0], $0xffff  }
0x512: {  	v47 =	vor.u32 $0x18, v63;
	v6 =	vld.idx.msk [tilespmem:v38+s20+$0x0], $0xffff;
	[tilespmem:s24+$0x2300] =	vst v7  }
0x513: {  	[tilespmem:s25+$0x2300] =	vst v8;
	v7 =	vld.idx.msk [tilespmem:v39+s20+$0x0], $0xffff  }
0x514: {  	v8 =	vld.idx.msk [tilespmem:v40+s20+$0x0], $0xffff;
	_ =	sdelay $0x1  }
0x515: {  	[tilespmem:s23+$0x2380] =	vst v0  }
0x516: {  	[tilespmem:s29+$0x2380] =	vst v6;
	v0 =	vld.idx.msk [tilespmem:v47+s20+$0x0], $0xffff  }
0x517: {  	v48 =	vor.u32 $0x19, v63;
	v6 =	vld.idx.msk [tilespmem:v34+s20+$0x0], $0xffff;
	[tilespmem:s24+$0x2380] =	vst v7  }
0x518: {  	[tilespmem:s25+$0x2380] =	vst v8;
	v7 =	vld.idx.msk [tilespmem:v36+s20+$0x0], $0xffff  }
0x519: {  	v8 =	vld.idx.msk [tilespmem:v35+s20+$0x0], $0xffff;
	_ =	sdelay $0x1  }
0x51a: {  	[tilespmem:s23+$0x3000] =	vst v0  }
0x51b: {  	[tilespmem:s29+$0x3000] =	vst v6;
	v0 =	vld.idx.msk [tilespmem:v48+s20+$0x0], $0xffff  }
0x51c: {  	v50 =	vor.u32 $0x1A, v63;
	v6 =	vld.idx.msk [tilespmem:v31+s20+$0x0], $0xffff;
	[tilespmem:s24+$0x3000] =	vst v7  }
0x51d: {  	[tilespmem:s25+$0x3000] =	vst v8;
	v7 =	vld.idx.msk [tilespmem:v32+s20+$0x0], $0xffff  }
0x51e: {  	v8 =	vld.idx.msk [tilespmem:v37+s20+$0x0], $0xffff;
	_ =	sdelay $0x1  }
0x51f: {  	[tilespmem:s23+$0x3080] =	vst v0  }
0x520: {  	[tilespmem:s29+$0x3080] =	vst v6;
	v0 =	vld.idx.msk [tilespmem:v50+s20+$0x0], $0xffff  }
0x521: {  	v51 =	vor.u32 $0x1B, v63;
	v6 =	vld.idx.msk [tilespmem:v28+s20+$0x0], $0xffff;
	[tilespmem:s24+$0x3080] =	vst v7  }
0x522: {  	[tilespmem:s25+$0x3080] =	vst v8;
	v7 =	vld.idx.msk [tilespmem:v30+s20+$0x0], $0xffff  }
0x523: {  	v8 =	vld.idx.msk [tilespmem:v33+s20+$0x0], $0xffff;
	_ =	sdelay $0x1  }
0x524: {  	[tilespmem:s23+$0x3100] =	vst v0  }
0x525: {  	[tilespmem:s29+$0x3100] =	vst v6;
	v0 =	vld.idx.msk [tilespmem:v51+s20+$0x0], $0xffff  }
0x526: {  	v52 =	vor.u32 $0x1C, v63;
	v6 =	vld.idx.msk [tilespmem:v26+s20+$0x0], $0xffff;
	[tilespmem:s24+$0x3100] =	vst v7  }
0x527: {  	[tilespmem:s25+$0x3100] =	vst v8;
	v7 =	vld.idx.msk [tilespmem:v27+s20+$0x0], $0xffff  }
0x528: {  	v8 =	vld.idx.msk [tilespmem:v29+s20+$0x0], $0xffff;
	_ =	sdelay $0x1  }
0x529: {  	[tilespmem:s23+$0x3180] =	vst v0  }
0x52a: {  	[tilespmem:s29+$0x3180] =	vst v6;
	v0 =	vld.idx.msk [tilespmem:v52+s20+$0x0], $0xffff  }
0x52b: {  	v53 =	vor.u32 $0x1D, v63;
	v6 =	vld.idx.msk [tilespmem:v18+s20+$0x0], $0xffff;
	[tilespmem:s24+$0x3180] =	vst v7  }
0x52c: {  	[tilespmem:s25+$0x3180] =	vst v8;
	v7 =	vld.idx.msk [tilespmem:v21+s20+$0x0], $0xffff  }
0x52d: {  	v8 =	vld.idx.msk [tilespmem:v22+s20+$0x0], $0xffff;
	_ =	sdelay $0x1  }
0x52e: {  	[tilespmem:s23+$0x3200] =	vst v0  }
0x52f: {  	[tilespmem:s29+$0x3200] =	vst v6;
	v0 =	vld.idx.msk [tilespmem:v53+s20+$0x0], $0xffff  }
0x530: {  	v54 =	vor.u32 $0x1E, v63;
	v6 =	vld.idx.msk [tilespmem:v17+s20+$0x0], $0xffff;
	[tilespmem:s24+$0x3200] =	vst v7  }
0x531: {  	[tilespmem:s25+$0x3200] =	vst v8;
	v7 =	vld.idx.msk [tilespmem:v19+s20+$0x0], $0xffff  }
0x532: {  	v8 =	vld.idx.msk [tilespmem:v20+s20+$0x0], $0xffff  }
0x533: {  	[tilespmem:s2+$0x3300] =	vst v5  }
0x534: {  	[tilespmem:s23+$0x3280] =	vst v0  }
0x535: {  	[tilespmem:s29+$0x3280] =	vst v6;
	v0 =	vld.idx.msk [tilespmem:v54+s20+$0x0], $0xffff  }
0x536: {  	v56 =	vor.u32 $0x1F, v63;
	v57 =	vld.idx.msk [tilespmem:v16+s20+$0x0], $0xffff;
	[tilespmem:s24+$0x3280] =	vst v7  }
0x537: {  	[tilespmem:s25+$0x3280] =	vst v8;
	v58 =	vld.idx.msk [tilespmem:v13+s20+$0x0], $0xffff  }
0x538: {  	[tilespmem:s22+$0x3300] =	vst v1;
	v59 =	vld.idx.msk [tilespmem:v14+s20+$0x0], $0xffff  }
0x539: {  	[tilespmem:s19+$0x3380] =	vst v2;
	v60 =	vld.idx.msk [tilespmem:v24+s20+$0x0], $0xffff  }
0x53a: {  	v61 =	vld.idx.msk [tilespmem:v25+s20+$0x0], $0xffff;
	[tilespmem:s23+$0x3300] =	vst v0  }
0x53b: {  	[tilespmem:s29+$0x3300] =	vst v57;
	v0 =	vld.idx.msk [tilespmem:v56+s20+$0x0], $0xffff  }
0x53c: {  	v62 =	vld.idx.msk [tilespmem:v10+s20+$0x0], $0xffff;
	[tilespmem:s24+$0x3300] =	vst v58  }
0x53d: {  	[tilespmem:s25+$0x3300] =	vst v59;
	v63 =	vld.idx.msk [tilespmem:v49+s20+$0x0], $0xffff  }
0x53e: {  	[tilespmem:s2+$0x3380] =	vst v60;
	v1 =	vld.idx.msk [tilespmem:v55+s20+$0x0], $0xffff  }
0x53f: {  	[tilespmem:s22+$0x3380] =	vst v61  }
0x540: {  	[tilespmem:s23+$0x3380] =	vst v0  }
0x541: {  	[tilespmem:s29+$0x3380] =	vst v62  }
0x542: {  	[tilespmem:s24+$0x3380] =	vst v63  }
0x543: {  	s1 =	sadd.s32 s17, s10;
	s22 =	simm.s32 $0x12800;
	[tilespmem:s25+$0x3380] =	vst v1  }
0x544: {  	[hbm4b:s1+s3] =	stream.linear.scatter [tilespmem:s22], [sflag:$0x4], $0x1000, $0x38;
	[tilespmem:$0x16800] =	vst v63  }
0x545: {  	p0 =	seq.s32 s6, $0x18;
	s23 =	sadd.s32 s17, s11;
	s24 =	simm.s32 $0x13800  }
0x546: {  	[hbm4b:s23+s3] =	stream.linear.scatter [tilespmem:s24], [sflag:$0x4], $0x1000, $0x38;
	[tilespmem:$0x16800] =	vst v63  }
.Ltmp10:
0x547: {  	v11 =	vld [tilespmem:$0x1FFD0];
	(pc) =	sbr.rel @p0 .LBB2_19-.Ltmp10, $4  }
0x548: {  	s29 =	simm.s32 $0x14800;
	s25 =	sadd.s32 s17, s12  }
0x549: {  	[hbm4b:s25+s3] =	stream.linear.scatter [tilespmem:s29], [sflag:$0x4], $0x1000, $0x38;
	[tilespmem:$0x16800] =	vst v63  }
0x54a: {  	s30 =	sadd.s32 s17, s13;
	s31 =	simm.s32 $0x15800  }
0x54b: {  	[hbm4b:s30+s3] =	stream.linear.scatter [tilespmem:s31], [sflag:$0x4], $0x1000, $0x38;
	[tilespmem:$0x16800] =	vst v63  }
0x54c: {  	v0 =	vadd.s32 s0, v11  }
0x54d: {  	s1 =	sadd.s32 $0xFFFFFCE0, s0  }
0x54e: {  	s2 =	sadd.s32 $0xFFFFF9C0, s0;
	v1 =	vadd.s32 s1, v11  }
0x54f: {  	s30 =	sadd.s32 $0xFFFFF6A0, s0;
	v2 =	vadd.s32 s2, v11  }
0x550: {  	s31 =	sadd.s32 $0xC80, s0;
	v4 =	vadd.s32 s30, v11  }
0x551: {  	v8 =	vadd.s32 s31, v11;
	v7 =	vld.idx.msk [tilespmem:v0+s3+$0x0], $0xffff  }
0x552: {  	s16 =	sadd.s32 $0xFFFFFCE0, s31  }
0x553: {  	s14 =	sadd.s32 $0xFFFFF9C0, s31;
	v6 =	vadd.s32 s16, v11;
	v1 =	vld.idx.msk [tilespmem:v1+s3+$0x0], $0xffff  }
0x554: {  	s5 =	sadd.s32 $0xFFFFF6A0, s31;
	v5 =	vadd.s32 s14, v11;
	v0 =	vld.idx.msk [tilespmem:v2+s3+$0x0], $0xffff  }
0x555: {  	s1 =	simm.s32 $0x6620;
	v3 =	vadd.s32 s5, v11;
	v2 =	vld.idx.msk [tilespmem:v4+s3+$0x0], $0xffff  }
0x556: {  	s7 =	simm.s32 $0x8;
	s2 =	simm.s32 $0x6660;
	s5 =	sadd.s32 $0xC80, s31;
	v4 =	vld.idx.msk [tilespmem:v8+s3+$0x0], $0xffff;
	[tilespmem:s1+$0x10] =	vst v7  }
.LBB2_17:
0x557: {  	s14 =	sadd.s32 $0xFFFFF6A0, s5;
	s7 =	sadd.s32 $0x4, s7  }
0x558: {  	s16 =	sadd.s32 $0xFFFFF9C0, s5;
	s17 =	sadd.s32 $0xFFFFFCE0, s5;
	v7 =	vadd.s32 s5, v11;
	[tilespmem:s1+$0x0] =	vst v1;
	v1 =	vld.idx.msk [tilespmem:v6+s3+$0x0], $0xffff;
	p0 =	slt.u32 s7, $0x1C  }
.Ltmp11:
0x559: {  	v9 =	vmovc v0;
	v8 =	vadd.s32 s14, v11;
	v6 =	vadd.s32 s17, v11;
	v0 =	vld.idx.msk [tilespmem:v5+s3+$0x0], $0xffff;
	v5 =	vadd.s32 s16, v11;
	(pc) =	sbr.rel @p0 .LBB2_17-.Ltmp11, $3  }
0x55a: {  	[tilespmem:s1+$0xFFFFFFE0] =	vst v2;
	v2 =	vld.idx.msk [tilespmem:v3+s3+$0x0], $0xffff;
	v3 =	vmov v8  }
0x55b: {  	[tilespmem:s1+$0xFFFFFFF0] =	vst v9;
	s1 =	smov.u32 s2;
	_ =	sdelay $0x1  }
0x55c: {  	s5 =	sadd.s32 $0xC80, s5;
	s2 =	sadd.s32 $0x40, s2;
	[tilespmem:s1+$0x10] =	vst v4;
	v4 =	vld.idx.msk [tilespmem:v7+s3+$0x0], $0xffff  }
0x55d: {  	_ =	sdelay $0x1  }
0x55e: {  	s7 =	sadd.s32 $0xFFFFFCE0, s5;
	v7 =	vadd.s32 s5, v11  }
0x55f: {  	s14 =	sadd.s32 $0xFFFFF6A0, s5;
	v8 =	vadd.s32 s7, v11  }
0x560: {  	s25 =	sadd.s32 $0xFFFFF9C0, s5;
	v6 =	vld.idx.msk [tilespmem:v6+s3+$0x0], $0xffff;
	v9 =	vadd.s32 s14, v11  }
0x561: {  	[tilespmem:s1+$0x0] =	vst v1;
	v3 =	vld.idx.msk [tilespmem:v3+s3+$0x0], $0xffff;
	v60 =	vadd.s32 s25, v11  }
0x562: {  	v5 =	vld.idx.msk [tilespmem:v5+s3+$0x0], $0xffff;
	[tilespmem:s1+$0xFFFFFFF0] =	vst v0  }
0x563: {  	[tilespmem:s1+$0xFFFFFFE0] =	vst v2;
	v61 =	vld.idx.msk [tilespmem:v7+s3+$0x0], $0xffff  }
0x564: {  	[tilespmem:s2+$0x10] =	vst v4;
	v62 =	vld.idx.msk [tilespmem:v8+s3+$0x0], $0xffff  }
0x565: {  	[tilespmem:s2+$0x0] =	vst v6;
	v63 =	vld.idx.msk [tilespmem:v9+s3+$0x0], $0xffff  }
0x566: {  	[tilespmem:s2+$0xFFFFFFE0] =	vst v3;
	v1 =	vld.idx.msk [tilespmem:v60+s3+$0x0], $0xffff  }
0x567: {  	s29 =	sadd.s32 $0x40, s2;
	[tilespmem:s2+$0xFFFFFFF0] =	vst v5  }
.Ltmp12:
0x568: {  	[tilespmem:s29+$0x10] =	vst v61;
	(pc) =	sbr.rel .LBB2_6-.Ltmp12, $4  }
0x569: {  	[tilespmem:s29+$0x0] =	vst v62  }
0x56a: {  	s30 =	simm.s32 $0x200;
	s31 =	simm.s32 $0x6600;
	[tilespmem:s29+$0xFFFFFFE0] =	vst v63  }
0x56b: {  	s6 =	sadd.s32 $0x1, s6;
	s15 =	sadd.s32 $0x2, s15;
	s0 =	sadd.s32 $0x2, s0;
	[tilespmem:s29+$0xFFFFFFF0] =	vst v1  }
0x56c: {  	[tilespmem:s20], [sflag:$0x2] =	stream.indirect.gather [hbm4b:s4+s30], $0x20, s31, s30, $0xb8;
	[tilespmem:$0x16800] =	vst v63  }
.LBB2_20:
0x56d: {  	_ =	sfence.sel $0x180000  }
0x56e: {  	[bflag:$0x0] =	sbarrier.arrive $0xFFFF  }
0x56f: {  	_ =	strace $0x90000047  }
0x570: {  	s0 =	stileid.u32;
	[bflag:$0x2] =	sbarrier.arrive $0xFFFF  }
0x571: {  	p0 =	sne.s32 s0, $0x0;
	s0 =	rddreg [dreg:$0x2]  }
0x572: {  	s0 =	sadd.s32 @!p0 $0x100000, s0  }
0x573: {  	[sflag:s0] =	ssyncadd.tile.s32 @!p0 $0x1;
	_ =	shalt  }
.Lfunc_end2:
_tile_overlayer_lowered:
.L_overlay_start_2:
0x574: {  	(tag) =	ssettag $0x2  }
0x575: {  	s0 =	rddreg [dreg:$0x0];
	s2 =	stileid.u32  }
0x576: {  	s1 =	rddreg [dreg:$0x1];
	p0 =	sne.s32 s2, $0x0  }
0x577: {  	s3 =	rddreg [dreg:$0x2];
	[bflag:$0x3] =	sbarrier.arrive $0xFFFF;
	s2 =	simm.s32 @!p0 $0x1C05  }
0x578: {  	[timem:s3], [sflag:s2] =	dma.local @!p0 [hbm:s0], s1  }
0x579: {  	s0 =	simm.s32 @!p0 $0x5  }
0x57a: {  	_ =	swait.ge @!p0 [sflag:s0], s1  }
0x57b: {  	s1 =	ssub.s32 @!p0 $0x0, s1;
	[sflag:s0] =	ssyncset.done @!p0 $0x0  }
0x57c: {  	[sflag:s0] =	ssyncadd.s32 @!p0 s1  }
0x57d: {  	[bflag:$0x3] =	sbarrier.arrive $0xFFFF  }
0x57e: {  	_ =	shalt  }

</sc_bundles>
